<compile_context>
chip_gen: v7x
topology: tpu7x:2x2x1
jax: 0.10.2.dev20260603
libtpu: 0.0.44.dev20260713+nightly
codegen_flags: <defaults>
</compile_context>

<pallas_src>
import functools

import jax
import jax.numpy as jnp
from jax import lax
from jax.experimental import pallas as pl
from jax.experimental.pallas import tpu as pltpu
from jax.experimental.pallas import tpu_sc as plsc

L = 16
NC = 1
NS = 16
NW = NC * NS
N = 4 * 8192
CHUNK = N // NW
NTOK = 64
BITWORDS = 1584
OUT_CHUNKS = 4
OUT_STEP = CHUNK // OUT_CHUNKS


@functools.partial(
    pl.kernel,
    mesh=plsc.VectorSubcoreMesh(core_axis_name="c", subcore_axis_name="s", num_cores=1),
    out_type=jax.ShapeDtypeStruct((N,), jnp.float32),
    compiler_params=pltpu.CompilerParams(needs_layout_passes=False),
    scratch_types=[
        pltpu.VMEM((CHUNK,), jnp.int32),
        pltpu.VMEM((NTOK,), jnp.int32),
        pltpu.VMEM((L,), jnp.float32),
        pltpu.VMEM((BITWORDS,), jnp.int32),
        pltpu.VMEM((CHUNK,), jnp.float32),
        pltpu.SemaphoreType.DMA,
        pltpu.SemaphoreType.DMA,
        pltpu.SemaphoreType.DMA,
        pltpu.SemaphoreType.DMA,
    ],
)
def _match_sc(docs_hbm, toks_hbm, w_hbm, out_hbm,
              docs_v, toks_v, w_v, bitmap_v, out_v,
              sem_docs, sem_toks, sem_w, sem_out):
    wid = lax.axis_index("s") * NC + lax.axis_index("c")
    base = wid * CHUNK

    h_docs = pltpu.async_copy(docs_hbm.at[pl.ds(base, CHUNK)], docs_v, sem_docs)
    h_toks = pltpu.async_copy(toks_hbm, toks_v, sem_toks)
    h_w = pltpu.async_copy(w_hbm, w_v, sem_w)

    zeros_vec = jnp.zeros((L,), jnp.int32)
    for i in range(BITWORDS // L):
        bitmap_v[pl.ds(i * L, L)] = zeros_vec

    h_toks.wait()
    one = jnp.ones((L,), jnp.int32)
    for j in range(NTOK // L):
        t = toks_v[pl.ds(j * L, L)]
        widx = lax.shift_right_logical(t, 5)
        bit = lax.shift_left(one, t & 31)
        plsc.addupdate_scatter(bitmap_v, [widx], bit)

    h_w.wait()
    h_docs.wait()
    wvec = w_v[...]
    G = 32
    HALF = CHUNK // 2
    h_out0 = None
    for g in range(0, CHUNK // L, G):
        ds = [docs_v[pl.ds((g + k) * L, L)] for k in range(G)]
        words = [plsc.load_gather(bitmap_v, [lax.shift_right_logical(d, 5)])
                 for d in ds]
        for k in range(G):
            hit = lax.shift_right_logical(words[k], ds[k] & 31) & 1
            out_v[pl.ds((g + k) * L, L)] = hit.astype(jnp.float32) * wvec
        if (g + G) * L == HALF:
            h_out0 = pltpu.async_copy(out_v.at[pl.ds(0, HALF)],
                                      out_hbm.at[pl.ds(base, HALF)], sem_out)
    h_out1 = pltpu.async_copy(out_v.at[pl.ds(HALF, HALF)],
                              out_hbm.at[pl.ds(base + HALF, HALF)], sem_out)
    h_out0.wait()
    h_out1.wait()


def kernel(doc_ids, match_toks, weight):
    flat = doc_ids.reshape(-1)
    w16 = jnp.broadcast_to(weight.astype(jnp.float32), (L,))
    out = _match_sc(flat, match_toks, w16)
    return out.reshape(doc_ids.shape)

# --- scband reference (transcript-rebuilt; emitter-appended) ---
"""Pipeline reference for scband-match-70231305224415 (READ-ONLY COPY).

The authoritative reference and input builder live on the scoring server;
editing this copy changes nothing except your own understanding.
"""

import jax, jax.numpy as jnp
import numpy as np

MATCH_TOKS = [100, 101, 102, 103, 104, 105, 106, 107, 108, 109, 110, 111, 112, 113, 114, 115, 116, 117, 118, 119, 120, 121, 122, 123, 124, 125, 126, 127, 128, 129, 130, 131, 200, 300, 400, 500, 600, 700, 800, 900, 1000, 1500, 2000, 2500, 3000, 3500, 4000, 4500, 5000, 6000, 7000, 8000, 9000, 10000, 12000, 15000, 20000, 25000, 30000, 35000, 40000, 45000, 48000, 50000]


def setup_inputs(seed: int = 0) -> dict:
    key = jax.random.key(seed)
    doc_ids = jax.random.randint(key, (4, 8192), 0, 50257, dtype=jnp.int32)
    match_toks = jnp.array(sorted(set(MATCH_TOKS)), dtype=jnp.int32)
    weight = jnp.ones((1,), dtype=jnp.float32)
    return {"doc_ids": doc_ids, "match_toks": match_toks, "weight": weight}


def reference(doc_ids, match_toks, weight):
    # torch.isin(doc_ids, match_toks) -> membership test via broadcast-compare + any
    matches = (doc_ids[..., None] == match_toks[None, None, :]).any(axis=-1)
    matches = matches.astype(jnp.int32)
    # matches * self.weight : int tensor * float param -> float tensor [B, S]
    return matches.astype(jnp.float32) * weight

if __name__ == "__main__":
    import jax
    _d = setup_inputs()
    print(jax.jit(kernel)(*tuple(_d.values())))

</pallas_src>

<mosaic_0001>
#map = affine_map<(d0, d1) -> (0)>
module attributes {stable_mosaic.version = 14 : i64} {
  func.func @_match_sc(%arg0: i32, %arg1: i32, %arg2: memref<32768xi32, #tpu.memory_space<hbm>>, %arg3: memref<64xi32, #tpu.memory_space<hbm>>, %arg4: memref<16xf32, #tpu.memory_space<hbm>>, %arg5: memref<32768xf32, #tpu.memory_space<hbm>>, %arg6: memref<2048xi32, #tpu.memory_space<vmem>>, %arg7: memref<64xi32, #tpu.memory_space<vmem>>, %arg8: memref<16xf32, #tpu.memory_space<vmem>>, %arg9: memref<1584xi32, #tpu.memory_space<vmem>>, %arg10: memref<2048xf32, #tpu.memory_space<vmem>>, %arg11: memref<!tpu.dma_semaphore, #tpu.memory_space<semaphore_mem>>, %arg12: memref<!tpu.dma_semaphore, #tpu.memory_space<semaphore_mem>>, %arg13: memref<!tpu.dma_semaphore, #tpu.memory_space<semaphore_mem>>, %arg14: memref<!tpu.dma_semaphore, #tpu.memory_space<semaphore_mem>>) attributes {dimension_semantics = [#tpu.dimension_semantics<core_parallel>, #tpu.dimension_semantics<subcore_parallel>], iteration_bounds = array<i64: 1, 16>, scalar_prefetch = 0 : i64, scratch_operands = 9 : i64, tpu.core_type = #tpu.core_type<sc_vector_subcore>, window_params = [{transform_indices = #map}, {transform_indices = #map}, {transform_indices = #map}, {transform_indices = #map}]} {
    %mul3A = arith.constant 1 : i32
    %mul3A_0 = arith.muli %arg1, %mul3A : i32
    %add3A = arith.addi %mul3A_0, %arg0 : i32
    %mul3A_1 = arith.constant 2048 : i32
    %mul3A_2 = arith.muli %add3A, %mul3A_1 : i32
    %dma_start3A = tpu.memref_slice %arg2[%mul3A_2] : memref<32768xi32, #tpu.memory_space<hbm>> -> memref<2048xi32, #tpu.memory_space<hbm>>
    %dma_start3A_3 = tpu.memref_slice %arg2[%mul3A_2] : memref<32768xi32, #tpu.memory_space<hbm>> -> memref<2048xi32, #tpu.memory_space<hbm>>
    tpu.enqueue_dma source(%dma_start3A_3 : memref<2048xi32, #tpu.memory_space<hbm>>) target(%arg6 : memref<2048xi32, #tpu.memory_space<vmem>>) target_semaphore(%arg11 : memref<!tpu.dma_semaphore, #tpu.memory_space<semaphore_mem>>)
    tpu.enqueue_dma source(%arg3 : memref<64xi32, #tpu.memory_space<hbm>>) target(%arg7 : memref<64xi32, #tpu.memory_space<vmem>>) target_semaphore(%arg12 : memref<!tpu.dma_semaphore, #tpu.memory_space<semaphore_mem>>)
    tpu.enqueue_dma source(%arg4 : memref<16xf32, #tpu.memory_space<hbm>>) target(%arg8 : memref<16xf32, #tpu.memory_space<vmem>>) target_semaphore(%arg13 : memref<!tpu.dma_semaphore, #tpu.memory_space<semaphore_mem>>)
    %broadcast_in_dim3A = arith.constant 0 : i32
    %broadcast_in_dim3A_4 = vector.broadcast %broadcast_in_dim3A : i32 to vector<16xi32>
    %swap3A = arith.constant 0 : index
    %swap3A_5 = tpu.vector_load %arg9[%swap3A] {strides = array<i32>} : memref<1584xi32, #tpu.memory_space<vmem>>, vector<16xi32>,
    tpu.vector_store %arg9[%swap3A], %broadcast_in_dim3A_4 {strides = array<i32>} : memref<1584xi32, #tpu.memory_space<vmem>>, vector<16xi32>,
    %swap3A_6 = arith.constant 16 : index
    %swap3A_7 = tpu.vector_load %arg9[%swap3A_6] {strides = array<i32>} : memref<1584xi32, #tpu.memory_space<vmem>>, vector<16xi32>,
    tpu.vector_store %arg9[%swap3A_6], %broadcast_in_dim3A_4 {strides = array<i32>} : memref<1584xi32, #tpu.memory_space<vmem>>, vector<16xi32>,
    %swap3A_8 = arith.constant 32 : index
    %swap3A_9 = tpu.vector_load %arg9[%swap3A_8] {strides = array<i32>} : memref<1584xi32, #tpu.memory_space<vmem>>, vector<16xi32>,
    tpu.vector_store %arg9[%swap3A_8], %broadcast_in_dim3A_4 {strides = array<i32>} : memref<1584xi32, #tpu.memory_space<vmem>>, vector<16xi32>,
    %swap3A_10 = arith.constant 48 : index
    %swap3A_11 = tpu.vector_load %arg9[%swap3A_10] {strides = array<i32>} : memref<1584xi32, #tpu.memory_space<vmem>>, vector<16xi32>,
    tpu.vector_store %arg9[%swap3A_10], %broadcast_in_dim3A_4 {strides = array<i32>} : memref<1584xi32, #tpu.memory_space<vmem>>, vector<16xi32>,
    %swap3A_12 = arith.constant 64 : index
    %swap3A_13 = tpu.vector_load %arg9[%swap3A_12] {strides = array<i32>} : memref<1584xi32, #tpu.memory_space<vmem>>, vector<16xi32>,
    tpu.vector_store %arg9[%swap3A_12], %broadcast_in_dim3A_4 {strides = array<i32>} : memref<1584xi32, #tpu.memory_space<vmem>>, vector<16xi32>,
    %swap3A_14 = arith.constant 80 : index
    %swap3A_15 = tpu.vector_load %arg9[%swap3A_14] {strides = array<i32>} : memref<1584xi32, #tpu.memory_space<vmem>>, vector<16xi32>,
    tpu.vector_store %arg9[%swap3A_14], %broadcast_in_dim3A_4 {strides = array<i32>} : memref<1584xi32, #tpu.memory_space<vmem>>, vector<16xi32>,
    %swap3A_16 = arith.constant 96 : index
    %swap3A_17 = tpu.vector_load %arg9[%swap3A_16] {strides = array<i32>} : memref<1584xi32, #tpu.memory_space<vmem>>, vector<16xi32>,
    tpu.vector_store %arg9[%swap3A_16], %broadcast_in_dim3A_4 {strides = array<i32>} : memref<1584xi32, #tpu.memory_space<vmem>>, vector<16xi32>,
    %swap3A_18 = arith.constant 112 : index
    %swap3A_19 = tpu.vector_load %arg9[%swap3A_18] {strides = array<i32>} : memref<1584xi32, #tpu.memory_space<vmem>>, vector<16xi32>,
    tpu.vector_store %arg9[%swap3A_18], %broadcast_in_dim3A_4 {strides = array<i32>} : memref<1584xi32, #tpu.memory_space<vmem>>, vector<16xi32>,
    %swap3A_20 = arith.constant 128 : index
    %swap3A_21 = tpu.vector_load %arg9[%swap3A_20] {strides = array<i32>} : memref<1584xi32, #tpu.memory_space<vmem>>, vector<16xi32>,
    tpu.vector_store %arg9[%swap3A_20], %broadcast_in_dim3A_4 {strides = array<i32>} : memref<1584xi32, #tpu.memory_space<vmem>>, vector<16xi32>,
    %swap3A_22 = arith.constant 144 : index
    %swap3A_23 = tpu.vector_load %arg9[%swap3A_22] {strides = array<i32>} : memref<1584xi32, #tpu.memory_space<vmem>>, vector<16xi32>,
    tpu.vector_store %arg9[%swap3A_22], %broadcast_in_dim3A_4 {strides = array<i32>} : memref<1584xi32, #tpu.memory_space<vmem>>, vector<16xi32>,
    %swap3A_24 = arith.constant 160 : index
    %swap3A_25 = tpu.vector_load %arg9[%swap3A_24] {strides = array<i32>} : memref<1584xi32, #tpu.memory_space<vmem>>, vector<16xi32>,
    tpu.vector_store %arg9[%swap3A_24], %broadcast_in_dim3A_4 {strides = array<i32>} : memref<1584xi32, #tpu.memory_space<vmem>>, vector<16xi32>,
    %swap3A_26 = arith.constant 176 : index
    %swap3A_27 = tpu.vector_load %arg9[%swap3A_26] {strides = array<i32>} : memref<1584xi32, #tpu.memory_space<vmem>>, vector<16xi32>,
    tpu.vector_store %arg9[%swap3A_26], %broadcast_in_dim3A_4 {strides = array<i32>} : memref<1584xi32, #tpu.memory_space<vmem>>, vector<16xi32>,
    %swap3A_28 = arith.constant 192 : index
    %swap3A_29 = tpu.vector_load %arg9[%swap3A_28] {strides = array<i32>} : memref<1584xi32, #tpu.memory_space<vmem>>, vector<16xi32>,
    tpu.vector_store %arg9[%swap3A_28], %broadcast_in_dim3A_4 {strides = array<i32>} : memref<1584xi32, #tpu.memory_space<vmem>>, vector<16xi32>,
    %swap3A_30 = arith.constant 208 : index
    %swap3A_31 = tpu.vector_load %arg9[%swap3A_30] {strides = array<i32>} : memref<1584xi32, #tpu.memory_space<vmem>>, vector<16xi32>,
    tpu.vector_store %arg9[%swap3A_30], %broadcast_in_dim3A_4 {strides = array<i32>} : memref<1584xi32, #tpu.memory_space<vmem>>, vector<16xi32>,
    %swap3A_32 = arith.constant 224 : index
    %swap3A_33 = tpu.vector_load %arg9[%swap3A_32] {strides = array<i32>} : memref<1584xi32, #tpu.memory_space<vmem>>, vector<16xi32>,
    tpu.vector_store %arg9[%swap3A_32], %broadcast_in_dim3A_4 {strides = array<i32>} : memref<1584xi32, #tpu.memory_space<vmem>>, vector<16xi32>,
    %swap3A_34 = arith.constant 240 : index
    %swap3A_35 = tpu.vector_load %arg9[%swap3A_34] {strides = array<i32>} : memref<1584xi32, #tpu.memory_space<vmem>>, vector<16xi32>,
    tpu.vector_store %arg9[%swap3A_34], %broadcast_in_dim3A_4 {strides = array<i32>} : memref<1584xi32, #tpu.memory_space<vmem>>, vector<16xi32>,
    %swap3A_36 = arith.constant 256 : index
    %swap3A_37 = tpu.vector_load %arg9[%swap3A_36] {strides = array<i32>} : memref<1584xi32, #tpu.memory_space<vmem>>, vector<16xi32>,
    tpu.vector_store %arg9[%swap3A_36], %broadcast_in_dim3A_4 {strides = array<i32>} : memref<1584xi32, #tpu.memory_space<vmem>>, vector<16xi32>,
    %swap3A_38 = arith.constant 272 : index
    %swap3A_39 = tpu.vector_load %arg9[%swap3A_38] {strides = array<i32>} : memref<1584xi32, #tpu.memory_space<vmem>>, vector<16xi32>,
    tpu.vector_store %arg9[%swap3A_38], %broadcast_in_dim3A_4 {strides = array<i32>} : memref<1584xi32, #tpu.memory_space<vmem>>, vector<16xi32>,
    %swap3A_40 = arith.constant 288 : index
    %swap3A_41 = tpu.vector_load %arg9[%swap3A_40] {strides = array<i32>} : memref<1584xi32, #tpu.memory_space<vmem>>, vector<16xi32>,
    tpu.vector_store %arg9[%swap3A_40], %broadcast_in_dim3A_4 {strides = array<i32>} : memref<1584xi32, #tpu.memory_space<vmem>>, vector<16xi32>,
    %swap3A_42 = arith.constant 304 : index
    %swap3A_43 = tpu.vector_load %arg9[%swap3A_42] {strides = array<i32>} : memref<1584xi32, #tpu.memory_space<vmem>>, vector<16xi32>,
    tpu.vector_store %arg9[%swap3A_42], %broadcast_in_dim3A_4 {strides = array<i32>} : memref<1584xi32, #tpu.memory_space<vmem>>, vector<16xi32>,
    %swap3A_44 = arith.constant 320 : index
    %swap3A_45 = tpu.vector_load %arg9[%swap3A_44] {strides = array<i32>} : memref<1584xi32, #tpu.memory_space<vmem>>, vector<16xi32>,
    tpu.vector_store %arg9[%swap3A_44], %broadcast_in_dim3A_4 {strides = array<i32>} : memref<1584xi32, #tpu.memory_space<vmem>>, vector<16xi32>,
    %swap3A_46 = arith.constant 336 : index
    %swap3A_47 = tpu.vector_load %arg9[%swap3A_46] {strides = array<i32>} : memref<1584xi32, #tpu.memory_space<vmem>>, vector<16xi32>,
    tpu.vector_store %arg9[%swap3A_46], %broadcast_in_dim3A_4 {strides = array<i32>} : memref<1584xi32, #tpu.memory_space<vmem>>, vector<16xi32>,
    %swap3A_48 = arith.constant 352 : index
    %swap3A_49 = tpu.vector_load %arg9[%swap3A_48] {strides = array<i32>} : memref<1584xi32, #tpu.memory_space<vmem>>, vector<16xi32>,
    tpu.vector_store %arg9[%swap3A_48], %broadcast_in_dim3A_4 {strides = array<i32>} : memref<1584xi32, #tpu.memory_space<vmem>>, vector<16xi32>,
    %swap3A_50 = arith.constant 368 : index
    %swap3A_51 = tpu.vector_load %arg9[%swap3A_50] {strides = array<i32>} : memref<1584xi32, #tpu.memory_space<vmem>>, vector<16xi32>,
    tpu.vector_store %arg9[%swap3A_50], %broadcast_in_dim3A_4 {strides = array<i32>} : memref<1584xi32, #tpu.memory_space<vmem>>, vector<16xi32>,
    %swap3A_52 = arith.constant 384 : index
    %swap3A_53 = tpu.vector_load %arg9[%swap3A_52] {strides = array<i32>} : memref<1584xi32, #tpu.memory_space<vmem>>, vector<16xi32>,
    tpu.vector_store %arg9[%swap3A_52], %broadcast_in_dim3A_4 {strides = array<i32>} : memref<1584xi32, #tpu.memory_space<vmem>>, vector<16xi32>,
    %swap3A_54 = arith.constant 400 : index
    %swap3A_55 = tpu.vector_load %arg9[%swap3A_54] {strides = array<i32>} : memref<1584xi32, #tpu.memory_space<vmem>>, vector<16xi32>,
    tpu.vector_store %arg9[%swap3A_54], %broadcast_in_dim3A_4 {strides = array<i32>} : memref<1584xi32, #tpu.memory_space<vmem>>, vector<16xi32>,
    %swap3A_56 = arith.constant 416 : index
    %swap3A_57 = tpu.vector_load %arg9[%swap3A_56] {strides = array<i32>} : memref<1584xi32, #tpu.memory_space<vmem>>, vector<16xi32>,
    tpu.vector_store %arg9[%swap3A_56], %broadcast_in_dim3A_4 {strides = array<i32>} : memref<1584xi32, #tpu.memory_space<vmem>>, vector<16xi32>,
    %swap3A_58 = arith.constant 432 : index
    %swap3A_59 = tpu.vector_load %arg9[%swap3A_58] {strides = array<i32>} : memref<1584xi32, #tpu.memory_space<vmem>>, vector<16xi32>,
    tpu.vector_store %arg9[%swap3A_58], %broadcast_in_dim3A_4 {strides = array<i32>} : memref<1584xi32, #tpu.memory_space<vmem>>, vector<16xi32>,
    %swap3A_60 = arith.constant 448 : index
    %swap3A_61 = tpu.vector_load %arg9[%swap3A_60] {strides = array<i32>} : memref<1584xi32, #tpu.memory_space<vmem>>, vector<16xi32>,
    tpu.vector_store %arg9[%swap3A_60], %broadcast_in_dim3A_4 {strides = array<i32>} : memref<1584xi32, #tpu.memory_space<vmem>>, vector<16xi32>,
    %swap3A_62 = arith.constant 464 : index
    %swap3A_63 = tpu.vector_load %arg9[%swap3A_62] {strides = array<i32>} : memref<1584xi32, #tpu.memory_space<vmem>>, vector<16xi32>,
    tpu.vector_store %arg9[%swap3A_62], %broadcast_in_dim3A_4 {strides = array<i32>} : memref<1584xi32, #tpu.memory_space<vmem>>, vector<16xi32>,
    %swap3A_64 = arith.constant 480 : index
    %swap3A_65 = tpu.vector_load %arg9[%swap3A_64] {strides = array<i32>} : memref<1584xi32, #tpu.memory_space<vmem>>, vector<16xi32>,
    tpu.vector_store %arg9[%swap3A_64], %broadcast_in_dim3A_4 {strides = array<i32>} : memref<1584xi32, #tpu.memory_space<vmem>>, vector<16xi32>,
    %swap3A_66 = arith.constant 496 : index
    %swap3A_67 = tpu.vector_load %arg9[%swap3A_66] {strides = array<i32>} : memref<1584xi32, #tpu.memory_space<vmem>>, vector<16xi32>,
    tpu.vector_store %arg9[%swap3A_66], %broadcast_in_dim3A_4 {strides = array<i32>} : memref<1584xi32, #tpu.memory_space<vmem>>, vector<16xi32>,
    %swap3A_68 = arith.constant 512 : index
    %swap3A_69 = tpu.vector_load %arg9[%swap3A_68] {strides = array<i32>} : memref<1584xi32, #tpu.memory_space<vmem>>, vector<16xi32>,
    tpu.vector_store %arg9[%swap3A_68], %broadcast_in_dim3A_4 {strides = array<i32>} : memref<1584xi32, #tpu.memory_space<vmem>>, vector<16xi32>,
    %swap3A_70 = arith.constant 528 : index
    %swap3A_71 = tpu.vector_load %arg9[%swap3A_70] {strides = array<i32>} : memref<1584xi32, #tpu.memory_space<vmem>>, vector<16xi32>,
    tpu.vector_store %arg9[%swap3A_70], %broadcast_in_dim3A_4 {strides = array<i32>} : memref<1584xi32, #tpu.memory_space<vmem>>, vector<16xi32>,
    %swap3A_72 = arith.constant 544 : index
    %swap3A_73 = tpu.vector_load %arg9[%swap3A_72] {strides = array<i32>} : memref<1584xi32, #tpu.memory_space<vmem>>, vector<16xi32>,
    tpu.vector_store %arg9[%swap3A_72], %broadcast_in_dim3A_4 {strides = array<i32>} : memref<1584xi32, #tpu.memory_space<vmem>>, vector<16xi32>,
    %swap3A_74 = arith.constant 560 : index
    %swap3A_75 = tpu.vector_load %arg9[%swap3A_74] {strides = array<i32>} : memref<1584xi32, #tpu.memory_space<vmem>>, vector<16xi32>,
    tpu.vector_store %arg9[%swap3A_74], %broadcast_in_dim3A_4 {strides = array<i32>} : memref<1584xi32, #tpu.memory_space<vmem>>, vector<16xi32>,
    %swap3A_76 = arith.constant 576 : index
    %swap3A_77 = tpu.vector_load %arg9[%swap3A_76] {strides = array<i32>} : memref<1584xi32, #tpu.memory_space<vmem>>, vector<16xi32>,
    tpu.vector_store %arg9[%swap3A_76], %broadcast_in_dim3A_4 {strides = array<i32>} : memref<1584xi32, #tpu.memory_space<vmem>>, vector<16xi32>,
    %swap3A_78 = arith.constant 592 : index
    %swap3A_79 = tpu.vector_load %arg9[%swap3A_78] {strides = array<i32>} : memref<1584xi32, #tpu.memory_space<vmem>>, vector<16xi32>,
    tpu.vector_store %arg9[%swap3A_78], %broadcast_in_dim3A_4 {strides = array<i32>} : memref<1584xi32, #tpu.memory_space<vmem>>, vector<16xi32>,
    %swap3A_80 = arith.constant 608 : index
    %swap3A_81 = tpu.vector_load %arg9[%swap3A_80] {strides = array<i32>} : memref<1584xi32, #tpu.memory_space<vmem>>, vector<16xi32>,
    tpu.vector_store %arg9[%swap3A_80], %broadcast_in_dim3A_4 {strides = array<i32>} : memref<1584xi32, #tpu.memory_space<vmem>>, vector<16xi32>,
    %swap3A_82 = arith.constant 624 : index
    %swap3A_83 = tpu.vector_load %arg9[%swap3A_82] {strides = array<i32>} : memref<1584xi32, #tpu.memory_space<vmem>>, vector<16xi32>,
    tpu.vector_store %arg9[%swap3A_82], %broadcast_in_dim3A_4 {strides = array<i32>} : memref<1584xi32, #tpu.memory_space<vmem>>, vector<16xi32>,
    %swap3A_84 = arith.constant 640 : index
    %swap3A_85 = tpu.vector_load %arg9[%swap3A_84] {strides = array<i32>} : memref<1584xi32, #tpu.memory_space<vmem>>, vector<16xi32>,
    tpu.vector_store %arg9[%swap3A_84], %broadcast_in_dim3A_4 {strides = array<i32>} : memref<1584xi32, #tpu.memory_space<vmem>>, vector<16xi32>,
    %swap3A_86 = arith.constant 656 : index
    %swap3A_87 = tpu.vector_load %arg9[%swap3A_86] {strides = array<i32>} : memref<1584xi32, #tpu.memory_space<vmem>>, vector<16xi32>,
    tpu.vector_store %arg9[%swap3A_86], %broadcast_in_dim3A_4 {strides = array<i32>} : memref<1584xi32, #tpu.memory_space<vmem>>, vector<16xi32>,
    %swap3A_88 = arith.constant 672 : index
    %swap3A_89 = tpu.vector_load %arg9[%swap3A_88] {strides = array<i32>} : memref<1584xi32, #tpu.memory_space<vmem>>, vector<16xi32>,
    tpu.vector_store %arg9[%swap3A_88], %broadcast_in_dim3A_4 {strides = array<i32>} : memref<1584xi32, #tpu.memory_space<vmem>>, vector<16xi32>,
    %swap3A_90 = arith.constant 688 : index
    %swap3A_91 = tpu.vector_load %arg9[%swap3A_90] {strides = array<i32>} : memref<1584xi32, #tpu.memory_space<vmem>>, vector<16xi32>,
    tpu.vector_store %arg9[%swap3A_90], %broadcast_in_dim3A_4 {strides = array<i32>} : memref<1584xi32, #tpu.memory_space<vmem>>, vector<16xi32>,
    %swap3A_92 = arith.constant 704 : index
    %swap3A_93 = tpu.vector_load %arg9[%swap3A_92] {strides = array<i32>} : memref<1584xi32, #tpu.memory_space<vmem>>, vector<16xi32>,
    tpu.vector_store %arg9[%swap3A_92], %broadcast_in_dim3A_4 {strides = array<i32>} : memref<1584xi32, #tpu.memory_space<vmem>>, vector<16xi32>,
    %swap3A_94 = arith.constant 720 : index
    %swap3A_95 = tpu.vector_load %arg9[%swap3A_94] {strides = array<i32>} : memref<1584xi32, #tpu.memory_space<vmem>>, vector<16xi32>,
    tpu.vector_store %arg9[%swap3A_94], %broadcast_in_dim3A_4 {strides = array<i32>} : memref<1584xi32, #tpu.memory_space<vmem>>, vector<16xi32>,
    %swap3A_96 = arith.constant 736 : index
    %swap3A_97 = tpu.vector_load %arg9[%swap3A_96] {strides = array<i32>} : memref<1584xi32, #tpu.memory_space<vmem>>, vector<16xi32>,
    tpu.vector_store %arg9[%swap3A_96], %broadcast_in_dim3A_4 {strides = array<i32>} : memref<1584xi32, #tpu.memory_space<vmem>>, vector<16xi32>,
    %swap3A_98 = arith.constant 752 : index
    %swap3A_99 = tpu.vector_load %arg9[%swap3A_98] {strides = array<i32>} : memref<1584xi32, #tpu.memory_space<vmem>>, vector<16xi32>,
    tpu.vector_store %arg9[%swap3A_98], %broadcast_in_dim3A_4 {strides = array<i32>} : memref<1584xi32, #tpu.memory_space<vmem>>, vector<16xi32>,
    %swap3A_100 = arith.constant 768 : index
    %swap3A_101 = tpu.vector_load %arg9[%swap3A_100] {strides = array<i32>} : memref<1584xi32, #tpu.memory_space<vmem>>, vector<16xi32>,
    tpu.vector_store %arg9[%swap3A_100], %broadcast_in_dim3A_4 {strides = array<i32>} : memref<1584xi32, #tpu.memory_space<vmem>>, vector<16xi32>,
    %swap3A_102 = arith.constant 784 : index
    %swap3A_103 = tpu.vector_load %arg9[%swap3A_102] {strides = array<i32>} : memref<1584xi32, #tpu.memory_space<vmem>>, vector<16xi32>,
    tpu.vector_store %arg9[%swap3A_102], %broadcast_in_dim3A_4 {strides = array<i32>} : memref<1584xi32, #tpu.memory_space<vmem>>, vector<16xi32>,
    %swap3A_104 = arith.constant 800 : index
    %swap3A_105 = tpu.vector_load %arg9[%swap3A_104] {strides = array<i32>} : memref<1584xi32, #tpu.memory_space<vmem>>, vector<16xi32>,
    tpu.vector_store %arg9[%swap3A_104], %broadcast_in_dim3A_4 {strides = array<i32>} : memref<1584xi32, #tpu.memory_space<vmem>>, vector<16xi32>,
    %swap3A_106 = arith.constant 816 : index
    %swap3A_107 = tpu.vector_load %arg9[%swap3A_106] {strides = array<i32>} : memref<1584xi32, #tpu.memory_space<vmem>>, vector<16xi32>,
    tpu.vector_store %arg9[%swap3A_106], %broadcast_in_dim3A_4 {strides = array<i32>} : memref<1584xi32, #tpu.memory_space<vmem>>, vector<16xi32>,
    %swap3A_108 = arith.constant 832 : index
    %swap3A_109 = tpu.vector_load %arg9[%swap3A_108] {strides = array<i32>} : memref<1584xi32, #tpu.memory_space<vmem>>, vector<16xi32>,
    tpu.vector_store %arg9[%swap3A_108], %broadcast_in_dim3A_4 {strides = array<i32>} : memref<1584xi32, #tpu.memory_space<vmem>>, vector<16xi32>,
    %swap3A_110 = arith.constant 848 : index
    %swap3A_111 = tpu.vector_load %arg9[%swap3A_110] {strides = array<i32>} : memref<1584xi32, #tpu.memory_space<vmem>>, vector<16xi32>,
    tpu.vector_store %arg9[%swap3A_110], %broadcast_in_dim3A_4 {strides = array<i32>} : memref<1584xi32, #tpu.memory_space<vmem>>, vector<16xi32>,
    %swap3A_112 = arith.constant 864 : index
    %swap3A_113 = tpu.vector_load %arg9[%swap3A_112] {strides = array<i32>} : memref<1584xi32, #tpu.memory_space<vmem>>, vector<16xi32>,
    tpu.vector_store %arg9[%swap3A_112], %broadcast_in_dim3A_4 {strides = array<i32>} : memref<1584xi32, #tpu.memory_space<vmem>>, vector<16xi32>,
    %swap3A_114 = arith.constant 880 : index
    %swap3A_115 = tpu.vector_load %arg9[%swap3A_114] {strides = array<i32>} : memref<1584xi32, #tpu.memory_space<vmem>>, vector<16xi32>,
    tpu.vector_store %arg9[%swap3A_114], %broadcast_in_dim3A_4 {strides = array<i32>} : memref<1584xi32, #tpu.memory_space<vmem>>, vector<16xi32>,
    %swap3A_116 = arith.constant 896 : index
    %swap3A_117 = tpu.vector_load %arg9[%swap3A_116] {strides = array<i32>} : memref<1584xi32, #tpu.memory_space<vmem>>, vector<16xi32>,
    tpu.vector_store %arg9[%swap3A_116], %broadcast_in_dim3A_4 {strides = array<i32>} : memref<1584xi32, #tpu.memory_space<vmem>>, vector<16xi32>,
    %swap3A_118 = arith.constant 912 : index
    %swap3A_119 = tpu.vector_load %arg9[%swap3A_118] {strides = array<i32>} : memref<1584xi32, #tpu.memory_space<vmem>>, vector<16xi32>,
    tpu.vector_store %arg9[%swap3A_118], %broadcast_in_dim3A_4 {strides = array<i32>} : memref<1584xi32, #tpu.memory_space<vmem>>, vector<16xi32>,
    %swap3A_120 = arith.constant 928 : index
    %swap3A_121 = tpu.vector_load %arg9[%swap3A_120] {strides = array<i32>} : memref<1584xi32, #tpu.memory_space<vmem>>, vector<16xi32>,
    tpu.vector_store %arg9[%swap3A_120], %broadcast_in_dim3A_4 {strides = array<i32>} : memref<1584xi32, #tpu.memory_space<vmem>>, vector<16xi32>,
    %swap3A_122 = arith.constant 944 : index
    %swap3A_123 = tpu.vector_load %arg9[%swap3A_122] {strides = array<i32>} : memref<1584xi32, #tpu.memory_space<vmem>>, vector<16xi32>,
    tpu.vector_store %arg9[%swap3A_122], %broadcast_in_dim3A_4 {strides = array<i32>} : memref<1584xi32, #tpu.memory_space<vmem>>, vector<16xi32>,
    %swap3A_124 = arith.constant 960 : index
    %swap3A_125 = tpu.vector_load %arg9[%swap3A_124] {strides = array<i32>} : memref<1584xi32, #tpu.memory_space<vmem>>, vector<16xi32>,
    tpu.vector_store %arg9[%swap3A_124], %broadcast_in_dim3A_4 {strides = array<i32>} : memref<1584xi32, #tpu.memory_space<vmem>>, vector<16xi32>,
    %swap3A_126 = arith.constant 976 : index
    %swap3A_127 = tpu.vector_load %arg9[%swap3A_126] {strides = array<i32>} : memref<1584xi32, #tpu.memory_space<vmem>>, vector<16xi32>,
    tpu.vector_store %arg9[%swap3A_126], %broadcast_in_dim3A_4 {strides = array<i32>} : memref<1584xi32, #tpu.memory_space<vmem>>, vector<16xi32>,
    %swap3A_128 = arith.constant 992 : index
    %swap3A_129 = tpu.vector_load %arg9[%swap3A_128] {strides = array<i32>} : memref<1584xi32, #tpu.memory_space<vmem>>, vector<16xi32>,
    tpu.vector_store %arg9[%swap3A_128], %broadcast_in_dim3A_4 {strides = array<i32>} : memref<1584xi32, #tpu.memory_space<vmem>>, vector<16xi32>,
    %swap3A_130 = arith.constant 1008 : index
    %swap3A_131 = tpu.vector_load %arg9[%swap3A_130] {strides = array<i32>} : memref<1584xi32, #tpu.memory_space<vmem>>, vector<16xi32>,
    tpu.vector_store %arg9[%swap3A_130], %broadcast_in_dim3A_4 {strides = array<i32>} : memref<1584xi32, #tpu.memory_space<vmem>>, vector<16xi32>,
    %swap3A_132 = arith.constant 1024 : index
    %swap3A_133 = tpu.vector_load %arg9[%swap3A_132] {strides = array<i32>} : memref<1584xi32, #tpu.memory_space<vmem>>, vector<16xi32>,
    tpu.vector_store %arg9[%swap3A_132], %broadcast_in_dim3A_4 {strides = array<i32>} : memref<1584xi32, #tpu.memory_space<vmem>>, vector<16xi32>,
    %swap3A_134 = arith.constant 1040 : index
    %swap3A_135 = tpu.vector_load %arg9[%swap3A_134] {strides = array<i32>} : memref<1584xi32, #tpu.memory_space<vmem>>, vector<16xi32>,
    tpu.vector_store %arg9[%swap3A_134], %broadcast_in_dim3A_4 {strides = array<i32>} : memref<1584xi32, #tpu.memory_space<vmem>>, vector<16xi32>,
    %swap3A_136 = arith.constant 1056 : index
    %swap3A_137 = tpu.vector_load %arg9[%swap3A_136] {strides = array<i32>} : memref<1584xi32, #tpu.memory_space<vmem>>, vector<16xi32>,
    tpu.vector_store %arg9[%swap3A_136], %broadcast_in_dim3A_4 {strides = array<i32>} : memref<1584xi32, #tpu.memory_space<vmem>>, vector<16xi32>,
    %swap3A_138 = arith.constant 1072 : index
    %swap3A_139 = tpu.vector_load %arg9[%swap3A_138] {strides = array<i32>} : memref<1584xi32, #tpu.memory_space<vmem>>, vector<16xi32>,
    tpu.vector_store %arg9[%swap3A_138], %broadcast_in_dim3A_4 {strides = array<i32>} : memref<1584xi32, #tpu.memory_space<vmem>>, vector<16xi32>,
    %swap3A_140 = arith.constant 1088 : index
    %swap3A_141 = tpu.vector_load %arg9[%swap3A_140] {strides = array<i32>} : memref<1584xi32, #tpu.memory_space<vmem>>, vector<16xi32>,
    tpu.vector_store %arg9[%swap3A_140], %broadcast_in_dim3A_4 {strides = array<i32>} : memref<1584xi32, #tpu.memory_space<vmem>>, vector<16xi32>,
    %swap3A_142 = arith.constant 1104 : index
    %swap3A_143 = tpu.vector_load %arg9[%swap3A_142] {strides = array<i32>} : memref<1584xi32, #tpu.memory_space<vmem>>, vector<16xi32>,
    tpu.vector_store %arg9[%swap3A_142], %broadcast_in_dim3A_4 {strides = array<i32>} : memref<1584xi32, #tpu.memory_space<vmem>>, vector<16xi32>,
    %swap3A_144 = arith.constant 1120 : index
    %swap3A_145 = tpu.vector_load %arg9[%swap3A_144] {strides = array<i32>} : memref<1584xi32, #tpu.memory_space<vmem>>, vector<16xi32>,
    tpu.vector_store %arg9[%swap3A_144], %broadcast_in_dim3A_4 {strides = array<i32>} : memref<1584xi32, #tpu.memory_space<vmem>>, vector<16xi32>,
    %swap3A_146 = arith.constant 1136 : index
    %swap3A_147 = tpu.vector_load %arg9[%swap3A_146] {strides = array<i32>} : memref<1584xi32, #tpu.memory_space<vmem>>, vector<16xi32>,
    tpu.vector_store %arg9[%swap3A_146], %broadcast_in_dim3A_4 {strides = array<i32>} : memref<1584xi32, #tpu.memory_space<vmem>>, vector<16xi32>,
    %swap3A_148 = arith.constant 1152 : index
    %swap3A_149 = tpu.vector_load %arg9[%swap3A_148] {strides = array<i32>} : memref<1584xi32, #tpu.memory_space<vmem>>, vector<16xi32>,
    tpu.vector_store %arg9[%swap3A_148], %broadcast_in_dim3A_4 {strides = array<i32>} : memref<1584xi32, #tpu.memory_space<vmem>>, vector<16xi32>,
    %swap3A_150 = arith.constant 1168 : index
    %swap3A_151 = tpu.vector_load %arg9[%swap3A_150] {strides = array<i32>} : memref<1584xi32, #tpu.memory_space<vmem>>, vector<16xi32>,
    tpu.vector_store %arg9[%swap3A_150], %broadcast_in_dim3A_4 {strides = array<i32>} : memref<1584xi32, #tpu.memory_space<vmem>>, vector<16xi32>,
    %swap3A_152 = arith.constant 1184 : index
    %swap3A_153 = tpu.vector_load %arg9[%swap3A_152] {strides = array<i32>} : memref<1584xi32, #tpu.memory_space<vmem>>, vector<16xi32>,
    tpu.vector_store %arg9[%swap3A_152], %broadcast_in_dim3A_4 {strides = array<i32>} : memref<1584xi32, #tpu.memory_space<vmem>>, vector<16xi32>,
    %swap3A_154 = arith.constant 1200 : index
    %swap3A_155 = tpu.vector_load %arg9[%swap3A_154] {strides = array<i32>} : memref<1584xi32, #tpu.memory_space<vmem>>, vector<16xi32>,
    tpu.vector_store %arg9[%swap3A_154], %broadcast_in_dim3A_4 {strides = array<i32>} : memref<1584xi32, #tpu.memory_space<vmem>>, vector<16xi32>,
    %swap3A_156 = arith.constant 1216 : index
    %swap3A_157 = tpu.vector_load %arg9[%swap3A_156] {strides = array<i32>} : memref<1584xi32, #tpu.memory_space<vmem>>, vector<16xi32>,
    tpu.vector_store %arg9[%swap3A_156], %broadcast_in_dim3A_4 {strides = array<i32>} : memref<1584xi32, #tpu.memory_space<vmem>>, vector<16xi32>,
    %swap3A_158 = arith.constant 1232 : index
    %swap3A_159 = tpu.vector_load %arg9[%swap3A_158] {strides = array<i32>} : memref<1584xi32, #tpu.memory_space<vmem>>, vector<16xi32>,
    tpu.vector_store %arg9[%swap3A_158], %broadcast_in_dim3A_4 {strides = array<i32>} : memref<1584xi32, #tpu.memory_space<vmem>>, vector<16xi32>,
    %swap3A_160 = arith.constant 1248 : index
    %swap3A_161 = tpu.vector_load %arg9[%swap3A_160] {strides = array<i32>} : memref<1584xi32, #tpu.memory_space<vmem>>, vector<16xi32>,
    tpu.vector_store %arg9[%swap3A_160], %broadcast_in_dim3A_4 {strides = array<i32>} : memref<1584xi32, #tpu.memory_space<vmem>>, vector<16xi32>,
    %swap3A_162 = arith.constant 1264 : index
    %swap3A_163 = tpu.vector_load %arg9[%swap3A_162] {strides = array<i32>} : memref<1584xi32, #tpu.memory_space<vmem>>, vector<16xi32>,
    tpu.vector_store %arg9[%swap3A_162], %broadcast_in_dim3A_4 {strides = array<i32>} : memref<1584xi32, #tpu.memory_space<vmem>>, vector<16xi32>,
    %swap3A_164 = arith.constant 1280 : index
    %swap3A_165 = tpu.vector_load %arg9[%swap3A_164] {strides = array<i32>} : memref<1584xi32, #tpu.memory_space<vmem>>, vector<16xi32>,
    tpu.vector_store %arg9[%swap3A_164], %broadcast_in_dim3A_4 {strides = array<i32>} : memref<1584xi32, #tpu.memory_space<vmem>>, vector<16xi32>,
    %swap3A_166 = arith.constant 1296 : index
    %swap3A_167 = tpu.vector_load %arg9[%swap3A_166] {strides = array<i32>} : memref<1584xi32, #tpu.memory_space<vmem>>, vector<16xi32>,
    tpu.vector_store %arg9[%swap3A_166], %broadcast_in_dim3A_4 {strides = array<i32>} : memref<1584xi32, #tpu.memory_space<vmem>>, vector<16xi32>,
    %swap3A_168 = arith.constant 1312 : index
    %swap3A_169 = tpu.vector_load %arg9[%swap3A_168] {strides = array<i32>} : memref<1584xi32, #tpu.memory_space<vmem>>, vector<16xi32>,
    tpu.vector_store %arg9[%swap3A_168], %broadcast_in_dim3A_4 {strides = array<i32>} : memref<1584xi32, #tpu.memory_space<vmem>>, vector<16xi32>,
    %swap3A_170 = arith.constant 1328 : index
    %swap3A_171 = tpu.vector_load %arg9[%swap3A_170] {strides = array<i32>} : memref<1584xi32, #tpu.memory_space<vmem>>, vector<16xi32>,
    tpu.vector_store %arg9[%swap3A_170], %broadcast_in_dim3A_4 {strides = array<i32>} : memref<1584xi32, #tpu.memory_space<vmem>>, vector<16xi32>,
    %swap3A_172 = arith.constant 1344 : index
    %swap3A_173 = tpu.vector_load %arg9[%swap3A_172] {strides = array<i32>} : memref<1584xi32, #tpu.memory_space<vmem>>, vector<16xi32>,
    tpu.vector_store %arg9[%swap3A_172], %broadcast_in_dim3A_4 {strides = array<i32>} : memref<1584xi32, #tpu.memory_space<vmem>>, vector<16xi32>,
    %swap3A_174 = arith.constant 1360 : index
    %swap3A_175 = tpu.vector_load %arg9[%swap3A_174] {strides = array<i32>} : memref<1584xi32, #tpu.memory_space<vmem>>, vector<16xi32>,
    tpu.vector_store %arg9[%swap3A_174], %broadcast_in_dim3A_4 {strides = array<i32>} : memref<1584xi32, #tpu.memory_space<vmem>>, vector<16xi32>,
    %swap3A_176 = arith.constant 1376 : index
    %swap3A_177 = tpu.vector_load %arg9[%swap3A_176] {strides = array<i32>} : memref<1584xi32, #tpu.memory_space<vmem>>, vector<16xi32>,
    tpu.vector_store %arg9[%swap3A_176], %broadcast_in_dim3A_4 {strides = array<i32>} : memref<1584xi32, #tpu.memory_space<vmem>>, vector<16xi32>,
    %swap3A_178 = arith.constant 1392 : index
    %swap3A_179 = tpu.vector_load %arg9[%swap3A_178] {strides = array<i32>} : memref<1584xi32, #tpu.memory_space<vmem>>, vector<16xi32>,
    tpu.vector_store %arg9[%swap3A_178], %broadcast_in_dim3A_4 {strides = array<i32>} : memref<1584xi32, #tpu.memory_space<vmem>>, vector<16xi32>,
    %swap3A_180 = arith.constant 1408 : index
    %swap3A_181 = tpu.vector_load %arg9[%swap3A_180] {strides = array<i32>} : memref<1584xi32, #tpu.memory_space<vmem>>, vector<16xi32>,
    tpu.vector_store %arg9[%swap3A_180], %broadcast_in_dim3A_4 {strides = array<i32>} : memref<1584xi32, #tpu.memory_space<vmem>>, vector<16xi32>,
    %swap3A_182 = arith.constant 1424 : index
    %swap3A_183 = tpu.vector_load %arg9[%swap3A_182] {strides = array<i32>} : memref<1584xi32, #tpu.memory_space<vmem>>, vector<16xi32>,
    tpu.vector_store %arg9[%swap3A_182], %broadcast_in_dim3A_4 {strides = array<i32>} : memref<1584xi32, #tpu.memory_space<vmem>>, vector<16xi32>,
    %swap3A_184 = arith.constant 1440 : index
    %swap3A_185 = tpu.vector_load %arg9[%swap3A_184] {strides = array<i32>} : memref<1584xi32, #tpu.memory_space<vmem>>, vector<16xi32>,
    tpu.vector_store %arg9[%swap3A_184], %broadcast_in_dim3A_4 {strides = array<i32>} : memref<1584xi32, #tpu.memory_space<vmem>>, vector<16xi32>,
    %swap3A_186 = arith.constant 1456 : index
    %swap3A_187 = tpu.vector_load %arg9[%swap3A_186] {strides = array<i32>} : memref<1584xi32, #tpu.memory_space<vmem>>, vector<16xi32>,
    tpu.vector_store %arg9[%swap3A_186], %broadcast_in_dim3A_4 {strides = array<i32>} : memref<1584xi32, #tpu.memory_space<vmem>>, vector<16xi32>,
    %swap3A_188 = arith.constant 1472 : index
    %swap3A_189 = tpu.vector_load %arg9[%swap3A_188] {strides = array<i32>} : memref<1584xi32, #tpu.memory_space<vmem>>, vector<16xi32>,
    tpu.vector_store %arg9[%swap3A_188], %broadcast_in_dim3A_4 {strides = array<i32>} : memref<1584xi32, #tpu.memory_space<vmem>>, vector<16xi32>,
    %swap3A_190 = arith.constant 1488 : index
    %swap3A_191 = tpu.vector_load %arg9[%swap3A_190] {strides = array<i32>} : memref<1584xi32, #tpu.memory_space<vmem>>, vector<16xi32>,
    tpu.vector_store %arg9[%swap3A_190], %broadcast_in_dim3A_4 {strides = array<i32>} : memref<1584xi32, #tpu.memory_space<vmem>>, vector<16xi32>,
    %swap3A_192 = arith.constant 1504 : index
    %swap3A_193 = tpu.vector_load %arg9[%swap3A_192] {strides = array<i32>} : memref<1584xi32, #tpu.memory_space<vmem>>, vector<16xi32>,
    tpu.vector_store %arg9[%swap3A_192], %broadcast_in_dim3A_4 {strides = array<i32>} : memref<1584xi32, #tpu.memory_space<vmem>>, vector<16xi32>,
    %swap3A_194 = arith.constant 1520 : index
    %swap3A_195 = tpu.vector_load %arg9[%swap3A_194] {strides = array<i32>} : memref<1584xi32, #tpu.memory_space<vmem>>, vector<16xi32>,
    tpu.vector_store %arg9[%swap3A_194], %broadcast_in_dim3A_4 {strides = array<i32>} : memref<1584xi32, #tpu.memory_space<vmem>>, vector<16xi32>,
    %swap3A_196 = arith.constant 1536 : index
    %swap3A_197 = tpu.vector_load %arg9[%swap3A_196] {strides = array<i32>} : memref<1584xi32, #tpu.memory_space<vmem>>, vector<16xi32>,
    tpu.vector_store %arg9[%swap3A_196], %broadcast_in_dim3A_4 {strides = array<i32>} : memref<1584xi32, #tpu.memory_space<vmem>>, vector<16xi32>,
    %swap3A_198 = arith.constant 1552 : index
    %swap3A_199 = tpu.vector_load %arg9[%swap3A_198] {strides = array<i32>} : memref<1584xi32, #tpu.memory_space<vmem>>, vector<16xi32>,
    tpu.vector_store %arg9[%swap3A_198], %broadcast_in_dim3A_4 {strides = array<i32>} : memref<1584xi32, #tpu.memory_space<vmem>>, vector<16xi32>,
    %swap3A_200 = arith.constant 1568 : index
    %swap3A_201 = tpu.vector_load %arg9[%swap3A_200] {strides = array<i32>} : memref<1584xi32, #tpu.memory_space<vmem>>, vector<16xi32>,
    tpu.vector_store %arg9[%swap3A_200], %broadcast_in_dim3A_4 {strides = array<i32>} : memref<1584xi32, #tpu.memory_space<vmem>>, vector<16xi32>,
    tpu.wait_dma2 semaphore(%arg12 : memref<!tpu.dma_semaphore, #tpu.memory_space<semaphore_mem>>) src(%arg3 : memref<64xi32, #tpu.memory_space<hbm>>) dst(%arg7 : memref<64xi32, #tpu.memory_space<vmem>>)
    %broadcast_in_dim3A_202 = arith.constant 1 : i32
    %broadcast_in_dim3A_203 = vector.broadcast %broadcast_in_dim3A_202 : i32 to vector<16xi32>
    %get3A = arith.constant 0 : index
    %get3A_204 = tpu.vector_load %arg7[%get3A] {strides = array<i32>} : memref<64xi32, #tpu.memory_space<vmem>>, vector<16xi32>,
    %shift_right_logical3A = arith.constant 5 : i32
    %shift_right_logical3A_205 = vector.broadcast %shift_right_logical3A : i32 to vector<16xi32>
    %shift_right_logical3A_206 = arith.shrui %get3A_204, %shift_right_logical3A_205 : vector<16xi32>
    %and3A = arith.constant 31 : i32
    %and3A_207 = vector.broadcast %and3A : i32 to vector<16xi32>
    %and3A_208 = arith.andi %get3A_204, %and3A_207 : vector<16xi32>
    %shift_left3A = arith.shli %broadcast_in_dim3A_203, %and3A_208 : vector<16xi32>
    tpu.vector_store_idx %arg9[%shift_right_logical3A_206], %shift_left3A {add = true} : memref<1584xi32, #tpu.memory_space<vmem>>[vector<16xi32>], vector<16xi32>,
    %get3A_209 = arith.constant 16 : index
    %get3A_210 = tpu.vector_load %arg7[%get3A_209] {strides = array<i32>} : memref<64xi32, #tpu.memory_space<vmem>>, vector<16xi32>,
    %shift_right_logical3A_211 = arith.constant 5 : i32
    %shift_right_logical3A_212 = vector.broadcast %shift_right_logical3A_211 : i32 to vector<16xi32>
    %shift_right_logical3A_213 = arith.shrui %get3A_210, %shift_right_logical3A_212 : vector<16xi32>
    %and3A_214 = arith.constant 31 : i32
    %and3A_215 = vector.broadcast %and3A_214 : i32 to vector<16xi32>
    %and3A_216 = arith.andi %get3A_210, %and3A_215 : vector<16xi32>
    %shift_left3A_217 = arith.shli %broadcast_in_dim3A_203, %and3A_216 : vector<16xi32>
    tpu.vector_store_idx %arg9[%shift_right_logical3A_213], %shift_left3A_217 {add = true} : memref<1584xi32, #tpu.memory_space<vmem>>[vector<16xi32>], vector<16xi32>,
    %get3A_218 = arith.constant 32 : index
    %get3A_219 = tpu.vector_load %arg7[%get3A_218] {strides = array<i32>} : memref<64xi32, #tpu.memory_space<vmem>>, vector<16xi32>,
    %shift_right_logical3A_220 = arith.constant 5 : i32
    %shift_right_logical3A_221 = vector.broadcast %shift_right_logical3A_220 : i32 to vector<16xi32>
    %shift_right_logical3A_222 = arith.shrui %get3A_219, %shift_right_logical3A_221 : vector<16xi32>
    %and3A_223 = arith.constant 31 : i32
    %and3A_224 = vector.broadcast %and3A_223 : i32 to vector<16xi32>
    %and3A_225 = arith.andi %get3A_219, %and3A_224 : vector<16xi32>
    %shift_left3A_226 = arith.shli %broadcast_in_dim3A_203, %and3A_225 : vector<16xi32>
    tpu.vector_store_idx %arg9[%shift_right_logical3A_222], %shift_left3A_226 {add = true} : memref<1584xi32, #tpu.memory_space<vmem>>[vector<16xi32>], vector<16xi32>,
    %get3A_227 = arith.constant 48 : index
    %get3A_228 = tpu.vector_load %arg7[%get3A_227] {strides = array<i32>} : memref<64xi32, #tpu.memory_space<vmem>>, vector<16xi32>,
    %shift_right_logical3A_229 = arith.constant 5 : i32
    %shift_right_logical3A_230 = vector.broadcast %shift_right_logical3A_229 : i32 to vector<16xi32>
    %shift_right_logical3A_231 = arith.shrui %get3A_228, %shift_right_logical3A_230 : vector<16xi32>
    %and3A_232 = arith.constant 31 : i32
    %and3A_233 = vector.broadcast %and3A_232 : i32 to vector<16xi32>
    %and3A_234 = arith.andi %get3A_228, %and3A_233 : vector<16xi32>
    %shift_left3A_235 = arith.shli %broadcast_in_dim3A_203, %and3A_234 : vector<16xi32>
    tpu.vector_store_idx %arg9[%shift_right_logical3A_231], %shift_left3A_235 {add = true} : memref<1584xi32, #tpu.memory_space<vmem>>[vector<16xi32>], vector<16xi32>,
    tpu.wait_dma2 semaphore(%arg13 : memref<!tpu.dma_semaphore, #tpu.memory_space<semaphore_mem>>) src(%arg4 : memref<16xf32, #tpu.memory_space<hbm>>) dst(%arg8 : memref<16xf32, #tpu.memory_space<vmem>>)
    %dma_wait3A = tpu.memref_slice %arg2[%mul3A_2] : memref<32768xi32, #tpu.memory_space<hbm>> -> memref<2048xi32, #tpu.memory_space<hbm>>
    %dma_wait3A_236 = tpu.memref_slice %arg2[%mul3A_2] : memref<32768xi32, #tpu.memory_space<hbm>> -> memref<2048xi32, #tpu.memory_space<hbm>>
    tpu.wait_dma2 semaphore(%arg11 : memref<!tpu.dma_semaphore, #tpu.memory_space<semaphore_mem>>) src(%dma_wait3A_236 : memref<2048xi32, #tpu.memory_space<hbm>>) dst(%arg6 : memref<2048xi32, #tpu.memory_space<vmem>>)
    %get3A_237 = arith.constant 0 : index
    %get3A_238 = tpu.vector_load %arg8[%get3A_237] {strides = array<i32>} : memref<16xf32, #tpu.memory_space<vmem>>, vector<16xf32>,
    %get3A_239 = arith.constant 0 : index
    %get3A_240 = tpu.vector_load %arg6[%get3A_239] {strides = array<i32>} : memref<2048xi32, #tpu.memory_space<vmem>>, vector<16xi32>,
    %get3A_241 = arith.constant 16 : index
    %get3A_242 = tpu.vector_load %arg6[%get3A_241] {strides = array<i32>} : memref<2048xi32, #tpu.memory_space<vmem>>, vector<16xi32>,
    %get3A_243 = arith.constant 32 : index
    %get3A_244 = tpu.vector_load %arg6[%get3A_243] {strides = array<i32>} : memref<2048xi32, #tpu.memory_space<vmem>>, vector<16xi32>,
    %get3A_245 = arith.constant 48 : index
    %get3A_246 = tpu.vector_load %arg6[%get3A_245] {strides = array<i32>} : memref<2048xi32, #tpu.memory_space<vmem>>, vector<16xi32>,
    %get3A_247 = arith.constant 64 : index
    %get3A_248 = tpu.vector_load %arg6[%get3A_247] {strides = array<i32>} : memref<2048xi32, #tpu.memory_space<vmem>>, vector<16xi32>,
    %get3A_249 = arith.constant 80 : index
    %get3A_250 = tpu.vector_load %arg6[%get3A_249] {strides = array<i32>} : memref<2048xi32, #tpu.memory_space<vmem>>, vector<16xi32>,
    %get3A_251 = arith.constant 96 : index
    %get3A_252 = tpu.vector_load %arg6[%get3A_251] {strides = array<i32>} : memref<2048xi32, #tpu.memory_space<vmem>>, vector<16xi32>,
    %get3A_253 = arith.constant 112 : index
    %get3A_254 = tpu.vector_load %arg6[%get3A_253] {strides = array<i32>} : memref<2048xi32, #tpu.memory_space<vmem>>, vector<16xi32>,
    %get3A_255 = arith.constant 128 : index
    %get3A_256 = tpu.vector_load %arg6[%get3A_255] {strides = array<i32>} : memref<2048xi32, #tpu.memory_space<vmem>>, vector<16xi32>,
    %get3A_257 = arith.constant 144 : index
    %get3A_258 = tpu.vector_load %arg6[%get3A_257] {strides = array<i32>} : memref<2048xi32, #tpu.memory_space<vmem>>, vector<16xi32>,
    %get3A_259 = arith.constant 160 : index
    %get3A_260 = tpu.vector_load %arg6[%get3A_259] {strides = array<i32>} : memref<2048xi32, #tpu.memory_space<vmem>>, vector<16xi32>,
    %get3A_261 = arith.constant 176 : index
    %get3A_262 = tpu.vector_load %arg6[%get3A_261] {strides = array<i32>} : memref<2048xi32, #tpu.memory_space<vmem>>, vector<16xi32>,
    %get3A_263 = arith.constant 192 : index
    %get3A_264 = tpu.vector_load %arg6[%get3A_263] {strides = array<i32>} : memref<2048xi32, #tpu.memory_space<vmem>>, vector<16xi32>,
    %get3A_265 = arith.constant 208 : index
    %get3A_266 = tpu.vector_load %arg6[%get3A_265] {strides = array<i32>} : memref<2048xi32, #tpu.memory_space<vmem>>, vector<16xi32>,
    %get3A_267 = arith.constant 224 : index
    %get3A_268 = tpu.vector_load %arg6[%get3A_267] {strides = array<i32>} : memref<2048xi32, #tpu.memory_space<vmem>>, vector<16xi32>,
    %get3A_269 = arith.constant 240 : index
    %get3A_270 = tpu.vector_load %arg6[%get3A_269] {strides = array<i32>} : memref<2048xi32, #tpu.memory_space<vmem>>, vector<16xi32>,
    %get3A_271 = arith.constant 256 : index
    %get3A_272 = tpu.vector_load %arg6[%get3A_271] {strides = array<i32>} : memref<2048xi32, #tpu.memory_space<vmem>>, vector<16xi32>,
    %get3A_273 = arith.constant 272 : index
    %get3A_274 = tpu.vector_load %arg6[%get3A_273] {strides = array<i32>} : memref<2048xi32, #tpu.memory_space<vmem>>, vector<16xi32>,
    %get3A_275 = arith.constant 288 : index
    %get3A_276 = tpu.vector_load %arg6[%get3A_275] {strides = array<i32>} : memref<2048xi32, #tpu.memory_space<vmem>>, vector<16xi32>,
    %get3A_277 = arith.constant 304 : index
    %get3A_278 = tpu.vector_load %arg6[%get3A_277] {strides = array<i32>} : memref<2048xi32, #tpu.memory_space<vmem>>, vector<16xi32>,
    %get3A_279 = arith.constant 320 : index
    %get3A_280 = tpu.vector_load %arg6[%get3A_279] {strides = array<i32>} : memref<2048xi32, #tpu.memory_space<vmem>>, vector<16xi32>,
    %get3A_281 = arith.constant 336 : index
    %get3A_282 = tpu.vector_load %arg6[%get3A_281] {strides = array<i32>} : memref<2048xi32, #tpu.memory_space<vmem>>, vector<16xi32>,
    %get3A_283 = arith.constant 352 : index
    %get3A_284 = tpu.vector_load %arg6[%get3A_283] {strides = array<i32>} : memref<2048xi32, #tpu.memory_space<vmem>>, vector<16xi32>,
    %get3A_285 = arith.constant 368 : index
    %get3A_286 = tpu.vector_load %arg6[%get3A_285] {strides = array<i32>} : memref<2048xi32, #tpu.memory_space<vmem>>, vector<16xi32>,
    %get3A_287 = arith.constant 384 : index
    %get3A_288 = tpu.vector_load %arg6[%get3A_287] {strides = array<i32>} : memref<2048xi32, #tpu.memory_space<vmem>>, vector<16xi32>,
    %get3A_289 = arith.constant 400 : index
    %get3A_290 = tpu.vector_load %arg6[%get3A_289] {strides = array<i32>} : memref<2048xi32, #tpu.memory_space<vmem>>, vector<16xi32>,
    %get3A_291 = arith.constant 416 : index
    %get3A_292 = tpu.vector_load %arg6[%get3A_291] {strides = array<i32>} : memref<2048xi32, #tpu.memory_space<vmem>>, vector<16xi32>,
    %get3A_293 = arith.constant 432 : index
    %get3A_294 = tpu.vector_load %arg6[%get3A_293] {strides = array<i32>} : memref<2048xi32, #tpu.memory_space<vmem>>, vector<16xi32>,
    %get3A_295 = arith.constant 448 : index
    %get3A_296 = tpu.vector_load %arg6[%get3A_295] {strides = array<i32>} : memref<2048xi32, #tpu.memory_space<vmem>>, vector<16xi32>,
    %get3A_297 = arith.constant 464 : index
    %get3A_298 = tpu.vector_load %arg6[%get3A_297] {strides = array<i32>} : memref<2048xi32, #tpu.memory_space<vmem>>, vector<16xi32>,
    %get3A_299 = arith.constant 480 : index
    %get3A_300 = tpu.vector_load %arg6[%get3A_299] {strides = array<i32>} : memref<2048xi32, #tpu.memory_space<vmem>>, vector<16xi32>,
    %get3A_301 = arith.constant 496 : index
    %get3A_302 = tpu.vector_load %arg6[%get3A_301] {strides = array<i32>} : memref<2048xi32, #tpu.memory_space<vmem>>, vector<16xi32>,
    %shift_right_logical3A_303 = arith.constant 5 : i32
    %shift_right_logical3A_304 = vector.broadcast %shift_right_logical3A_303 : i32 to vector<16xi32>
    %shift_right_logical3A_305 = arith.shrui %get3A_240, %shift_right_logical3A_304 : vector<16xi32>
    %gather3A = tpu.vector_load_idx %arg9[%shift_right_logical3A_305] : memref<1584xi32, #tpu.memory_space<vmem>>[vector<16xi32>], vector<16xi32>,
    %shift_right_logical3A_306 = arith.constant 5 : i32
    %shift_right_logical3A_307 = vector.broadcast %shift_right_logical3A_306 : i32 to vector<16xi32>
    %shift_right_logical3A_308 = arith.shrui %get3A_242, %shift_right_logical3A_307 : vector<16xi32>
    %gather3A_309 = tpu.vector_load_idx %arg9[%shift_right_logical3A_308] : memref<1584xi32, #tpu.memory_space<vmem>>[vector<16xi32>], vector<16xi32>,
    %shift_right_logical3A_310 = arith.constant 5 : i32
    %shift_right_logical3A_311 = vector.broadcast %shift_right_logical3A_310 : i32 to vector<16xi32>
    %shift_right_logical3A_312 = arith.shrui %get3A_244, %shift_right_logical3A_311 : vector<16xi32>
    %gather3A_313 = tpu.vector_load_idx %arg9[%shift_right_logical3A_312] : memref<1584xi32, #tpu.memory_space<vmem>>[vector<16xi32>], vector<16xi32>,
    %shift_right_logical3A_314 = arith.constant 5 : i32
    %shift_right_logical3A_315 = vector.broadcast %shift_right_logical3A_314 : i32 to vector<16xi32>
    %shift_right_logical3A_316 = arith.shrui %get3A_246, %shift_right_logical3A_315 : vector<16xi32>
    %gather3A_317 = tpu.vector_load_idx %arg9[%shift_right_logical3A_316] : memref<1584xi32, #tpu.memory_space<vmem>>[vector<16xi32>], vector<16xi32>,
    %shift_right_logical3A_318 = arith.constant 5 : i32
    %shift_right_logical3A_319 = vector.broadcast %shift_right_logical3A_318 : i32 to vector<16xi32>
    %shift_right_logical3A_320 = arith.shrui %get3A_248, %shift_right_logical3A_319 : vector<16xi32>
    %gather3A_321 = tpu.vector_load_idx %arg9[%shift_right_logical3A_320] : memref<1584xi32, #tpu.memory_space<vmem>>[vector<16xi32>], vector<16xi32>,
    %shift_right_logical3A_322 = arith.constant 5 : i32
    %shift_right_logical3A_323 = vector.broadcast %shift_right_logical3A_322 : i32 to vector<16xi32>
    %shift_right_logical3A_324 = arith.shrui %get3A_250, %shift_right_logical3A_323 : vector<16xi32>
    %gather3A_325 = tpu.vector_load_idx %arg9[%shift_right_logical3A_324] : memref<1584xi32, #tpu.memory_space<vmem>>[vector<16xi32>], vector<16xi32>,
    %shift_right_logical3A_326 = arith.constant 5 : i32
    %shift_right_logical3A_327 = vector.broadcast %shift_right_logical3A_326 : i32 to vector<16xi32>
    %shift_right_logical3A_328 = arith.shrui %get3A_252, %shift_right_logical3A_327 : vector<16xi32>
    %gather3A_329 = tpu.vector_load_idx %arg9[%shift_right_logical3A_328] : memref<1584xi32, #tpu.memory_space<vmem>>[vector<16xi32>], vector<16xi32>,
    %shift_right_logical3A_330 = arith.constant 5 : i32
    %shift_right_logical3A_331 = vector.broadcast %shift_right_logical3A_330 : i32 to vector<16xi32>
    %shift_right_logical3A_332 = arith.shrui %get3A_254, %shift_right_logical3A_331 : vector<16xi32>
    %gather3A_333 = tpu.vector_load_idx %arg9[%shift_right_logical3A_332] : memref<1584xi32, #tpu.memory_space<vmem>>[vector<16xi32>], vector<16xi32>,
    %shift_right_logical3A_334 = arith.constant 5 : i32
    %shift_right_logical3A_335 = vector.broadcast %shift_right_logical3A_334 : i32 to vector<16xi32>
    %shift_right_logical3A_336 = arith.shrui %get3A_256, %shift_right_logical3A_335 : vector<16xi32>
    %gather3A_337 = tpu.vector_load_idx %arg9[%shift_right_logical3A_336] : memref<1584xi32, #tpu.memory_space<vmem>>[vector<16xi32>], vector<16xi32>,
    %shift_right_logical3A_338 = arith.constant 5 : i32
    %shift_right_logical3A_339 = vector.broadcast %shift_right_logical3A_338 : i32 to vector<16xi32>
    %shift_right_logical3A_340 = arith.shrui %get3A_258, %shift_right_logical3A_339 : vector<16xi32>
    %gather3A_341 = tpu.vector_load_idx %arg9[%shift_right_logical3A_340] : memref<1584xi32, #tpu.memory_space<vmem>>[vector<16xi32>], vector<16xi32>,
    %shift_right_logical3A_342 = arith.constant 5 : i32
    %shift_right_logical3A_343 = vector.broadcast %shift_right_logical3A_342 : i32 to vector<16xi32>
    %shift_right_logical3A_344 = arith.shrui %get3A_260, %shift_right_logical3A_343 : vector<16xi32>
    %gather3A_345 = tpu.vector_load_idx %arg9[%shift_right_logical3A_344] : memref<1584xi32, #tpu.memory_space<vmem>>[vector<16xi32>], vector<16xi32>,
    %shift_right_logical3A_346 = arith.constant 5 : i32
    %shift_right_logical3A_347 = vector.broadcast %shift_right_logical3A_346 : i32 to vector<16xi32>
    %shift_right_logical3A_348 = arith.shrui %get3A_262, %shift_right_logical3A_347 : vector<16xi32>
    %gather3A_349 = tpu.vector_load_idx %arg9[%shift_right_logical3A_348] : memref<1584xi32, #tpu.memory_space<vmem>>[vector<16xi32>], vector<16xi32>,
    %shift_right_logical3A_350 = arith.constant 5 : i32
    %shift_right_logical3A_351 = vector.broadcast %shift_right_logical3A_350 : i32 to vector<16xi32>
    %shift_right_logical3A_352 = arith.shrui %get3A_264, %shift_right_logical3A_351 : vector<16xi32>
    %gather3A_353 = tpu.vector_load_idx %arg9[%shift_right_logical3A_352] : memref<1584xi32, #tpu.memory_space<vmem>>[vector<16xi32>], vector<16xi32>,
    %shift_right_logical3A_354 = arith.constant 5 : i32
    %shift_right_logical3A_355 = vector.broadcast %shift_right_logical3A_354 : i32 to vector<16xi32>
    %shift_right_logical3A_356 = arith.shrui %get3A_266, %shift_right_logical3A_355 : vector<16xi32>
    %gather3A_357 = tpu.vector_load_idx %arg9[%shift_right_logical3A_356] : memref<1584xi32, #tpu.memory_space<vmem>>[vector<16xi32>], vector<16xi32>,
    %shift_right_logical3A_358 = arith.constant 5 : i32
    %shift_right_logical3A_359 = vector.broadcast %shift_right_logical3A_358 : i32 to vector<16xi32>
    %shift_right_logical3A_360 = arith.shrui %get3A_268, %shift_right_logical3A_359 : vector<16xi32>
    %gather3A_361 = tpu.vector_load_idx %arg9[%shift_right_logical3A_360] : memref<1584xi32, #tpu.memory_space<vmem>>[vector<16xi32>], vector<16xi32>,
    %shift_right_logical3A_362 = arith.constant 5 : i32
    %shift_right_logical3A_363 = vector.broadcast %shift_right_logical3A_362 : i32 to vector<16xi32>
    %shift_right_logical3A_364 = arith.shrui %get3A_270, %shift_right_logical3A_363 : vector<16xi32>
    %gather3A_365 = tpu.vector_load_idx %arg9[%shift_right_logical3A_364] : memref<1584xi32, #tpu.memory_space<vmem>>[vector<16xi32>], vector<16xi32>,
    %shift_right_logical3A_366 = arith.constant 5 : i32
    %shift_right_logical3A_367 = vector.broadcast %shift_right_logical3A_366 : i32 to vector<16xi32>
    %shift_right_logical3A_368 = arith.shrui %get3A_272, %shift_right_logical3A_367 : vector<16xi32>
    %gather3A_369 = tpu.vector_load_idx %arg9[%shift_right_logical3A_368] : memref<1584xi32, #tpu.memory_space<vmem>>[vector<16xi32>], vector<16xi32>,
    %shift_right_logical3A_370 = arith.constant 5 : i32
    %shift_right_logical3A_371 = vector.broadcast %shift_right_logical3A_370 : i32 to vector<16xi32>
    %shift_right_logical3A_372 = arith.shrui %get3A_274, %shift_right_logical3A_371 : vector<16xi32>
    %gather3A_373 = tpu.vector_load_idx %arg9[%shift_right_logical3A_372] : memref<1584xi32, #tpu.memory_space<vmem>>[vector<16xi32>], vector<16xi32>,
    %shift_right_logical3A_374 = arith.constant 5 : i32
    %shift_right_logical3A_375 = vector.broadcast %shift_right_logical3A_374 : i32 to vector<16xi32>
    %shift_right_logical3A_376 = arith.shrui %get3A_276, %shift_right_logical3A_375 : vector<16xi32>
    %gather3A_377 = tpu.vector_load_idx %arg9[%shift_right_logical3A_376] : memref<1584xi32, #tpu.memory_space<vmem>>[vector<16xi32>], vector<16xi32>,
    %shift_right_logical3A_378 = arith.constant 5 : i32
    %shift_right_logical3A_379 = vector.broadcast %shift_right_logical3A_378 : i32 to vector<16xi32>
    %shift_right_logical3A_380 = arith.shrui %get3A_278, %shift_right_logical3A_379 : vector<16xi32>
    %gather3A_381 = tpu.vector_load_idx %arg9[%shift_right_logical3A_380] : memref<1584xi32, #tpu.memory_space<vmem>>[vector<16xi32>], vector<16xi32>,
    %shift_right_logical3A_382 = arith.constant 5 : i32
    %shift_right_logical3A_383 = vector.broadcast %shift_right_logical3A_382 : i32 to vector<16xi32>
    %shift_right_logical3A_384 = arith.shrui %get3A_280, %shift_right_logical3A_383 : vector<16xi32>
    %gather3A_385 = tpu.vector_load_idx %arg9[%shift_right_logical3A_384] : memref<1584xi32, #tpu.memory_space<vmem>>[vector<16xi32>], vector<16xi32>,
    %shift_right_logical3A_386 = arith.constant 5 : i32
    %shift_right_logical3A_387 = vector.broadcast %shift_right_logical3A_386 : i32 to vector<16xi32>
    %shift_right_logical3A_388 = arith.shrui %get3A_282, %shift_right_logical3A_387 : vector<16xi32>
    %gather3A_389 = tpu.vector_load_idx %arg9[%shift_right_logical3A_388] : memref<1584xi32, #tpu.memory_space<vmem>>[vector<16xi32>], vector<16xi32>,
    %shift_right_logical3A_390 = arith.constant 5 : i32
    %shift_right_logical3A_391 = vector.broadcast %shift_right_logical3A_390 : i32 to vector<16xi32>
    %shift_right_logical3A_392 = arith.shrui %get3A_284, %shift_right_logical3A_391 : vector<16xi32>
    %gather3A_393 = tpu.vector_load_idx %arg9[%shift_right_logical3A_392] : memref<1584xi32, #tpu.memory_space<vmem>>[vector<16xi32>], vector<16xi32>,
    %shift_right_logical3A_394 = arith.constant 5 : i32
    %shift_right_logical3A_395 = vector.broadcast %shift_right_logical3A_394 : i32 to vector<16xi32>
    %shift_right_logical3A_396 = arith.shrui %get3A_286, %shift_right_logical3A_395 : vector<16xi32>
    %gather3A_397 = tpu.vector_load_idx %arg9[%shift_right_logical3A_396] : memref<1584xi32, #tpu.memory_space<vmem>>[vector<16xi32>], vector<16xi32>,
    %shift_right_logical3A_398 = arith.constant 5 : i32
    %shift_right_logical3A_399 = vector.broadcast %shift_right_logical3A_398 : i32 to vector<16xi32>
    %shift_right_logical3A_400 = arith.shrui %get3A_288, %shift_right_logical3A_399 : vector<16xi32>
    %gather3A_401 = tpu.vector_load_idx %arg9[%shift_right_logical3A_400] : memref<1584xi32, #tpu.memory_space<vmem>>[vector<16xi32>], vector<16xi32>,
    %shift_right_logical3A_402 = arith.constant 5 : i32
    %shift_right_logical3A_403 = vector.broadcast %shift_right_logical3A_402 : i32 to vector<16xi32>
    %shift_right_logical3A_404 = arith.shrui %get3A_290, %shift_right_logical3A_403 : vector<16xi32>
    %gather3A_405 = tpu.vector_load_idx %arg9[%shift_right_logical3A_404] : memref<1584xi32, #tpu.memory_space<vmem>>[vector<16xi32>], vector<16xi32>,
    %shift_right_logical3A_406 = arith.constant 5 : i32
    %shift_right_logical3A_407 = vector.broadcast %shift_right_logical3A_406 : i32 to vector<16xi32>
    %shift_right_logical3A_408 = arith.shrui %get3A_292, %shift_right_logical3A_407 : vector<16xi32>
    %gather3A_409 = tpu.vector_load_idx %arg9[%shift_right_logical3A_408] : memref<1584xi32, #tpu.memory_space<vmem>>[vector<16xi32>], vector<16xi32>,
    %shift_right_logical3A_410 = arith.constant 5 : i32
    %shift_right_logical3A_411 = vector.broadcast %shift_right_logical3A_410 : i32 to vector<16xi32>
    %shift_right_logical3A_412 = arith.shrui %get3A_294, %shift_right_logical3A_411 : vector<16xi32>
    %gather3A_413 = tpu.vector_load_idx %arg9[%shift_right_logical3A_412] : memref<1584xi32, #tpu.memory_space<vmem>>[vector<16xi32>], vector<16xi32>,
    %shift_right_logical3A_414 = arith.constant 5 : i32
    %shift_right_logical3A_415 = vector.broadcast %shift_right_logical3A_414 : i32 to vector<16xi32>
    %shift_right_logical3A_416 = arith.shrui %get3A_296, %shift_right_logical3A_415 : vector<16xi32>
    %gather3A_417 = tpu.vector_load_idx %arg9[%shift_right_logical3A_416] : memref<1584xi32, #tpu.memory_space<vmem>>[vector<16xi32>], vector<16xi32>,
    %shift_right_logical3A_418 = arith.constant 5 : i32
    %shift_right_logical3A_419 = vector.broadcast %shift_right_logical3A_418 : i32 to vector<16xi32>
    %shift_right_logical3A_420 = arith.shrui %get3A_298, %shift_right_logical3A_419 : vector<16xi32>
    %gather3A_421 = tpu.vector_load_idx %arg9[%shift_right_logical3A_420] : memref<1584xi32, #tpu.memory_space<vmem>>[vector<16xi32>], vector<16xi32>,
    %shift_right_logical3A_422 = arith.constant 5 : i32
    %shift_right_logical3A_423 = vector.broadcast %shift_right_logical3A_422 : i32 to vector<16xi32>
    %shift_right_logical3A_424 = arith.shrui %get3A_300, %shift_right_logical3A_423 : vector<16xi32>
    %gather3A_425 = tpu.vector_load_idx %arg9[%shift_right_logical3A_424] : memref<1584xi32, #tpu.memory_space<vmem>>[vector<16xi32>], vector<16xi32>,
    %shift_right_logical3A_426 = arith.constant 5 : i32
    %shift_right_logical3A_427 = vector.broadcast %shift_right_logical3A_426 : i32 to vector<16xi32>
    %shift_right_logical3A_428 = arith.shrui %get3A_302, %shift_right_logical3A_427 : vector<16xi32>
    %gather3A_429 = tpu.vector_load_idx %arg9[%shift_right_logical3A_428] : memref<1584xi32, #tpu.memory_space<vmem>>[vector<16xi32>], vector<16xi32>,
    %and3A_430 = arith.constant 31 : i32
    %and3A_431 = vector.broadcast %and3A_430 : i32 to vector<16xi32>
    %and3A_432 = arith.andi %get3A_240, %and3A_431 : vector<16xi32>
    %shift_right_logical3A_433 = arith.shrui %gather3A, %and3A_432 : vector<16xi32>
    %and3A_434 = arith.constant 1 : i32
    %and3A_435 = vector.broadcast %and3A_434 : i32 to vector<16xi32>
    %and3A_436 = arith.andi %shift_right_logical3A_433, %and3A_435 : vector<16xi32>
    %convert_element_type3A = arith.sitofp %and3A_436 : vector<16xi32> to vector<16xf32>
    %mul3A_437 = arith.mulf %convert_element_type3A, %get3A_238 : vector<16xf32>
    %swap3A_438 = arith.constant 0 : index
    %swap3A_439 = tpu.vector_load %arg10[%swap3A_438] {strides = array<i32>} : memref<2048xf32, #tpu.memory_space<vmem>>, vector<16xf32>,
    tpu.vector_store %arg10[%swap3A_438], %mul3A_437 {strides = array<i32>} : memref<2048xf32, #tpu.memory_space<vmem>>, vector<16xf32>,
    %and3A_440 = arith.constant 31 : i32
    %and3A_441 = vector.broadcast %and3A_440 : i32 to vector<16xi32>
    %and3A_442 = arith.andi %get3A_242, %and3A_441 : vector<16xi32>
    %shift_right_logical3A_443 = arith.shrui %gather3A_309, %and3A_442 : vector<16xi32>
    %and3A_444 = arith.constant 1 : i32
    %and3A_445 = vector.broadcast %and3A_444 : i32 to vector<16xi32>
    %and3A_446 = arith.andi %shift_right_logical3A_443, %and3A_445 : vector<16xi32>
    %convert_element_type3A_447 = arith.sitofp %and3A_446 : vector<16xi32> to vector<16xf32>
    %mul3A_448 = arith.mulf %convert_element_type3A_447, %get3A_238 : vector<16xf32>
    %swap3A_449 = arith.constant 16 : index
    %swap3A_450 = tpu.vector_load %arg10[%swap3A_449] {strides = array<i32>} : memref<2048xf32, #tpu.memory_space<vmem>>, vector<16xf32>,
    tpu.vector_store %arg10[%swap3A_449], %mul3A_448 {strides = array<i32>} : memref<2048xf32, #tpu.memory_space<vmem>>, vector<16xf32>,
    %and3A_451 = arith.constant 31 : i32
    %and3A_452 = vector.broadcast %and3A_451 : i32 to vector<16xi32>
    %and3A_453 = arith.andi %get3A_244, %and3A_452 : vector<16xi32>
    %shift_right_logical3A_454 = arith.shrui %gather3A_313, %and3A_453 : vector<16xi32>
    %and3A_455 = arith.constant 1 : i32
    %and3A_456 = vector.broadcast %and3A_455 : i32 to vector<16xi32>
    %and3A_457 = arith.andi %shift_right_logical3A_454, %and3A_456 : vector<16xi32>
    %convert_element_type3A_458 = arith.sitofp %and3A_457 : vector<16xi32> to vector<16xf32>
    %mul3A_459 = arith.mulf %convert_element_type3A_458, %get3A_238 : vector<16xf32>
    %swap3A_460 = arith.constant 32 : index
    %swap3A_461 = tpu.vector_load %arg10[%swap3A_460] {strides = array<i32>} : memref<2048xf32, #tpu.memory_space<vmem>>, vector<16xf32>,
    tpu.vector_store %arg10[%swap3A_460], %mul3A_459 {strides = array<i32>} : memref<2048xf32, #tpu.memory_space<vmem>>, vector<16xf32>,
    %and3A_462 = arith.constant 31 : i32
    %and3A_463 = vector.broadcast %and3A_462 : i32 to vector<16xi32>
    %and3A_464 = arith.andi %get3A_246, %and3A_463 : vector<16xi32>
    %shift_right_logical3A_465 = arith.shrui %gather3A_317, %and3A_464 : vector<16xi32>
    %and3A_466 = arith.constant 1 : i32
    %and3A_467 = vector.broadcast %and3A_466 : i32 to vector<16xi32>
    %and3A_468 = arith.andi %shift_right_logical3A_465, %and3A_467 : vector<16xi32>
    %convert_element_type3A_469 = arith.sitofp %and3A_468 : vector<16xi32> to vector<16xf32>
    %mul3A_470 = arith.mulf %convert_element_type3A_469, %get3A_238 : vector<16xf32>
    %swap3A_471 = arith.constant 48 : index
    %swap3A_472 = tpu.vector_load %arg10[%swap3A_471] {strides = array<i32>} : memref<2048xf32, #tpu.memory_space<vmem>>, vector<16xf32>,
    tpu.vector_store %arg10[%swap3A_471], %mul3A_470 {strides = array<i32>} : memref<2048xf32, #tpu.memory_space<vmem>>, vector<16xf32>,
    %and3A_473 = arith.constant 31 : i32
    %and3A_474 = vector.broadcast %and3A_473 : i32 to vector<16xi32>
    %and3A_475 = arith.andi %get3A_248, %and3A_474 : vector<16xi32>
    %shift_right_logical3A_476 = arith.shrui %gather3A_321, %and3A_475 : vector<16xi32>
    %and3A_477 = arith.constant 1 : i32
    %and3A_478 = vector.broadcast %and3A_477 : i32 to vector<16xi32>
    %and3A_479 = arith.andi %shift_right_logical3A_476, %and3A_478 : vector<16xi32>
    %convert_element_type3A_480 = arith.sitofp %and3A_479 : vector<16xi32> to vector<16xf32>
    %mul3A_481 = arith.mulf %convert_element_type3A_480, %get3A_238 : vector<16xf32>
    %swap3A_482 = arith.constant 64 : index
    %swap3A_483 = tpu.vector_load %arg10[%swap3A_482] {strides = array<i32>} : memref<2048xf32, #tpu.memory_space<vmem>>, vector<16xf32>,
    tpu.vector_store %arg10[%swap3A_482], %mul3A_481 {strides = array<i32>} : memref<2048xf32, #tpu.memory_space<vmem>>, vector<16xf32>,
    %and3A_484 = arith.constant 31 : i32
    %and3A_485 = vector.broadcast %and3A_484 : i32 to vector<16xi32>
    %and3A_486 = arith.andi %get3A_250, %and3A_485 : vector<16xi32>
    %shift_right_logical3A_487 = arith.shrui %gather3A_325, %and3A_486 : vector<16xi32>
    %and3A_488 = arith.constant 1 : i32
    %and3A_489 = vector.broadcast %and3A_488 : i32 to vector<16xi32>
    %and3A_490 = arith.andi %shift_right_logical3A_487, %and3A_489 : vector<16xi32>
    %convert_element_type3A_491 = arith.sitofp %and3A_490 : vector<16xi32> to vector<16xf32>
    %mul3A_492 = arith.mulf %convert_element_type3A_491, %get3A_238 : vector<16xf32>
    %swap3A_493 = arith.constant 80 : index
    %swap3A_494 = tpu.vector_load %arg10[%swap3A_493] {strides = array<i32>} : memref<2048xf32, #tpu.memory_space<vmem>>, vector<16xf32>,
    tpu.vector_store %arg10[%swap3A_493], %mul3A_492 {strides = array<i32>} : memref<2048xf32, #tpu.memory_space<vmem>>, vector<16xf32>,
    %and3A_495 = arith.constant 31 : i32
    %and3A_496 = vector.broadcast %and3A_495 : i32 to vector<16xi32>
    %and3A_497 = arith.andi %get3A_252, %and3A_496 : vector<16xi32>
    %shift_right_logical3A_498 = arith.shrui %gather3A_329, %and3A_497 : vector<16xi32>
    %and3A_499 = arith.constant 1 : i32
    %and3A_500 = vector.broadcast %and3A_499 : i32 to vector<16xi32>
    %and3A_501 = arith.andi %shift_right_logical3A_498, %and3A_500 : vector<16xi32>
    %convert_element_type3A_502 = arith.sitofp %and3A_501 : vector<16xi32> to vector<16xf32>
    %mul3A_503 = arith.mulf %convert_element_type3A_502, %get3A_238 : vector<16xf32>
    %swap3A_504 = arith.constant 96 : index
    %swap3A_505 = tpu.vector_load %arg10[%swap3A_504] {strides = array<i32>} : memref<2048xf32, #tpu.memory_space<vmem>>, vector<16xf32>,
    tpu.vector_store %arg10[%swap3A_504], %mul3A_503 {strides = array<i32>} : memref<2048xf32, #tpu.memory_space<vmem>>, vector<16xf32>,
    %and3A_506 = arith.constant 31 : i32
    %and3A_507 = vector.broadcast %and3A_506 : i32 to vector<16xi32>
    %and3A_508 = arith.andi %get3A_254, %and3A_507 : vector<16xi32>
    %shift_right_logical3A_509 = arith.shrui %gather3A_333, %and3A_508 : vector<16xi32>
    %and3A_510 = arith.constant 1 : i32
    %and3A_511 = vector.broadcast %and3A_510 : i32 to vector<16xi32>
    %and3A_512 = arith.andi %shift_right_logical3A_509, %and3A_511 : vector<16xi32>
    %convert_element_type3A_513 = arith.sitofp %and3A_512 : vector<16xi32> to vector<16xf32>
    %mul3A_514 = arith.mulf %convert_element_type3A_513, %get3A_238 : vector<16xf32>
    %swap3A_515 = arith.constant 112 : index
    %swap3A_516 = tpu.vector_load %arg10[%swap3A_515] {strides = array<i32>} : memref<2048xf32, #tpu.memory_space<vmem>>, vector<16xf32>,
    tpu.vector_store %arg10[%swap3A_515], %mul3A_514 {strides = array<i32>} : memref<2048xf32, #tpu.memory_space<vmem>>, vector<16xf32>,
    %and3A_517 = arith.constant 31 : i32
    %and3A_518 = vector.broadcast %and3A_517 : i32 to vector<16xi32>
    %and3A_519 = arith.andi %get3A_256, %and3A_518 : vector<16xi32>
    %shift_right_logical3A_520 = arith.shrui %gather3A_337, %and3A_519 : vector<16xi32>
    %and3A_521 = arith.constant 1 : i32
    %and3A_522 = vector.broadcast %and3A_521 : i32 to vector<16xi32>
    %and3A_523 = arith.andi %shift_right_logical3A_520, %and3A_522 : vector<16xi32>
    %convert_element_type3A_524 = arith.sitofp %and3A_523 : vector<16xi32> to vector<16xf32>
    %mul3A_525 = arith.mulf %convert_element_type3A_524, %get3A_238 : vector<16xf32>
    %swap3A_526 = arith.constant 128 : index
    %swap3A_527 = tpu.vector_load %arg10[%swap3A_526] {strides = array<i32>} : memref<2048xf32, #tpu.memory_space<vmem>>, vector<16xf32>,
    tpu.vector_store %arg10[%swap3A_526], %mul3A_525 {strides = array<i32>} : memref<2048xf32, #tpu.memory_space<vmem>>, vector<16xf32>,
    %and3A_528 = arith.constant 31 : i32
    %and3A_529 = vector.broadcast %and3A_528 : i32 to vector<16xi32>
    %and3A_530 = arith.andi %get3A_258, %and3A_529 : vector<16xi32>
    %shift_right_logical3A_531 = arith.shrui %gather3A_341, %and3A_530 : vector<16xi32>
    %and3A_532 = arith.constant 1 : i32
    %and3A_533 = vector.broadcast %and3A_532 : i32 to vector<16xi32>
    %and3A_534 = arith.andi %shift_right_logical3A_531, %and3A_533 : vector<16xi32>
    %convert_element_type3A_535 = arith.sitofp %and3A_534 : vector<16xi32> to vector<16xf32>
    %mul3A_536 = arith.mulf %convert_element_type3A_535, %get3A_238 : vector<16xf32>
    %swap3A_537 = arith.constant 144 : index
    %swap3A_538 = tpu.vector_load %arg10[%swap3A_537] {strides = array<i32>} : memref<2048xf32, #tpu.memory_space<vmem>>, vector<16xf32>,
    tpu.vector_store %arg10[%swap3A_537], %mul3A_536 {strides = array<i32>} : memref<2048xf32, #tpu.memory_space<vmem>>, vector<16xf32>,
    %and3A_539 = arith.constant 31 : i32
    %and3A_540 = vector.broadcast %and3A_539 : i32 to vector<16xi32>
    %and3A_541 = arith.andi %get3A_260, %and3A_540 : vector<16xi32>
    %shift_right_logical3A_542 = arith.shrui %gather3A_345, %and3A_541 : vector<16xi32>
    %and3A_543 = arith.constant 1 : i32
    %and3A_544 = vector.broadcast %and3A_543 : i32 to vector<16xi32>
    %and3A_545 = arith.andi %shift_right_logical3A_542, %and3A_544 : vector<16xi32>
    %convert_element_type3A_546 = arith.sitofp %and3A_545 : vector<16xi32> to vector<16xf32>
    %mul3A_547 = arith.mulf %convert_element_type3A_546, %get3A_238 : vector<16xf32>
    %swap3A_548 = arith.constant 160 : index
    %swap3A_549 = tpu.vector_load %arg10[%swap3A_548] {strides = array<i32>} : memref<2048xf32, #tpu.memory_space<vmem>>, vector<16xf32>,
    tpu.vector_store %arg10[%swap3A_548], %mul3A_547 {strides = array<i32>} : memref<2048xf32, #tpu.memory_space<vmem>>, vector<16xf32>,
    %and3A_550 = arith.constant 31 : i32
    %and3A_551 = vector.broadcast %and3A_550 : i32 to vector<16xi32>
    %and3A_552 = arith.andi %get3A_262, %and3A_551 : vector<16xi32>
    %shift_right_logical3A_553 = arith.shrui %gather3A_349, %and3A_552 : vector<16xi32>
    %and3A_554 = arith.constant 1 : i32
    %and3A_555 = vector.broadcast %and3A_554 : i32 to vector<16xi32>
    %and3A_556 = arith.andi %shift_right_logical3A_553, %and3A_555 : vector<16xi32>
    %convert_element_type3A_557 = arith.sitofp %and3A_556 : vector<16xi32> to vector<16xf32>
    %mul3A_558 = arith.mulf %convert_element_type3A_557, %get3A_238 : vector<16xf32>
    %swap3A_559 = arith.constant 176 : index
    %swap3A_560 = tpu.vector_load %arg10[%swap3A_559] {strides = array<i32>} : memref<2048xf32, #tpu.memory_space<vmem>>, vector<16xf32>,
    tpu.vector_store %arg10[%swap3A_559], %mul3A_558 {strides = array<i32>} : memref<2048xf32, #tpu.memory_space<vmem>>, vector<16xf32>,
    %and3A_561 = arith.constant 31 : i32
    %and3A_562 = vector.broadcast %and3A_561 : i32 to vector<16xi32>
    %and3A_563 = arith.andi %get3A_264, %and3A_562 : vector<16xi32>
    %shift_right_logical3A_564 = arith.shrui %gather3A_353, %and3A_563 : vector<16xi32>
    %and3A_565 = arith.constant 1 : i32
    %and3A_566 = vector.broadcast %and3A_565 : i32 to vector<16xi32>
    %and3A_567 = arith.andi %shift_right_logical3A_564, %and3A_566 : vector<16xi32>
    %convert_element_type3A_568 = arith.sitofp %and3A_567 : vector<16xi32> to vector<16xf32>
    %mul3A_569 = arith.mulf %convert_element_type3A_568, %get3A_238 : vector<16xf32>
    %swap3A_570 = arith.constant 192 : index
    %swap3A_571 = tpu.vector_load %arg10[%swap3A_570] {strides = array<i32>} : memref<2048xf32, #tpu.memory_space<vmem>>, vector<16xf32>,
    tpu.vector_store %arg10[%swap3A_570], %mul3A_569 {strides = array<i32>} : memref<2048xf32, #tpu.memory_space<vmem>>, vector<16xf32>,
    %and3A_572 = arith.constant 31 : i32
    %and3A_573 = vector.broadcast %and3A_572 : i32 to vector<16xi32>
    %and3A_574 = arith.andi %get3A_266, %and3A_573 : vector<16xi32>
    %shift_right_logical3A_575 = arith.shrui %gather3A_357, %and3A_574 : vector<16xi32>
    %and3A_576 = arith.constant 1 : i32
    %and3A_577 = vector.broadcast %and3A_576 : i32 to vector<16xi32>
    %and3A_578 = arith.andi %shift_right_logical3A_575, %and3A_577 : vector<16xi32>
    %convert_element_type3A_579 = arith.sitofp %and3A_578 : vector<16xi32> to vector<16xf32>
    %mul3A_580 = arith.mulf %convert_element_type3A_579, %get3A_238 : vector<16xf32>
    %swap3A_581 = arith.constant 208 : index
    %swap3A_582 = tpu.vector_load %arg10[%swap3A_581] {strides = array<i32>} : memref<2048xf32, #tpu.memory_space<vmem>>, vector<16xf32>,
    tpu.vector_store %arg10[%swap3A_581], %mul3A_580 {strides = array<i32>} : memref<2048xf32, #tpu.memory_space<vmem>>, vector<16xf32>,
    %and3A_583 = arith.constant 31 : i32
    %and3A_584 = vector.broadcast %and3A_583 : i32 to vector<16xi32>
    %and3A_585 = arith.andi %get3A_268, %and3A_584 : vector<16xi32>
    %shift_right_logical3A_586 = arith.shrui %gather3A_361, %and3A_585 : vector<16xi32>
    %and3A_587 = arith.constant 1 : i32
    %and3A_588 = vector.broadcast %and3A_587 : i32 to vector<16xi32>
    %and3A_589 = arith.andi %shift_right_logical3A_586, %and3A_588 : vector<16xi32>
    %convert_element_type3A_590 = arith.sitofp %and3A_589 : vector<16xi32> to vector<16xf32>
    %mul3A_591 = arith.mulf %convert_element_type3A_590, %get3A_238 : vector<16xf32>
    %swap3A_592 = arith.constant 224 : index
    %swap3A_593 = tpu.vector_load %arg10[%swap3A_592] {strides = array<i32>} : memref<2048xf32, #tpu.memory_space<vmem>>, vector<16xf32>,
    tpu.vector_store %arg10[%swap3A_592], %mul3A_591 {strides = array<i32>} : memref<2048xf32, #tpu.memory_space<vmem>>, vector<16xf32>,
    %and3A_594 = arith.constant 31 : i32
    %and3A_595 = vector.broadcast %and3A_594 : i32 to vector<16xi32>
    %and3A_596 = arith.andi %get3A_270, %and3A_595 : vector<16xi32>
    %shift_right_logical3A_597 = arith.shrui %gather3A_365, %and3A_596 : vector<16xi32>
    %and3A_598 = arith.constant 1 : i32
    %and3A_599 = vector.broadcast %and3A_598 : i32 to vector<16xi32>
    %and3A_600 = arith.andi %shift_right_logical3A_597, %and3A_599 : vector<16xi32>
    %convert_element_type3A_601 = arith.sitofp %and3A_600 : vector<16xi32> to vector<16xf32>
    %mul3A_602 = arith.mulf %convert_element_type3A_601, %get3A_238 : vector<16xf32>
    %swap3A_603 = arith.constant 240 : index
    %swap3A_604 = tpu.vector_load %arg10[%swap3A_603] {strides = array<i32>} : memref<2048xf32, #tpu.memory_space<vmem>>, vector<16xf32>,
    tpu.vector_store %arg10[%swap3A_603], %mul3A_602 {strides = array<i32>} : memref<2048xf32, #tpu.memory_space<vmem>>, vector<16xf32>,
    %and3A_605 = arith.constant 31 : i32
    %and3A_606 = vector.broadcast %and3A_605 : i32 to vector<16xi32>
    %and3A_607 = arith.andi %get3A_272, %and3A_606 : vector<16xi32>
    %shift_right_logical3A_608 = arith.shrui %gather3A_369, %and3A_607 : vector<16xi32>
    %and3A_609 = arith.constant 1 : i32
    %and3A_610 = vector.broadcast %and3A_609 : i32 to vector<16xi32>
    %and3A_611 = arith.andi %shift_right_logical3A_608, %and3A_610 : vector<16xi32>
    %convert_element_type3A_612 = arith.sitofp %and3A_611 : vector<16xi32> to vector<16xf32>
    %mul3A_613 = arith.mulf %convert_element_type3A_612, %get3A_238 : vector<16xf32>
    %swap3A_614 = arith.constant 256 : index
    %swap3A_615 = tpu.vector_load %arg10[%swap3A_614] {strides = array<i32>} : memref<2048xf32, #tpu.memory_space<vmem>>, vector<16xf32>,
    tpu.vector_store %arg10[%swap3A_614], %mul3A_613 {strides = array<i32>} : memref<2048xf32, #tpu.memory_space<vmem>>, vector<16xf32>,
    %and3A_616 = arith.constant 31 : i32
    %and3A_617 = vector.broadcast %and3A_616 : i32 to vector<16xi32>
    %and3A_618 = arith.andi %get3A_274, %and3A_617 : vector<16xi32>
    %shift_right_logical3A_619 = arith.shrui %gather3A_373, %and3A_618 : vector<16xi32>
    %and3A_620 = arith.constant 1 : i32
    %and3A_621 = vector.broadcast %and3A_620 : i32 to vector<16xi32>
    %and3A_622 = arith.andi %shift_right_logical3A_619, %and3A_621 : vector<16xi32>
    %convert_element_type3A_623 = arith.sitofp %and3A_622 : vector<16xi32> to vector<16xf32>
    %mul3A_624 = arith.mulf %convert_element_type3A_623, %get3A_238 : vector<16xf32>
    %swap3A_625 = arith.constant 272 : index
    %swap3A_626 = tpu.vector_load %arg10[%swap3A_625] {strides = array<i32>} : memref<2048xf32, #tpu.memory_space<vmem>>, vector<16xf32>,
    tpu.vector_store %arg10[%swap3A_625], %mul3A_624 {strides = array<i32>} : memref<2048xf32, #tpu.memory_space<vmem>>, vector<16xf32>,
    %and3A_627 = arith.constant 31 : i32
    %and3A_628 = vector.broadcast %and3A_627 : i32 to vector<16xi32>
    %and3A_629 = arith.andi %get3A_276, %and3A_628 : vector<16xi32>
    %shift_right_logical3A_630 = arith.shrui %gather3A_377, %and3A_629 : vector<16xi32>
    %and3A_631 = arith.constant 1 : i32
    %and3A_632 = vector.broadcast %and3A_631 : i32 to vector<16xi32>
    %and3A_633 = arith.andi %shift_right_logical3A_630, %and3A_632 : vector<16xi32>
    %convert_element_type3A_634 = arith.sitofp %and3A_633 : vector<16xi32> to vector<16xf32>
    %mul3A_635 = arith.mulf %convert_element_type3A_634, %get3A_238 : vector<16xf32>
    %swap3A_636 = arith.constant 288 : index
    %swap3A_637 = tpu.vector_load %arg10[%swap3A_636] {strides = array<i32>} : memref<2048xf32, #tpu.memory_space<vmem>>, vector<16xf32>,
    tpu.vector_store %arg10[%swap3A_636], %mul3A_635 {strides = array<i32>} : memref<2048xf32, #tpu.memory_space<vmem>>, vector<16xf32>,
    %and3A_638 = arith.constant 31 : i32
    %and3A_639 = vector.broadcast %and3A_638 : i32 to vector<16xi32>
    %and3A_640 = arith.andi %get3A_278, %and3A_639 : vector<16xi32>
    %shift_right_logical3A_641 = arith.shrui %gather3A_381, %and3A_640 : vector<16xi32>
    %and3A_642 = arith.constant 1 : i32
    %and3A_643 = vector.broadcast %and3A_642 : i32 to vector<16xi32>
    %and3A_644 = arith.andi %shift_right_logical3A_641, %and3A_643 : vector<16xi32>
    %convert_element_type3A_645 = arith.sitofp %and3A_644 : vector<16xi32> to vector<16xf32>
    %mul3A_646 = arith.mulf %convert_element_type3A_645, %get3A_238 : vector<16xf32>
    %swap3A_647 = arith.constant 304 : index
    %swap3A_648 = tpu.vector_load %arg10[%swap3A_647] {strides = array<i32>} : memref<2048xf32, #tpu.memory_space<vmem>>, vector<16xf32>,
    tpu.vector_store %arg10[%swap3A_647], %mul3A_646 {strides = array<i32>} : memref<2048xf32, #tpu.memory_space<vmem>>, vector<16xf32>,
    %and3A_649 = arith.constant 31 : i32
    %and3A_650 = vector.broadcast %and3A_649 : i32 to vector<16xi32>
    %and3A_651 = arith.andi %get3A_280, %and3A_650 : vector<16xi32>
    %shift_right_logical3A_652 = arith.shrui %gather3A_385, %and3A_651 : vector<16xi32>
    %and3A_653 = arith.constant 1 : i32
    %and3A_654 = vector.broadcast %and3A_653 : i32 to vector<16xi32>
    %and3A_655 = arith.andi %shift_right_logical3A_652, %and3A_654 : vector<16xi32>
    %convert_element_type3A_656 = arith.sitofp %and3A_655 : vector<16xi32> to vector<16xf32>
    %mul3A_657 = arith.mulf %convert_element_type3A_656, %get3A_238 : vector<16xf32>
    %swap3A_658 = arith.constant 320 : index
    %swap3A_659 = tpu.vector_load %arg10[%swap3A_658] {strides = array<i32>} : memref<2048xf32, #tpu.memory_space<vmem>>, vector<16xf32>,
    tpu.vector_store %arg10[%swap3A_658], %mul3A_657 {strides = array<i32>} : memref<2048xf32, #tpu.memory_space<vmem>>, vector<16xf32>,
    %and3A_660 = arith.constant 31 : i32
    %and3A_661 = vector.broadcast %and3A_660 : i32 to vector<16xi32>
    %and3A_662 = arith.andi %get3A_282, %and3A_661 : vector<16xi32>
    %shift_right_logical3A_663 = arith.shrui %gather3A_389, %and3A_662 : vector<16xi32>
    %and3A_664 = arith.constant 1 : i32
    %and3A_665 = vector.broadcast %and3A_664 : i32 to vector<16xi32>
    %and3A_666 = arith.andi %shift_right_logical3A_663, %and3A_665 : vector<16xi32>
    %convert_element_type3A_667 = arith.sitofp %and3A_666 : vector<16xi32> to vector<16xf32>
    %mul3A_668 = arith.mulf %convert_element_type3A_667, %get3A_238 : vector<16xf32>
    %swap3A_669 = arith.constant 336 : index
    %swap3A_670 = tpu.vector_load %arg10[%swap3A_669] {strides = array<i32>} : memref<2048xf32, #tpu.memory_space<vmem>>, vector<16xf32>,
    tpu.vector_store %arg10[%swap3A_669], %mul3A_668 {strides = array<i32>} : memref<2048xf32, #tpu.memory_space<vmem>>, vector<16xf32>,
    %and3A_671 = arith.constant 31 : i32
    %and3A_672 = vector.broadcast %and3A_671 : i32 to vector<16xi32>
    %and3A_673 = arith.andi %get3A_284, %and3A_672 : vector<16xi32>
    %shift_right_logical3A_674 = arith.shrui %gather3A_393, %and3A_673 : vector<16xi32>
    %and3A_675 = arith.constant 1 : i32
    %and3A_676 = vector.broadcast %and3A_675 : i32 to vector<16xi32>
    %and3A_677 = arith.andi %shift_right_logical3A_674, %and3A_676 : vector<16xi32>
    %convert_element_type3A_678 = arith.sitofp %and3A_677 : vector<16xi32> to vector<16xf32>
    %mul3A_679 = arith.mulf %convert_element_type3A_678, %get3A_238 : vector<16xf32>
    %swap3A_680 = arith.constant 352 : index
    %swap3A_681 = tpu.vector_load %arg10[%swap3A_680] {strides = array<i32>} : memref<2048xf32, #tpu.memory_space<vmem>>, vector<16xf32>,
    tpu.vector_store %arg10[%swap3A_680], %mul3A_679 {strides = array<i32>} : memref<2048xf32, #tpu.memory_space<vmem>>, vector<16xf32>,
    %and3A_682 = arith.constant 31 : i32
    %and3A_683 = vector.broadcast %and3A_682 : i32 to vector<16xi32>
    %and3A_684 = arith.andi %get3A_286, %and3A_683 : vector<16xi32>
    %shift_right_logical3A_685 = arith.shrui %gather3A_397, %and3A_684 : vector<16xi32>
    %and3A_686 = arith.constant 1 : i32
    %and3A_687 = vector.broadcast %and3A_686 : i32 to vector<16xi32>
    %and3A_688 = arith.andi %shift_right_logical3A_685, %and3A_687 : vector<16xi32>
    %convert_element_type3A_689 = arith.sitofp %and3A_688 : vector<16xi32> to vector<16xf32>
    %mul3A_690 = arith.mulf %convert_element_type3A_689, %get3A_238 : vector<16xf32>
    %swap3A_691 = arith.constant 368 : index
    %swap3A_692 = tpu.vector_load %arg10[%swap3A_691] {strides = array<i32>} : memref<2048xf32, #tpu.memory_space<vmem>>, vector<16xf32>,
    tpu.vector_store %arg10[%swap3A_691], %mul3A_690 {strides = array<i32>} : memref<2048xf32, #tpu.memory_space<vmem>>, vector<16xf32>,
    %and3A_693 = arith.constant 31 : i32
    %and3A_694 = vector.broadcast %and3A_693 : i32 to vector<16xi32>
    %and3A_695 = arith.andi %get3A_288, %and3A_694 : vector<16xi32>
    %shift_right_logical3A_696 = arith.shrui %gather3A_401, %and3A_695 : vector<16xi32>
    %and3A_697 = arith.constant 1 : i32
    %and3A_698 = vector.broadcast %and3A_697 : i32 to vector<16xi32>
    %and3A_699 = arith.andi %shift_right_logical3A_696, %and3A_698 : vector<16xi32>
    %convert_element_type3A_700 = arith.sitofp %and3A_699 : vector<16xi32> to vector<16xf32>
    %mul3A_701 = arith.mulf %convert_element_type3A_700, %get3A_238 : vector<16xf32>
    %swap3A_702 = arith.constant 384 : index
    %swap3A_703 = tpu.vector_load %arg10[%swap3A_702] {strides = array<i32>} : memref<2048xf32, #tpu.memory_space<vmem>>, vector<16xf32>,
    tpu.vector_store %arg10[%swap3A_702], %mul3A_701 {strides = array<i32>} : memref<2048xf32, #tpu.memory_space<vmem>>, vector<16xf32>,
    %and3A_704 = arith.constant 31 : i32
    %and3A_705 = vector.broadcast %and3A_704 : i32 to vector<16xi32>
    %and3A_706 = arith.andi %get3A_290, %and3A_705 : vector<16xi32>
    %shift_right_logical3A_707 = arith.shrui %gather3A_405, %and3A_706 : vector<16xi32>
    %and3A_708 = arith.constant 1 : i32
    %and3A_709 = vector.broadcast %and3A_708 : i32 to vector<16xi32>
    %and3A_710 = arith.andi %shift_right_logical3A_707, %and3A_709 : vector<16xi32>
    %convert_element_type3A_711 = arith.sitofp %and3A_710 : vector<16xi32> to vector<16xf32>
    %mul3A_712 = arith.mulf %convert_element_type3A_711, %get3A_238 : vector<16xf32>
    %swap3A_713 = arith.constant 400 : index
    %swap3A_714 = tpu.vector_load %arg10[%swap3A_713] {strides = array<i32>} : memref<2048xf32, #tpu.memory_space<vmem>>, vector<16xf32>,
    tpu.vector_store %arg10[%swap3A_713], %mul3A_712 {strides = array<i32>} : memref<2048xf32, #tpu.memory_space<vmem>>, vector<16xf32>,
    %and3A_715 = arith.constant 31 : i32
    %and3A_716 = vector.broadcast %and3A_715 : i32 to vector<16xi32>
    %and3A_717 = arith.andi %get3A_292, %and3A_716 : vector<16xi32>
    %shift_right_logical3A_718 = arith.shrui %gather3A_409, %and3A_717 : vector<16xi32>
    %and3A_719 = arith.constant 1 : i32
    %and3A_720 = vector.broadcast %and3A_719 : i32 to vector<16xi32>
    %and3A_721 = arith.andi %shift_right_logical3A_718, %and3A_720 : vector<16xi32>
    %convert_element_type3A_722 = arith.sitofp %and3A_721 : vector<16xi32> to vector<16xf32>
    %mul3A_723 = arith.mulf %convert_element_type3A_722, %get3A_238 : vector<16xf32>
    %swap3A_724 = arith.constant 416 : index
    %swap3A_725 = tpu.vector_load %arg10[%swap3A_724] {strides = array<i32>} : memref<2048xf32, #tpu.memory_space<vmem>>, vector<16xf32>,
    tpu.vector_store %arg10[%swap3A_724], %mul3A_723 {strides = array<i32>} : memref<2048xf32, #tpu.memory_space<vmem>>, vector<16xf32>,
    %and3A_726 = arith.constant 31 : i32
    %and3A_727 = vector.broadcast %and3A_726 : i32 to vector<16xi32>
    %and3A_728 = arith.andi %get3A_294, %and3A_727 : vector<16xi32>
    %shift_right_logical3A_729 = arith.shrui %gather3A_413, %and3A_728 : vector<16xi32>
    %and3A_730 = arith.constant 1 : i32
    %and3A_731 = vector.broadcast %and3A_730 : i32 to vector<16xi32>
    %and3A_732 = arith.andi %shift_right_logical3A_729, %and3A_731 : vector<16xi32>
    %convert_element_type3A_733 = arith.sitofp %and3A_732 : vector<16xi32> to vector<16xf32>
    %mul3A_734 = arith.mulf %convert_element_type3A_733, %get3A_238 : vector<16xf32>
    %swap3A_735 = arith.constant 432 : index
    %swap3A_736 = tpu.vector_load %arg10[%swap3A_735] {strides = array<i32>} : memref<2048xf32, #tpu.memory_space<vmem>>, vector<16xf32>,
    tpu.vector_store %arg10[%swap3A_735], %mul3A_734 {strides = array<i32>} : memref<2048xf32, #tpu.memory_space<vmem>>, vector<16xf32>,
    %and3A_737 = arith.constant 31 : i32
    %and3A_738 = vector.broadcast %and3A_737 : i32 to vector<16xi32>
    %and3A_739 = arith.andi %get3A_296, %and3A_738 : vector<16xi32>
    %shift_right_logical3A_740 = arith.shrui %gather3A_417, %and3A_739 : vector<16xi32>
    %and3A_741 = arith.constant 1 : i32
    %and3A_742 = vector.broadcast %and3A_741 : i32 to vector<16xi32>
    %and3A_743 = arith.andi %shift_right_logical3A_740, %and3A_742 : vector<16xi32>
    %convert_element_type3A_744 = arith.sitofp %and3A_743 : vector<16xi32> to vector<16xf32>
    %mul3A_745 = arith.mulf %convert_element_type3A_744, %get3A_238 : vector<16xf32>
    %swap3A_746 = arith.constant 448 : index
    %swap3A_747 = tpu.vector_load %arg10[%swap3A_746] {strides = array<i32>} : memref<2048xf32, #tpu.memory_space<vmem>>, vector<16xf32>,
    tpu.vector_store %arg10[%swap3A_746], %mul3A_745 {strides = array<i32>} : memref<2048xf32, #tpu.memory_space<vmem>>, vector<16xf32>,
    %and3A_748 = arith.constant 31 : i32
    %and3A_749 = vector.broadcast %and3A_748 : i32 to vector<16xi32>
    %and3A_750 = arith.andi %get3A_298, %and3A_749 : vector<16xi32>
    %shift_right_logical3A_751 = arith.shrui %gather3A_421, %and3A_750 : vector<16xi32>
    %and3A_752 = arith.constant 1 : i32
    %and3A_753 = vector.broadcast %and3A_752 : i32 to vector<16xi32>
    %and3A_754 = arith.andi %shift_right_logical3A_751, %and3A_753 : vector<16xi32>
    %convert_element_type3A_755 = arith.sitofp %and3A_754 : vector<16xi32> to vector<16xf32>
    %mul3A_756 = arith.mulf %convert_element_type3A_755, %get3A_238 : vector<16xf32>
    %swap3A_757 = arith.constant 464 : index
    %swap3A_758 = tpu.vector_load %arg10[%swap3A_757] {strides = array<i32>} : memref<2048xf32, #tpu.memory_space<vmem>>, vector<16xf32>,
    tpu.vector_store %arg10[%swap3A_757], %mul3A_756 {strides = array<i32>} : memref<2048xf32, #tpu.memory_space<vmem>>, vector<16xf32>,
    %and3A_759 = arith.constant 31 : i32
    %and3A_760 = vector.broadcast %and3A_759 : i32 to vector<16xi32>
    %and3A_761 = arith.andi %get3A_300, %and3A_760 : vector<16xi32>
    %shift_right_logical3A_762 = arith.shrui %gather3A_425, %and3A_761 : vector<16xi32>
    %and3A_763 = arith.constant 1 : i32
    %and3A_764 = vector.broadcast %and3A_763 : i32 to vector<16xi32>
    %and3A_765 = arith.andi %shift_right_logical3A_762, %and3A_764 : vector<16xi32>
    %convert_element_type3A_766 = arith.sitofp %and3A_765 : vector<16xi32> to vector<16xf32>
    %mul3A_767 = arith.mulf %convert_element_type3A_766, %get3A_238 : vector<16xf32>
    %swap3A_768 = arith.constant 480 : index
    %swap3A_769 = tpu.vector_load %arg10[%swap3A_768] {strides = array<i32>} : memref<2048xf32, #tpu.memory_space<vmem>>, vector<16xf32>,
    tpu.vector_store %arg10[%swap3A_768], %mul3A_767 {strides = array<i32>} : memref<2048xf32, #tpu.memory_space<vmem>>, vector<16xf32>,
    %and3A_770 = arith.constant 31 : i32
    %and3A_771 = vector.broadcast %and3A_770 : i32 to vector<16xi32>
    %and3A_772 = arith.andi %get3A_302, %and3A_771 : vector<16xi32>
    %shift_right_logical3A_773 = arith.shrui %gather3A_429, %and3A_772 : vector<16xi32>
    %and3A_774 = arith.constant 1 : i32
    %and3A_775 = vector.broadcast %and3A_774 : i32 to vector<16xi32>
    %and3A_776 = arith.andi %shift_right_logical3A_773, %and3A_775 : vector<16xi32>
    %convert_element_type3A_777 = arith.sitofp %and3A_776 : vector<16xi32> to vector<16xf32>
    %mul3A_778 = arith.mulf %convert_element_type3A_777, %get3A_238 : vector<16xf32>
    %swap3A_779 = arith.constant 496 : index
    %swap3A_780 = tpu.vector_load %arg10[%swap3A_779] {strides = array<i32>} : memref<2048xf32, #tpu.memory_space<vmem>>, vector<16xf32>,
    tpu.vector_store %arg10[%swap3A_779], %mul3A_778 {strides = array<i32>} : memref<2048xf32, #tpu.memory_space<vmem>>, vector<16xf32>,
    %get3A_781 = arith.constant 512 : index
    %get3A_782 = tpu.vector_load %arg6[%get3A_781] {strides = array<i32>} : memref<2048xi32, #tpu.memory_space<vmem>>, vector<16xi32>,
    %get3A_783 = arith.constant 528 : index
    %get3A_784 = tpu.vector_load %arg6[%get3A_783] {strides = array<i32>} : memref<2048xi32, #tpu.memory_space<vmem>>, vector<16xi32>,
    %get3A_785 = arith.constant 544 : index
    %get3A_786 = tpu.vector_load %arg6[%get3A_785] {strides = array<i32>} : memref<2048xi32, #tpu.memory_space<vmem>>, vector<16xi32>,
    %get3A_787 = arith.constant 560 : index
    %get3A_788 = tpu.vector_load %arg6[%get3A_787] {strides = array<i32>} : memref<2048xi32, #tpu.memory_space<vmem>>, vector<16xi32>,
    %get3A_789 = arith.constant 576 : index
    %get3A_790 = tpu.vector_load %arg6[%get3A_789] {strides = array<i32>} : memref<2048xi32, #tpu.memory_space<vmem>>, vector<16xi32>,
    %get3A_791 = arith.constant 592 : index
    %get3A_792 = tpu.vector_load %arg6[%get3A_791] {strides = array<i32>} : memref<2048xi32, #tpu.memory_space<vmem>>, vector<16xi32>,
    %get3A_793 = arith.constant 608 : index
    %get3A_794 = tpu.vector_load %arg6[%get3A_793] {strides = array<i32>} : memref<2048xi32, #tpu.memory_space<vmem>>, vector<16xi32>,
    %get3A_795 = arith.constant 624 : index
    %get3A_796 = tpu.vector_load %arg6[%get3A_795] {strides = array<i32>} : memref<2048xi32, #tpu.memory_space<vmem>>, vector<16xi32>,
    %get3A_797 = arith.constant 640 : index
    %get3A_798 = tpu.vector_load %arg6[%get3A_797] {strides = array<i32>} : memref<2048xi32, #tpu.memory_space<vmem>>, vector<16xi32>,
    %get3A_799 = arith.constant 656 : index
    %get3A_800 = tpu.vector_load %arg6[%get3A_799] {strides = array<i32>} : memref<2048xi32, #tpu.memory_space<vmem>>, vector<16xi32>,
    %get3A_801 = arith.constant 672 : index
    %get3A_802 = tpu.vector_load %arg6[%get3A_801] {strides = array<i32>} : memref<2048xi32, #tpu.memory_space<vmem>>, vector<16xi32>,
    %get3A_803 = arith.constant 688 : index
    %get3A_804 = tpu.vector_load %arg6[%get3A_803] {strides = array<i32>} : memref<2048xi32, #tpu.memory_space<vmem>>, vector<16xi32>,
    %get3A_805 = arith.constant 704 : index
    %get3A_806 = tpu.vector_load %arg6[%get3A_805] {strides = array<i32>} : memref<2048xi32, #tpu.memory_space<vmem>>, vector<16xi32>,
    %get3A_807 = arith.constant 720 : index
    %get3A_808 = tpu.vector_load %arg6[%get3A_807] {strides = array<i32>} : memref<2048xi32, #tpu.memory_space<vmem>>, vector<16xi32>,
    %get3A_809 = arith.constant 736 : index
    %get3A_810 = tpu.vector_load %arg6[%get3A_809] {strides = array<i32>} : memref<2048xi32, #tpu.memory_space<vmem>>, vector<16xi32>,
    %get3A_811 = arith.constant 752 : index
    %get3A_812 = tpu.vector_load %arg6[%get3A_811] {strides = array<i32>} : memref<2048xi32, #tpu.memory_space<vmem>>, vector<16xi32>,
    %get3A_813 = arith.constant 768 : index
    %get3A_814 = tpu.vector_load %arg6[%get3A_813] {strides = array<i32>} : memref<2048xi32, #tpu.memory_space<vmem>>, vector<16xi32>,
    %get3A_815 = arith.constant 784 : index
    %get3A_816 = tpu.vector_load %arg6[%get3A_815] {strides = array<i32>} : memref<2048xi32, #tpu.memory_space<vmem>>, vector<16xi32>,
    %get3A_817 = arith.constant 800 : index
    %get3A_818 = tpu.vector_load %arg6[%get3A_817] {strides = array<i32>} : memref<2048xi32, #tpu.memory_space<vmem>>, vector<16xi32>,
    %get3A_819 = arith.constant 816 : index
    %get3A_820 = tpu.vector_load %arg6[%get3A_819] {strides = array<i32>} : memref<2048xi32, #tpu.memory_space<vmem>>, vector<16xi32>,
    %get3A_821 = arith.constant 832 : index
    %get3A_822 = tpu.vector_load %arg6[%get3A_821] {strides = array<i32>} : memref<2048xi32, #tpu.memory_space<vmem>>, vector<16xi32>,
    %get3A_823 = arith.constant 848 : index
    %get3A_824 = tpu.vector_load %arg6[%get3A_823] {strides = array<i32>} : memref<2048xi32, #tpu.memory_space<vmem>>, vector<16xi32>,
    %get3A_825 = arith.constant 864 : index
    %get3A_826 = tpu.vector_load %arg6[%get3A_825] {strides = array<i32>} : memref<2048xi32, #tpu.memory_space<vmem>>, vector<16xi32>,
    %get3A_827 = arith.constant 880 : index
    %get3A_828 = tpu.vector_load %arg6[%get3A_827] {strides = array<i32>} : memref<2048xi32, #tpu.memory_space<vmem>>, vector<16xi32>,
    %get3A_829 = arith.constant 896 : index
    %get3A_830 = tpu.vector_load %arg6[%get3A_829] {strides = array<i32>} : memref<2048xi32, #tpu.memory_space<vmem>>, vector<16xi32>,
    %get3A_831 = arith.constant 912 : index
    %get3A_832 = tpu.vector_load %arg6[%get3A_831] {strides = array<i32>} : memref<2048xi32, #tpu.memory_space<vmem>>, vector<16xi32>,
    %get3A_833 = arith.constant 928 : index
    %get3A_834 = tpu.vector_load %arg6[%get3A_833] {strides = array<i32>} : memref<2048xi32, #tpu.memory_space<vmem>>, vector<16xi32>,
    %get3A_835 = arith.constant 944 : index
    %get3A_836 = tpu.vector_load %arg6[%get3A_835] {strides = array<i32>} : memref<2048xi32, #tpu.memory_space<vmem>>, vector<16xi32>,
    %get3A_837 = arith.constant 960 : index
    %get3A_838 = tpu.vector_load %arg6[%get3A_837] {strides = array<i32>} : memref<2048xi32, #tpu.memory_space<vmem>>, vector<16xi32>,
    %get3A_839 = arith.constant 976 : index
    %get3A_840 = tpu.vector_load %arg6[%get3A_839] {strides = array<i32>} : memref<2048xi32, #tpu.memory_space<vmem>>, vector<16xi32>,
    %get3A_841 = arith.constant 992 : index
    %get3A_842 = tpu.vector_load %arg6[%get3A_841] {strides = array<i32>} : memref<2048xi32, #tpu.memory_space<vmem>>, vector<16xi32>,
    %get3A_843 = arith.constant 1008 : index
    %get3A_844 = tpu.vector_load %arg6[%get3A_843] {strides = array<i32>} : memref<2048xi32, #tpu.memory_space<vmem>>, vector<16xi32>,
    %shift_right_logical3A_845 = arith.constant 5 : i32
    %shift_right_logical3A_846 = vector.broadcast %shift_right_logical3A_845 : i32 to vector<16xi32>
    %shift_right_logical3A_847 = arith.shrui %get3A_782, %shift_right_logical3A_846 : vector<16xi32>
    %gather3A_848 = tpu.vector_load_idx %arg9[%shift_right_logical3A_847] : memref<1584xi32, #tpu.memory_space<vmem>>[vector<16xi32>], vector<16xi32>,
    %shift_right_logical3A_849 = arith.constant 5 : i32
    %shift_right_logical3A_850 = vector.broadcast %shift_right_logical3A_849 : i32 to vector<16xi32>
    %shift_right_logical3A_851 = arith.shrui %get3A_784, %shift_right_logical3A_850 : vector<16xi32>
    %gather3A_852 = tpu.vector_load_idx %arg9[%shift_right_logical3A_851] : memref<1584xi32, #tpu.memory_space<vmem>>[vector<16xi32>], vector<16xi32>,
    %shift_right_logical3A_853 = arith.constant 5 : i32
    %shift_right_logical3A_854 = vector.broadcast %shift_right_logical3A_853 : i32 to vector<16xi32>
    %shift_right_logical3A_855 = arith.shrui %get3A_786, %shift_right_logical3A_854 : vector<16xi32>
    %gather3A_856 = tpu.vector_load_idx %arg9[%shift_right_logical3A_855] : memref<1584xi32, #tpu.memory_space<vmem>>[vector<16xi32>], vector<16xi32>,
    %shift_right_logical3A_857 = arith.constant 5 : i32
    %shift_right_logical3A_858 = vector.broadcast %shift_right_logical3A_857 : i32 to vector<16xi32>
    %shift_right_logical3A_859 = arith.shrui %get3A_788, %shift_right_logical3A_858 : vector<16xi32>
    %gather3A_860 = tpu.vector_load_idx %arg9[%shift_right_logical3A_859] : memref<1584xi32, #tpu.memory_space<vmem>>[vector<16xi32>], vector<16xi32>,
    %shift_right_logical3A_861 = arith.constant 5 : i32
    %shift_right_logical3A_862 = vector.broadcast %shift_right_logical3A_861 : i32 to vector<16xi32>
    %shift_right_logical3A_863 = arith.shrui %get3A_790, %shift_right_logical3A_862 : vector<16xi32>
    %gather3A_864 = tpu.vector_load_idx %arg9[%shift_right_logical3A_863] : memref<1584xi32, #tpu.memory_space<vmem>>[vector<16xi32>], vector<16xi32>,
    %shift_right_logical3A_865 = arith.constant 5 : i32
    %shift_right_logical3A_866 = vector.broadcast %shift_right_logical3A_865 : i32 to vector<16xi32>
    %shift_right_logical3A_867 = arith.shrui %get3A_792, %shift_right_logical3A_866 : vector<16xi32>
    %gather3A_868 = tpu.vector_load_idx %arg9[%shift_right_logical3A_867] : memref<1584xi32, #tpu.memory_space<vmem>>[vector<16xi32>], vector<16xi32>,
    %shift_right_logical3A_869 = arith.constant 5 : i32
    %shift_right_logical3A_870 = vector.broadcast %shift_right_logical3A_869 : i32 to vector<16xi32>
    %shift_right_logical3A_871 = arith.shrui %get3A_794, %shift_right_logical3A_870 : vector<16xi32>
    %gather3A_872 = tpu.vector_load_idx %arg9[%shift_right_logical3A_871] : memref<1584xi32, #tpu.memory_space<vmem>>[vector<16xi32>], vector<16xi32>,
    %shift_right_logical3A_873 = arith.constant 5 : i32
    %shift_right_logical3A_874 = vector.broadcast %shift_right_logical3A_873 : i32 to vector<16xi32>
    %shift_right_logical3A_875 = arith.shrui %get3A_796, %shift_right_logical3A_874 : vector<16xi32>
    %gather3A_876 = tpu.vector_load_idx %arg9[%shift_right_logical3A_875] : memref<1584xi32, #tpu.memory_space<vmem>>[vector<16xi32>], vector<16xi32>,
    %shift_right_logical3A_877 = arith.constant 5 : i32
    %shift_right_logical3A_878 = vector.broadcast %shift_right_logical3A_877 : i32 to vector<16xi32>
    %shift_right_logical3A_879 = arith.shrui %get3A_798, %shift_right_logical3A_878 : vector<16xi32>
    %gather3A_880 = tpu.vector_load_idx %arg9[%shift_right_logical3A_879] : memref<1584xi32, #tpu.memory_space<vmem>>[vector<16xi32>], vector<16xi32>,
    %shift_right_logical3A_881 = arith.constant 5 : i32
    %shift_right_logical3A_882 = vector.broadcast %shift_right_logical3A_881 : i32 to vector<16xi32>
    %shift_right_logical3A_883 = arith.shrui %get3A_800, %shift_right_logical3A_882 : vector<16xi32>
    %gather3A_884 = tpu.vector_load_idx %arg9[%shift_right_logical3A_883] : memref<1584xi32, #tpu.memory_space<vmem>>[vector<16xi32>], vector<16xi32>,
    %shift_right_logical3A_885 = arith.constant 5 : i32
    %shift_right_logical3A_886 = vector.broadcast %shift_right_logical3A_885 : i32 to vector<16xi32>
    %shift_right_logical3A_887 = arith.shrui %get3A_802, %shift_right_logical3A_886 : vector<16xi32>
    %gather3A_888 = tpu.vector_load_idx %arg9[%shift_right_logical3A_887] : memref<1584xi32, #tpu.memory_space<vmem>>[vector<16xi32>], vector<16xi32>,
    %shift_right_logical3A_889 = arith.constant 5 : i32
    %shift_right_logical3A_890 = vector.broadcast %shift_right_logical3A_889 : i32 to vector<16xi32>
    %shift_right_logical3A_891 = arith.shrui %get3A_804, %shift_right_logical3A_890 : vector<16xi32>
    %gather3A_892 = tpu.vector_load_idx %arg9[%shift_right_logical3A_891] : memref<1584xi32, #tpu.memory_space<vmem>>[vector<16xi32>], vector<16xi32>,
    %shift_right_logical3A_893 = arith.constant 5 : i32
    %shift_right_logical3A_894 = vector.broadcast %shift_right_logical3A_893 : i32 to vector<16xi32>
    %shift_right_logical3A_895 = arith.shrui %get3A_806, %shift_right_logical3A_894 : vector<16xi32>
    %gather3A_896 = tpu.vector_load_idx %arg9[%shift_right_logical3A_895] : memref<1584xi32, #tpu.memory_space<vmem>>[vector<16xi32>], vector<16xi32>,
    %shift_right_logical3A_897 = arith.constant 5 : i32
    %shift_right_logical3A_898 = vector.broadcast %shift_right_logical3A_897 : i32 to vector<16xi32>
    %shift_right_logical3A_899 = arith.shrui %get3A_808, %shift_right_logical3A_898 : vector<16xi32>
    %gather3A_900 = tpu.vector_load_idx %arg9[%shift_right_logical3A_899] : memref<1584xi32, #tpu.memory_space<vmem>>[vector<16xi32>], vector<16xi32>,
    %shift_right_logical3A_901 = arith.constant 5 : i32
    %shift_right_logical3A_902 = vector.broadcast %shift_right_logical3A_901 : i32 to vector<16xi32>
    %shift_right_logical3A_903 = arith.shrui %get3A_810, %shift_right_logical3A_902 : vector<16xi32>
    %gather3A_904 = tpu.vector_load_idx %arg9[%shift_right_logical3A_903] : memref<1584xi32, #tpu.memory_space<vmem>>[vector<16xi32>], vector<16xi32>,
    %shift_right_logical3A_905 = arith.constant 5 : i32
    %shift_right_logical3A_906 = vector.broadcast %shift_right_logical3A_905 : i32 to vector<16xi32>
    %shift_right_logical3A_907 = arith.shrui %get3A_812, %shift_right_logical3A_906 : vector<16xi32>
    %gather3A_908 = tpu.vector_load_idx %arg9[%shift_right_logical3A_907] : memref<1584xi32, #tpu.memory_space<vmem>>[vector<16xi32>], vector<16xi32>,
    %shift_right_logical3A_909 = arith.constant 5 : i32
    %shift_right_logical3A_910 = vector.broadcast %shift_right_logical3A_909 : i32 to vector<16xi32>
    %shift_right_logical3A_911 = arith.shrui %get3A_814, %shift_right_logical3A_910 : vector<16xi32>
    %gather3A_912 = tpu.vector_load_idx %arg9[%shift_right_logical3A_911] : memref<1584xi32, #tpu.memory_space<vmem>>[vector<16xi32>], vector<16xi32>,
    %shift_right_logical3A_913 = arith.constant 5 : i32
    %shift_right_logical3A_914 = vector.broadcast %shift_right_logical3A_913 : i32 to vector<16xi32>
    %shift_right_logical3A_915 = arith.shrui %get3A_816, %shift_right_logical3A_914 : vector<16xi32>
    %gather3A_916 = tpu.vector_load_idx %arg9[%shift_right_logical3A_915] : memref<1584xi32, #tpu.memory_space<vmem>>[vector<16xi32>], vector<16xi32>,
    %shift_right_logical3A_917 = arith.constant 5 : i32
    %shift_right_logical3A_918 = vector.broadcast %shift_right_logical3A_917 : i32 to vector<16xi32>
    %shift_right_logical3A_919 = arith.shrui %get3A_818, %shift_right_logical3A_918 : vector<16xi32>
    %gather3A_920 = tpu.vector_load_idx %arg9[%shift_right_logical3A_919] : memref<1584xi32, #tpu.memory_space<vmem>>[vector<16xi32>], vector<16xi32>,
    %shift_right_logical3A_921 = arith.constant 5 : i32
    %shift_right_logical3A_922 = vector.broadcast %shift_right_logical3A_921 : i32 to vector<16xi32>
    %shift_right_logical3A_923 = arith.shrui %get3A_820, %shift_right_logical3A_922 : vector<16xi32>
    %gather3A_924 = tpu.vector_load_idx %arg9[%shift_right_logical3A_923] : memref<1584xi32, #tpu.memory_space<vmem>>[vector<16xi32>], vector<16xi32>,
    %shift_right_logical3A_925 = arith.constant 5 : i32
    %shift_right_logical3A_926 = vector.broadcast %shift_right_logical3A_925 : i32 to vector<16xi32>
    %shift_right_logical3A_927 = arith.shrui %get3A_822, %shift_right_logical3A_926 : vector<16xi32>
    %gather3A_928 = tpu.vector_load_idx %arg9[%shift_right_logical3A_927] : memref<1584xi32, #tpu.memory_space<vmem>>[vector<16xi32>], vector<16xi32>,
    %shift_right_logical3A_929 = arith.constant 5 : i32
    %shift_right_logical3A_930 = vector.broadcast %shift_right_logical3A_929 : i32 to vector<16xi32>
    %shift_right_logical3A_931 = arith.shrui %get3A_824, %shift_right_logical3A_930 : vector<16xi32>
    %gather3A_932 = tpu.vector_load_idx %arg9[%shift_right_logical3A_931] : memref<1584xi32, #tpu.memory_space<vmem>>[vector<16xi32>], vector<16xi32>,
    %shift_right_logical3A_933 = arith.constant 5 : i32
    %shift_right_logical3A_934 = vector.broadcast %shift_right_logical3A_933 : i32 to vector<16xi32>
    %shift_right_logical3A_935 = arith.shrui %get3A_826, %shift_right_logical3A_934 : vector<16xi32>
    %gather3A_936 = tpu.vector_load_idx %arg9[%shift_right_logical3A_935] : memref<1584xi32, #tpu.memory_space<vmem>>[vector<16xi32>], vector<16xi32>,
    %shift_right_logical3A_937 = arith.constant 5 : i32
    %shift_right_logical3A_938 = vector.broadcast %shift_right_logical3A_937 : i32 to vector<16xi32>
    %shift_right_logical3A_939 = arith.shrui %get3A_828, %shift_right_logical3A_938 : vector<16xi32>
    %gather3A_940 = tpu.vector_load_idx %arg9[%shift_right_logical3A_939] : memref<1584xi32, #tpu.memory_space<vmem>>[vector<16xi32>], vector<16xi32>,
    %shift_right_logical3A_941 = arith.constant 5 : i32
    %shift_right_logical3A_942 = vector.broadcast %shift_right_logical3A_941 : i32 to vector<16xi32>
    %shift_right_logical3A_943 = arith.shrui %get3A_830, %shift_right_logical3A_942 : vector<16xi32>
    %gather3A_944 = tpu.vector_load_idx %arg9[%shift_right_logical3A_943] : memref<1584xi32, #tpu.memory_space<vmem>>[vector<16xi32>], vector<16xi32>,
    %shift_right_logical3A_945 = arith.constant 5 : i32
    %shift_right_logical3A_946 = vector.broadcast %shift_right_logical3A_945 : i32 to vector<16xi32>
    %shift_right_logical3A_947 = arith.shrui %get3A_832, %shift_right_logical3A_946 : vector<16xi32>
    %gather3A_948 = tpu.vector_load_idx %arg9[%shift_right_logical3A_947] : memref<1584xi32, #tpu.memory_space<vmem>>[vector<16xi32>], vector<16xi32>,
    %shift_right_logical3A_949 = arith.constant 5 : i32
    %shift_right_logical3A_950 = vector.broadcast %shift_right_logical3A_949 : i32 to vector<16xi32>
    %shift_right_logical3A_951 = arith.shrui %get3A_834, %shift_right_logical3A_950 : vector<16xi32>
    %gather3A_952 = tpu.vector_load_idx %arg9[%shift_right_logical3A_951] : memref<1584xi32, #tpu.memory_space<vmem>>[vector<16xi32>], vector<16xi32>,
    %shift_right_logical3A_953 = arith.constant 5 : i32
    %shift_right_logical3A_954 = vector.broadcast %shift_right_logical3A_953 : i32 to vector<16xi32>
    %shift_right_logical3A_955 = arith.shrui %get3A_836, %shift_right_logical3A_954 : vector<16xi32>
    %gather3A_956 = tpu.vector_load_idx %arg9[%shift_right_logical3A_955] : memref<1584xi32, #tpu.memory_space<vmem>>[vector<16xi32>], vector<16xi32>,
    %shift_right_logical3A_957 = arith.constant 5 : i32
    %shift_right_logical3A_958 = vector.broadcast %shift_right_logical3A_957 : i32 to vector<16xi32>
    %shift_right_logical3A_959 = arith.shrui %get3A_838, %shift_right_logical3A_958 : vector<16xi32>
    %gather3A_960 = tpu.vector_load_idx %arg9[%shift_right_logical3A_959] : memref<1584xi32, #tpu.memory_space<vmem>>[vector<16xi32>], vector<16xi32>,
    %shift_right_logical3A_961 = arith.constant 5 : i32
    %shift_right_logical3A_962 = vector.broadcast %shift_right_logical3A_961 : i32 to vector<16xi32>
    %shift_right_logical3A_963 = arith.shrui %get3A_840, %shift_right_logical3A_962 : vector<16xi32>
    %gather3A_964 = tpu.vector_load_idx %arg9[%shift_right_logical3A_963] : memref<1584xi32, #tpu.memory_space<vmem>>[vector<16xi32>], vector<16xi32>,
    %shift_right_logical3A_965 = arith.constant 5 : i32
    %shift_right_logical3A_966 = vector.broadcast %shift_right_logical3A_965 : i32 to vector<16xi32>
    %shift_right_logical3A_967 = arith.shrui %get3A_842, %shift_right_logical3A_966 : vector<16xi32>
    %gather3A_968 = tpu.vector_load_idx %arg9[%shift_right_logical3A_967] : memref<1584xi32, #tpu.memory_space<vmem>>[vector<16xi32>], vector<16xi32>,
    %shift_right_logical3A_969 = arith.constant 5 : i32
    %shift_right_logical3A_970 = vector.broadcast %shift_right_logical3A_969 : i32 to vector<16xi32>
    %shift_right_logical3A_971 = arith.shrui %get3A_844, %shift_right_logical3A_970 : vector<16xi32>
    %gather3A_972 = tpu.vector_load_idx %arg9[%shift_right_logical3A_971] : memref<1584xi32, #tpu.memory_space<vmem>>[vector<16xi32>], vector<16xi32>,
    %and3A_973 = arith.constant 31 : i32
    %and3A_974 = vector.broadcast %and3A_973 : i32 to vector<16xi32>
    %and3A_975 = arith.andi %get3A_782, %and3A_974 : vector<16xi32>
    %shift_right_logical3A_976 = arith.shrui %gather3A_848, %and3A_975 : vector<16xi32>
    %and3A_977 = arith.constant 1 : i32
    %and3A_978 = vector.broadcast %and3A_977 : i32 to vector<16xi32>
    %and3A_979 = arith.andi %shift_right_logical3A_976, %and3A_978 : vector<16xi32>
    %convert_element_type3A_980 = arith.sitofp %and3A_979 : vector<16xi32> to vector<16xf32>
    %mul3A_981 = arith.mulf %convert_element_type3A_980, %get3A_238 : vector<16xf32>
    %swap3A_982 = arith.constant 512 : index
    %swap3A_983 = tpu.vector_load %arg10[%swap3A_982] {strides = array<i32>} : memref<2048xf32, #tpu.memory_space<vmem>>, vector<16xf32>,
    tpu.vector_store %arg10[%swap3A_982], %mul3A_981 {strides = array<i32>} : memref<2048xf32, #tpu.memory_space<vmem>>, vector<16xf32>,
    %and3A_984 = arith.constant 31 : i32
    %and3A_985 = vector.broadcast %and3A_984 : i32 to vector<16xi32>
    %and3A_986 = arith.andi %get3A_784, %and3A_985 : vector<16xi32>
    %shift_right_logical3A_987 = arith.shrui %gather3A_852, %and3A_986 : vector<16xi32>
    %and3A_988 = arith.constant 1 : i32
    %and3A_989 = vector.broadcast %and3A_988 : i32 to vector<16xi32>
    %and3A_990 = arith.andi %shift_right_logical3A_987, %and3A_989 : vector<16xi32>
    %convert_element_type3A_991 = arith.sitofp %and3A_990 : vector<16xi32> to vector<16xf32>
    %mul3A_992 = arith.mulf %convert_element_type3A_991, %get3A_238 : vector<16xf32>
    %swap3A_993 = arith.constant 528 : index
    %swap3A_994 = tpu.vector_load %arg10[%swap3A_993] {strides = array<i32>} : memref<2048xf32, #tpu.memory_space<vmem>>, vector<16xf32>,
    tpu.vector_store %arg10[%swap3A_993], %mul3A_992 {strides = array<i32>} : memref<2048xf32, #tpu.memory_space<vmem>>, vector<16xf32>,
    %and3A_995 = arith.constant 31 : i32
    %and3A_996 = vector.broadcast %and3A_995 : i32 to vector<16xi32>
    %and3A_997 = arith.andi %get3A_786, %and3A_996 : vector<16xi32>
    %shift_right_logical3A_998 = arith.shrui %gather3A_856, %and3A_997 : vector<16xi32>
    %and3A_999 = arith.constant 1 : i32
    %and3A_1000 = vector.broadcast %and3A_999 : i32 to vector<16xi32>
    %and3A_1001 = arith.andi %shift_right_logical3A_998, %and3A_1000 : vector<16xi32>
    %convert_element_type3A_1002 = arith.sitofp %and3A_1001 : vector<16xi32> to vector<16xf32>
    %mul3A_1003 = arith.mulf %convert_element_type3A_1002, %get3A_238 : vector<16xf32>
    %swap3A_1004 = arith.constant 544 : index
    %swap3A_1005 = tpu.vector_load %arg10[%swap3A_1004] {strides = array<i32>} : memref<2048xf32, #tpu.memory_space<vmem>>, vector<16xf32>,
    tpu.vector_store %arg10[%swap3A_1004], %mul3A_1003 {strides = array<i32>} : memref<2048xf32, #tpu.memory_space<vmem>>, vector<16xf32>,
    %and3A_1006 = arith.constant 31 : i32
    %and3A_1007 = vector.broadcast %and3A_1006 : i32 to vector<16xi32>
    %and3A_1008 = arith.andi %get3A_788, %and3A_1007 : vector<16xi32>
    %shift_right_logical3A_1009 = arith.shrui %gather3A_860, %and3A_1008 : vector<16xi32>
    %and3A_1010 = arith.constant 1 : i32
    %and3A_1011 = vector.broadcast %and3A_1010 : i32 to vector<16xi32>
    %and3A_1012 = arith.andi %shift_right_logical3A_1009, %and3A_1011 : vector<16xi32>
    %convert_element_type3A_1013 = arith.sitofp %and3A_1012 : vector<16xi32> to vector<16xf32>
    %mul3A_1014 = arith.mulf %convert_element_type3A_1013, %get3A_238 : vector<16xf32>
    %swap3A_1015 = arith.constant 560 : index
    %swap3A_1016 = tpu.vector_load %arg10[%swap3A_1015] {strides = array<i32>} : memref<2048xf32, #tpu.memory_space<vmem>>, vector<16xf32>,
    tpu.vector_store %arg10[%swap3A_1015], %mul3A_1014 {strides = array<i32>} : memref<2048xf32, #tpu.memory_space<vmem>>, vector<16xf32>,
    %and3A_1017 = arith.constant 31 : i32
    %and3A_1018 = vector.broadcast %and3A_1017 : i32 to vector<16xi32>
    %and3A_1019 = arith.andi %get3A_790, %and3A_1018 : vector<16xi32>
    %shift_right_logical3A_1020 = arith.shrui %gather3A_864, %and3A_1019 : vector<16xi32>
    %and3A_1021 = arith.constant 1 : i32
    %and3A_1022 = vector.broadcast %and3A_1021 : i32 to vector<16xi32>
    %and3A_1023 = arith.andi %shift_right_logical3A_1020, %and3A_1022 : vector<16xi32>
    %convert_element_type3A_1024 = arith.sitofp %and3A_1023 : vector<16xi32> to vector<16xf32>
    %mul3A_1025 = arith.mulf %convert_element_type3A_1024, %get3A_238 : vector<16xf32>
    %swap3A_1026 = arith.constant 576 : index
    %swap3A_1027 = tpu.vector_load %arg10[%swap3A_1026] {strides = array<i32>} : memref<2048xf32, #tpu.memory_space<vmem>>, vector<16xf32>,
    tpu.vector_store %arg10[%swap3A_1026], %mul3A_1025 {strides = array<i32>} : memref<2048xf32, #tpu.memory_space<vmem>>, vector<16xf32>,
    %and3A_1028 = arith.constant 31 : i32
    %and3A_1029 = vector.broadcast %and3A_1028 : i32 to vector<16xi32>
    %and3A_1030 = arith.andi %get3A_792, %and3A_1029 : vector<16xi32>
    %shift_right_logical3A_1031 = arith.shrui %gather3A_868, %and3A_1030 : vector<16xi32>
    %and3A_1032 = arith.constant 1 : i32
    %and3A_1033 = vector.broadcast %and3A_1032 : i32 to vector<16xi32>
    %and3A_1034 = arith.andi %shift_right_logical3A_1031, %and3A_1033 : vector<16xi32>
    %convert_element_type3A_1035 = arith.sitofp %and3A_1034 : vector<16xi32> to vector<16xf32>
    %mul3A_1036 = arith.mulf %convert_element_type3A_1035, %get3A_238 : vector<16xf32>
    %swap3A_1037 = arith.constant 592 : index
    %swap3A_1038 = tpu.vector_load %arg10[%swap3A_1037] {strides = array<i32>} : memref<2048xf32, #tpu.memory_space<vmem>>, vector<16xf32>,
    tpu.vector_store %arg10[%swap3A_1037], %mul3A_1036 {strides = array<i32>} : memref<2048xf32, #tpu.memory_space<vmem>>, vector<16xf32>,
    %and3A_1039 = arith.constant 31 : i32
    %and3A_1040 = vector.broadcast %and3A_1039 : i32 to vector<16xi32>
    %and3A_1041 = arith.andi %get3A_794, %and3A_1040 : vector<16xi32>
    %shift_right_logical3A_1042 = arith.shrui %gather3A_872, %and3A_1041 : vector<16xi32>
    %and3A_1043 = arith.constant 1 : i32
    %and3A_1044 = vector.broadcast %and3A_1043 : i32 to vector<16xi32>
    %and3A_1045 = arith.andi %shift_right_logical3A_1042, %and3A_1044 : vector<16xi32>
    %convert_element_type3A_1046 = arith.sitofp %and3A_1045 : vector<16xi32> to vector<16xf32>
    %mul3A_1047 = arith.mulf %convert_element_type3A_1046, %get3A_238 : vector<16xf32>
    %swap3A_1048 = arith.constant 608 : index
    %swap3A_1049 = tpu.vector_load %arg10[%swap3A_1048] {strides = array<i32>} : memref<2048xf32, #tpu.memory_space<vmem>>, vector<16xf32>,
    tpu.vector_store %arg10[%swap3A_1048], %mul3A_1047 {strides = array<i32>} : memref<2048xf32, #tpu.memory_space<vmem>>, vector<16xf32>,
    %and3A_1050 = arith.constant 31 : i32
    %and3A_1051 = vector.broadcast %and3A_1050 : i32 to vector<16xi32>
    %and3A_1052 = arith.andi %get3A_796, %and3A_1051 : vector<16xi32>
    %shift_right_logical3A_1053 = arith.shrui %gather3A_876, %and3A_1052 : vector<16xi32>
    %and3A_1054 = arith.constant 1 : i32
    %and3A_1055 = vector.broadcast %and3A_1054 : i32 to vector<16xi32>
    %and3A_1056 = arith.andi %shift_right_logical3A_1053, %and3A_1055 : vector<16xi32>
    %convert_element_type3A_1057 = arith.sitofp %and3A_1056 : vector<16xi32> to vector<16xf32>
    %mul3A_1058 = arith.mulf %convert_element_type3A_1057, %get3A_238 : vector<16xf32>
    %swap3A_1059 = arith.constant 624 : index
    %swap3A_1060 = tpu.vector_load %arg10[%swap3A_1059] {strides = array<i32>} : memref<2048xf32, #tpu.memory_space<vmem>>, vector<16xf32>,
    tpu.vector_store %arg10[%swap3A_1059], %mul3A_1058 {strides = array<i32>} : memref<2048xf32, #tpu.memory_space<vmem>>, vector<16xf32>,
    %and3A_1061 = arith.constant 31 : i32
    %and3A_1062 = vector.broadcast %and3A_1061 : i32 to vector<16xi32>
    %and3A_1063 = arith.andi %get3A_798, %and3A_1062 : vector<16xi32>
    %shift_right_logical3A_1064 = arith.shrui %gather3A_880, %and3A_1063 : vector<16xi32>
    %and3A_1065 = arith.constant 1 : i32
    %and3A_1066 = vector.broadcast %and3A_1065 : i32 to vector<16xi32>
    %and3A_1067 = arith.andi %shift_right_logical3A_1064, %and3A_1066 : vector<16xi32>
    %convert_element_type3A_1068 = arith.sitofp %and3A_1067 : vector<16xi32> to vector<16xf32>
    %mul3A_1069 = arith.mulf %convert_element_type3A_1068, %get3A_238 : vector<16xf32>
    %swap3A_1070 = arith.constant 640 : index
    %swap3A_1071 = tpu.vector_load %arg10[%swap3A_1070] {strides = array<i32>} : memref<2048xf32, #tpu.memory_space<vmem>>, vector<16xf32>,
    tpu.vector_store %arg10[%swap3A_1070], %mul3A_1069 {strides = array<i32>} : memref<2048xf32, #tpu.memory_space<vmem>>, vector<16xf32>,
    %and3A_1072 = arith.constant 31 : i32
    %and3A_1073 = vector.broadcast %and3A_1072 : i32 to vector<16xi32>
    %and3A_1074 = arith.andi %get3A_800, %and3A_1073 : vector<16xi32>
    %shift_right_logical3A_1075 = arith.shrui %gather3A_884, %and3A_1074 : vector<16xi32>
    %and3A_1076 = arith.constant 1 : i32
    %and3A_1077 = vector.broadcast %and3A_1076 : i32 to vector<16xi32>
    %and3A_1078 = arith.andi %shift_right_logical3A_1075, %and3A_1077 : vector<16xi32>
    %convert_element_type3A_1079 = arith.sitofp %and3A_1078 : vector<16xi32> to vector<16xf32>
    %mul3A_1080 = arith.mulf %convert_element_type3A_1079, %get3A_238 : vector<16xf32>
    %swap3A_1081 = arith.constant 656 : index
    %swap3A_1082 = tpu.vector_load %arg10[%swap3A_1081] {strides = array<i32>} : memref<2048xf32, #tpu.memory_space<vmem>>, vector<16xf32>,
    tpu.vector_store %arg10[%swap3A_1081], %mul3A_1080 {strides = array<i32>} : memref<2048xf32, #tpu.memory_space<vmem>>, vector<16xf32>,
    %and3A_1083 = arith.constant 31 : i32
    %and3A_1084 = vector.broadcast %and3A_1083 : i32 to vector<16xi32>
    %and3A_1085 = arith.andi %get3A_802, %and3A_1084 : vector<16xi32>
    %shift_right_logical3A_1086 = arith.shrui %gather3A_888, %and3A_1085 : vector<16xi32>
    %and3A_1087 = arith.constant 1 : i32
    %and3A_1088 = vector.broadcast %and3A_1087 : i32 to vector<16xi32>
    %and3A_1089 = arith.andi %shift_right_logical3A_1086, %and3A_1088 : vector<16xi32>
    %convert_element_type3A_1090 = arith.sitofp %and3A_1089 : vector<16xi32> to vector<16xf32>
    %mul3A_1091 = arith.mulf %convert_element_type3A_1090, %get3A_238 : vector<16xf32>
    %swap3A_1092 = arith.constant 672 : index
    %swap3A_1093 = tpu.vector_load %arg10[%swap3A_1092] {strides = array<i32>} : memref<2048xf32, #tpu.memory_space<vmem>>, vector<16xf32>,
    tpu.vector_store %arg10[%swap3A_1092], %mul3A_1091 {strides = array<i32>} : memref<2048xf32, #tpu.memory_space<vmem>>, vector<16xf32>,
    %and3A_1094 = arith.constant 31 : i32
    %and3A_1095 = vector.broadcast %and3A_1094 : i32 to vector<16xi32>
    %and3A_1096 = arith.andi %get3A_804, %and3A_1095 : vector<16xi32>
    %shift_right_logical3A_1097 = arith.shrui %gather3A_892, %and3A_1096 : vector<16xi32>
    %and3A_1098 = arith.constant 1 : i32
    %and3A_1099 = vector.broadcast %and3A_1098 : i32 to vector<16xi32>
    %and3A_1100 = arith.andi %shift_right_logical3A_1097, %and3A_1099 : vector<16xi32>
    %convert_element_type3A_1101 = arith.sitofp %and3A_1100 : vector<16xi32> to vector<16xf32>
    %mul3A_1102 = arith.mulf %convert_element_type3A_1101, %get3A_238 : vector<16xf32>
    %swap3A_1103 = arith.constant 688 : index
    %swap3A_1104 = tpu.vector_load %arg10[%swap3A_1103] {strides = array<i32>} : memref<2048xf32, #tpu.memory_space<vmem>>, vector<16xf32>,
    tpu.vector_store %arg10[%swap3A_1103], %mul3A_1102 {strides = array<i32>} : memref<2048xf32, #tpu.memory_space<vmem>>, vector<16xf32>,
    %and3A_1105 = arith.constant 31 : i32
    %and3A_1106 = vector.broadcast %and3A_1105 : i32 to vector<16xi32>
    %and3A_1107 = arith.andi %get3A_806, %and3A_1106 : vector<16xi32>
    %shift_right_logical3A_1108 = arith.shrui %gather3A_896, %and3A_1107 : vector<16xi32>
    %and3A_1109 = arith.constant 1 : i32
    %and3A_1110 = vector.broadcast %and3A_1109 : i32 to vector<16xi32>
    %and3A_1111 = arith.andi %shift_right_logical3A_1108, %and3A_1110 : vector<16xi32>
    %convert_element_type3A_1112 = arith.sitofp %and3A_1111 : vector<16xi32> to vector<16xf32>
    %mul3A_1113 = arith.mulf %convert_element_type3A_1112, %get3A_238 : vector<16xf32>
    %swap3A_1114 = arith.constant 704 : index
    %swap3A_1115 = tpu.vector_load %arg10[%swap3A_1114] {strides = array<i32>} : memref<2048xf32, #tpu.memory_space<vmem>>, vector<16xf32>,
    tpu.vector_store %arg10[%swap3A_1114], %mul3A_1113 {strides = array<i32>} : memref<2048xf32, #tpu.memory_space<vmem>>, vector<16xf32>,
    %and3A_1116 = arith.constant 31 : i32
    %and3A_1117 = vector.broadcast %and3A_1116 : i32 to vector<16xi32>
    %and3A_1118 = arith.andi %get3A_808, %and3A_1117 : vector<16xi32>
    %shift_right_logical3A_1119 = arith.shrui %gather3A_900, %and3A_1118 : vector<16xi32>
    %and3A_1120 = arith.constant 1 : i32
    %and3A_1121 = vector.broadcast %and3A_1120 : i32 to vector<16xi32>
    %and3A_1122 = arith.andi %shift_right_logical3A_1119, %and3A_1121 : vector<16xi32>
    %convert_element_type3A_1123 = arith.sitofp %and3A_1122 : vector<16xi32> to vector<16xf32>
    %mul3A_1124 = arith.mulf %convert_element_type3A_1123, %get3A_238 : vector<16xf32>
    %swap3A_1125 = arith.constant 720 : index
    %swap3A_1126 = tpu.vector_load %arg10[%swap3A_1125] {strides = array<i32>} : memref<2048xf32, #tpu.memory_space<vmem>>, vector<16xf32>,
    tpu.vector_store %arg10[%swap3A_1125], %mul3A_1124 {strides = array<i32>} : memref<2048xf32, #tpu.memory_space<vmem>>, vector<16xf32>,
    %and3A_1127 = arith.constant 31 : i32
    %and3A_1128 = vector.broadcast %and3A_1127 : i32 to vector<16xi32>
    %and3A_1129 = arith.andi %get3A_810, %and3A_1128 : vector<16xi32>
    %shift_right_logical3A_1130 = arith.shrui %gather3A_904, %and3A_1129 : vector<16xi32>
    %and3A_1131 = arith.constant 1 : i32
    %and3A_1132 = vector.broadcast %and3A_1131 : i32 to vector<16xi32>
    %and3A_1133 = arith.andi %shift_right_logical3A_1130, %and3A_1132 : vector<16xi32>
    %convert_element_type3A_1134 = arith.sitofp %and3A_1133 : vector<16xi32> to vector<16xf32>
    %mul3A_1135 = arith.mulf %convert_element_type3A_1134, %get3A_238 : vector<16xf32>
    %swap3A_1136 = arith.constant 736 : index
    %swap3A_1137 = tpu.vector_load %arg10[%swap3A_1136] {strides = array<i32>} : memref<2048xf32, #tpu.memory_space<vmem>>, vector<16xf32>,
    tpu.vector_store %arg10[%swap3A_1136], %mul3A_1135 {strides = array<i32>} : memref<2048xf32, #tpu.memory_space<vmem>>, vector<16xf32>,
    %and3A_1138 = arith.constant 31 : i32
    %and3A_1139 = vector.broadcast %and3A_1138 : i32 to vector<16xi32>
    %and3A_1140 = arith.andi %get3A_812, %and3A_1139 : vector<16xi32>
    %shift_right_logical3A_1141 = arith.shrui %gather3A_908, %and3A_1140 : vector<16xi32>
    %and3A_1142 = arith.constant 1 : i32
    %and3A_1143 = vector.broadcast %and3A_1142 : i32 to vector<16xi32>
    %and3A_1144 = arith.andi %shift_right_logical3A_1141, %and3A_1143 : vector<16xi32>
    %convert_element_type3A_1145 = arith.sitofp %and3A_1144 : vector<16xi32> to vector<16xf32>
    %mul3A_1146 = arith.mulf %convert_element_type3A_1145, %get3A_238 : vector<16xf32>
    %swap3A_1147 = arith.constant 752 : index
    %swap3A_1148 = tpu.vector_load %arg10[%swap3A_1147] {strides = array<i32>} : memref<2048xf32, #tpu.memory_space<vmem>>, vector<16xf32>,
    tpu.vector_store %arg10[%swap3A_1147], %mul3A_1146 {strides = array<i32>} : memref<2048xf32, #tpu.memory_space<vmem>>, vector<16xf32>,
    %and3A_1149 = arith.constant 31 : i32
    %and3A_1150 = vector.broadcast %and3A_1149 : i32 to vector<16xi32>
    %and3A_1151 = arith.andi %get3A_814, %and3A_1150 : vector<16xi32>
    %shift_right_logical3A_1152 = arith.shrui %gather3A_912, %and3A_1151 : vector<16xi32>
    %and3A_1153 = arith.constant 1 : i32
    %and3A_1154 = vector.broadcast %and3A_1153 : i32 to vector<16xi32>
    %and3A_1155 = arith.andi %shift_right_logical3A_1152, %and3A_1154 : vector<16xi32>
    %convert_element_type3A_1156 = arith.sitofp %and3A_1155 : vector<16xi32> to vector<16xf32>
    %mul3A_1157 = arith.mulf %convert_element_type3A_1156, %get3A_238 : vector<16xf32>
    %swap3A_1158 = arith.constant 768 : index
    %swap3A_1159 = tpu.vector_load %arg10[%swap3A_1158] {strides = array<i32>} : memref<2048xf32, #tpu.memory_space<vmem>>, vector<16xf32>,
    tpu.vector_store %arg10[%swap3A_1158], %mul3A_1157 {strides = array<i32>} : memref<2048xf32, #tpu.memory_space<vmem>>, vector<16xf32>,
    %and3A_1160 = arith.constant 31 : i32
    %and3A_1161 = vector.broadcast %and3A_1160 : i32 to vector<16xi32>
    %and3A_1162 = arith.andi %get3A_816, %and3A_1161 : vector<16xi32>
    %shift_right_logical3A_1163 = arith.shrui %gather3A_916, %and3A_1162 : vector<16xi32>
    %and3A_1164 = arith.constant 1 : i32
    %and3A_1165 = vector.broadcast %and3A_1164 : i32 to vector<16xi32>
    %and3A_1166 = arith.andi %shift_right_logical3A_1163, %and3A_1165 : vector<16xi32>
    %convert_element_type3A_1167 = arith.sitofp %and3A_1166 : vector<16xi32> to vector<16xf32>
    %mul3A_1168 = arith.mulf %convert_element_type3A_1167, %get3A_238 : vector<16xf32>
    %swap3A_1169 = arith.constant 784 : index
    %swap3A_1170 = tpu.vector_load %arg10[%swap3A_1169] {strides = array<i32>} : memref<2048xf32, #tpu.memory_space<vmem>>, vector<16xf32>,
    tpu.vector_store %arg10[%swap3A_1169], %mul3A_1168 {strides = array<i32>} : memref<2048xf32, #tpu.memory_space<vmem>>, vector<16xf32>,
    %and3A_1171 = arith.constant 31 : i32
    %and3A_1172 = vector.broadcast %and3A_1171 : i32 to vector<16xi32>
    %and3A_1173 = arith.andi %get3A_818, %and3A_1172 : vector<16xi32>
    %shift_right_logical3A_1174 = arith.shrui %gather3A_920, %and3A_1173 : vector<16xi32>
    %and3A_1175 = arith.constant 1 : i32
    %and3A_1176 = vector.broadcast %and3A_1175 : i32 to vector<16xi32>
    %and3A_1177 = arith.andi %shift_right_logical3A_1174, %and3A_1176 : vector<16xi32>
    %convert_element_type3A_1178 = arith.sitofp %and3A_1177 : vector<16xi32> to vector<16xf32>
    %mul3A_1179 = arith.mulf %convert_element_type3A_1178, %get3A_238 : vector<16xf32>
    %swap3A_1180 = arith.constant 800 : index
    %swap3A_1181 = tpu.vector_load %arg10[%swap3A_1180] {strides = array<i32>} : memref<2048xf32, #tpu.memory_space<vmem>>, vector<16xf32>,
    tpu.vector_store %arg10[%swap3A_1180], %mul3A_1179 {strides = array<i32>} : memref<2048xf32, #tpu.memory_space<vmem>>, vector<16xf32>,
    %and3A_1182 = arith.constant 31 : i32
    %and3A_1183 = vector.broadcast %and3A_1182 : i32 to vector<16xi32>
    %and3A_1184 = arith.andi %get3A_820, %and3A_1183 : vector<16xi32>
    %shift_right_logical3A_1185 = arith.shrui %gather3A_924, %and3A_1184 : vector<16xi32>
    %and3A_1186 = arith.constant 1 : i32
    %and3A_1187 = vector.broadcast %and3A_1186 : i32 to vector<16xi32>
    %and3A_1188 = arith.andi %shift_right_logical3A_1185, %and3A_1187 : vector<16xi32>
    %convert_element_type3A_1189 = arith.sitofp %and3A_1188 : vector<16xi32> to vector<16xf32>
    %mul3A_1190 = arith.mulf %convert_element_type3A_1189, %get3A_238 : vector<16xf32>
    %swap3A_1191 = arith.constant 816 : index
    %swap3A_1192 = tpu.vector_load %arg10[%swap3A_1191] {strides = array<i32>} : memref<2048xf32, #tpu.memory_space<vmem>>, vector<16xf32>,
    tpu.vector_store %arg10[%swap3A_1191], %mul3A_1190 {strides = array<i32>} : memref<2048xf32, #tpu.memory_space<vmem>>, vector<16xf32>,
    %and3A_1193 = arith.constant 31 : i32
    %and3A_1194 = vector.broadcast %and3A_1193 : i32 to vector<16xi32>
    %and3A_1195 = arith.andi %get3A_822, %and3A_1194 : vector<16xi32>
    %shift_right_logical3A_1196 = arith.shrui %gather3A_928, %and3A_1195 : vector<16xi32>
    %and3A_1197 = arith.constant 1 : i32
    %and3A_1198 = vector.broadcast %and3A_1197 : i32 to vector<16xi32>
    %and3A_1199 = arith.andi %shift_right_logical3A_1196, %and3A_1198 : vector<16xi32>
    %convert_element_type3A_1200 = arith.sitofp %and3A_1199 : vector<16xi32> to vector<16xf32>
    %mul3A_1201 = arith.mulf %convert_element_type3A_1200, %get3A_238 : vector<16xf32>
    %swap3A_1202 = arith.constant 832 : index
    %swap3A_1203 = tpu.vector_load %arg10[%swap3A_1202] {strides = array<i32>} : memref<2048xf32, #tpu.memory_space<vmem>>, vector<16xf32>,
    tpu.vector_store %arg10[%swap3A_1202], %mul3A_1201 {strides = array<i32>} : memref<2048xf32, #tpu.memory_space<vmem>>, vector<16xf32>,
    %and3A_1204 = arith.constant 31 : i32
    %and3A_1205 = vector.broadcast %and3A_1204 : i32 to vector<16xi32>
    %and3A_1206 = arith.andi %get3A_824, %and3A_1205 : vector<16xi32>
    %shift_right_logical3A_1207 = arith.shrui %gather3A_932, %and3A_1206 : vector<16xi32>
    %and3A_1208 = arith.constant 1 : i32
    %and3A_1209 = vector.broadcast %and3A_1208 : i32 to vector<16xi32>
    %and3A_1210 = arith.andi %shift_right_logical3A_1207, %and3A_1209 : vector<16xi32>
    %convert_element_type3A_1211 = arith.sitofp %and3A_1210 : vector<16xi32> to vector<16xf32>
    %mul3A_1212 = arith.mulf %convert_element_type3A_1211, %get3A_238 : vector<16xf32>
    %swap3A_1213 = arith.constant 848 : index
    %swap3A_1214 = tpu.vector_load %arg10[%swap3A_1213] {strides = array<i32>} : memref<2048xf32, #tpu.memory_space<vmem>>, vector<16xf32>,
    tpu.vector_store %arg10[%swap3A_1213], %mul3A_1212 {strides = array<i32>} : memref<2048xf32, #tpu.memory_space<vmem>>, vector<16xf32>,
    %and3A_1215 = arith.constant 31 : i32
    %and3A_1216 = vector.broadcast %and3A_1215 : i32 to vector<16xi32>
    %and3A_1217 = arith.andi %get3A_826, %and3A_1216 : vector<16xi32>
    %shift_right_logical3A_1218 = arith.shrui %gather3A_936, %and3A_1217 : vector<16xi32>
    %and3A_1219 = arith.constant 1 : i32
    %and3A_1220 = vector.broadcast %and3A_1219 : i32 to vector<16xi32>
    %and3A_1221 = arith.andi %shift_right_logical3A_1218, %and3A_1220 : vector<16xi32>
    %convert_element_type3A_1222 = arith.sitofp %and3A_1221 : vector<16xi32> to vector<16xf32>
    %mul3A_1223 = arith.mulf %convert_element_type3A_1222, %get3A_238 : vector<16xf32>
    %swap3A_1224 = arith.constant 864 : index
    %swap3A_1225 = tpu.vector_load %arg10[%swap3A_1224] {strides = array<i32>} : memref<2048xf32, #tpu.memory_space<vmem>>, vector<16xf32>,
    tpu.vector_store %arg10[%swap3A_1224], %mul3A_1223 {strides = array<i32>} : memref<2048xf32, #tpu.memory_space<vmem>>, vector<16xf32>,
    %and3A_1226 = arith.constant 31 : i32
    %and3A_1227 = vector.broadcast %and3A_1226 : i32 to vector<16xi32>
    %and3A_1228 = arith.andi %get3A_828, %and3A_1227 : vector<16xi32>
    %shift_right_logical3A_1229 = arith.shrui %gather3A_940, %and3A_1228 : vector<16xi32>
    %and3A_1230 = arith.constant 1 : i32
    %and3A_1231 = vector.broadcast %and3A_1230 : i32 to vector<16xi32>
    %and3A_1232 = arith.andi %shift_right_logical3A_1229, %and3A_1231 : vector<16xi32>
    %convert_element_type3A_1233 = arith.sitofp %and3A_1232 : vector<16xi32> to vector<16xf32>
    %mul3A_1234 = arith.mulf %convert_element_type3A_1233, %get3A_238 : vector<16xf32>
    %swap3A_1235 = arith.constant 880 : index
    %swap3A_1236 = tpu.vector_load %arg10[%swap3A_1235] {strides = array<i32>} : memref<2048xf32, #tpu.memory_space<vmem>>, vector<16xf32>,
    tpu.vector_store %arg10[%swap3A_1235], %mul3A_1234 {strides = array<i32>} : memref<2048xf32, #tpu.memory_space<vmem>>, vector<16xf32>,
    %and3A_1237 = arith.constant 31 : i32
    %and3A_1238 = vector.broadcast %and3A_1237 : i32 to vector<16xi32>
    %and3A_1239 = arith.andi %get3A_830, %and3A_1238 : vector<16xi32>
    %shift_right_logical3A_1240 = arith.shrui %gather3A_944, %and3A_1239 : vector<16xi32>
    %and3A_1241 = arith.constant 1 : i32
    %and3A_1242 = vector.broadcast %and3A_1241 : i32 to vector<16xi32>
    %and3A_1243 = arith.andi %shift_right_logical3A_1240, %and3A_1242 : vector<16xi32>
    %convert_element_type3A_1244 = arith.sitofp %and3A_1243 : vector<16xi32> to vector<16xf32>
    %mul3A_1245 = arith.mulf %convert_element_type3A_1244, %get3A_238 : vector<16xf32>
    %swap3A_1246 = arith.constant 896 : index
    %swap3A_1247 = tpu.vector_load %arg10[%swap3A_1246] {strides = array<i32>} : memref<2048xf32, #tpu.memory_space<vmem>>, vector<16xf32>,
    tpu.vector_store %arg10[%swap3A_1246], %mul3A_1245 {strides = array<i32>} : memref<2048xf32, #tpu.memory_space<vmem>>, vector<16xf32>,
    %and3A_1248 = arith.constant 31 : i32
    %and3A_1249 = vector.broadcast %and3A_1248 : i32 to vector<16xi32>
    %and3A_1250 = arith.andi %get3A_832, %and3A_1249 : vector<16xi32>
    %shift_right_logical3A_1251 = arith.shrui %gather3A_948, %and3A_1250 : vector<16xi32>
    %and3A_1252 = arith.constant 1 : i32
    %and3A_1253 = vector.broadcast %and3A_1252 : i32 to vector<16xi32>
    %and3A_1254 = arith.andi %shift_right_logical3A_1251, %and3A_1253 : vector<16xi32>
    %convert_element_type3A_1255 = arith.sitofp %and3A_1254 : vector<16xi32> to vector<16xf32>
    %mul3A_1256 = arith.mulf %convert_element_type3A_1255, %get3A_238 : vector<16xf32>
    %swap3A_1257 = arith.constant 912 : index
    %swap3A_1258 = tpu.vector_load %arg10[%swap3A_1257] {strides = array<i32>} : memref<2048xf32, #tpu.memory_space<vmem>>, vector<16xf32>,
    tpu.vector_store %arg10[%swap3A_1257], %mul3A_1256 {strides = array<i32>} : memref<2048xf32, #tpu.memory_space<vmem>>, vector<16xf32>,
    %and3A_1259 = arith.constant 31 : i32
    %and3A_1260 = vector.broadcast %and3A_1259 : i32 to vector<16xi32>
    %and3A_1261 = arith.andi %get3A_834, %and3A_1260 : vector<16xi32>
    %shift_right_logical3A_1262 = arith.shrui %gather3A_952, %and3A_1261 : vector<16xi32>
    %and3A_1263 = arith.constant 1 : i32
    %and3A_1264 = vector.broadcast %and3A_1263 : i32 to vector<16xi32>
    %and3A_1265 = arith.andi %shift_right_logical3A_1262, %and3A_1264 : vector<16xi32>
    %convert_element_type3A_1266 = arith.sitofp %and3A_1265 : vector<16xi32> to vector<16xf32>
    %mul3A_1267 = arith.mulf %convert_element_type3A_1266, %get3A_238 : vector<16xf32>
    %swap3A_1268 = arith.constant 928 : index
    %swap3A_1269 = tpu.vector_load %arg10[%swap3A_1268] {strides = array<i32>} : memref<2048xf32, #tpu.memory_space<vmem>>, vector<16xf32>,
    tpu.vector_store %arg10[%swap3A_1268], %mul3A_1267 {strides = array<i32>} : memref<2048xf32, #tpu.memory_space<vmem>>, vector<16xf32>,
    %and3A_1270 = arith.constant 31 : i32
    %and3A_1271 = vector.broadcast %and3A_1270 : i32 to vector<16xi32>
    %and3A_1272 = arith.andi %get3A_836, %and3A_1271 : vector<16xi32>
    %shift_right_logical3A_1273 = arith.shrui %gather3A_956, %and3A_1272 : vector<16xi32>
    %and3A_1274 = arith.constant 1 : i32
    %and3A_1275 = vector.broadcast %and3A_1274 : i32 to vector<16xi32>
    %and3A_1276 = arith.andi %shift_right_logical3A_1273, %and3A_1275 : vector<16xi32>
    %convert_element_type3A_1277 = arith.sitofp %and3A_1276 : vector<16xi32> to vector<16xf32>
    %mul3A_1278 = arith.mulf %convert_element_type3A_1277, %get3A_238 : vector<16xf32>
    %swap3A_1279 = arith.constant 944 : index
    %swap3A_1280 = tpu.vector_load %arg10[%swap3A_1279] {strides = array<i32>} : memref<2048xf32, #tpu.memory_space<vmem>>, vector<16xf32>,
    tpu.vector_store %arg10[%swap3A_1279], %mul3A_1278 {strides = array<i32>} : memref<2048xf32, #tpu.memory_space<vmem>>, vector<16xf32>,
    %and3A_1281 = arith.constant 31 : i32
    %and3A_1282 = vector.broadcast %and3A_1281 : i32 to vector<16xi32>
    %and3A_1283 = arith.andi %get3A_838, %and3A_1282 : vector<16xi32>
    %shift_right_logical3A_1284 = arith.shrui %gather3A_960, %and3A_1283 : vector<16xi32>
    %and3A_1285 = arith.constant 1 : i32
    %and3A_1286 = vector.broadcast %and3A_1285 : i32 to vector<16xi32>
    %and3A_1287 = arith.andi %shift_right_logical3A_1284, %and3A_1286 : vector<16xi32>
    %convert_element_type3A_1288 = arith.sitofp %and3A_1287 : vector<16xi32> to vector<16xf32>
    %mul3A_1289 = arith.mulf %convert_element_type3A_1288, %get3A_238 : vector<16xf32>
    %swap3A_1290 = arith.constant 960 : index
    %swap3A_1291 = tpu.vector_load %arg10[%swap3A_1290] {strides = array<i32>} : memref<2048xf32, #tpu.memory_space<vmem>>, vector<16xf32>,
    tpu.vector_store %arg10[%swap3A_1290], %mul3A_1289 {strides = array<i32>} : memref<2048xf32, #tpu.memory_space<vmem>>, vector<16xf32>,
    %and3A_1292 = arith.constant 31 : i32
    %and3A_1293 = vector.broadcast %and3A_1292 : i32 to vector<16xi32>
    %and3A_1294 = arith.andi %get3A_840, %and3A_1293 : vector<16xi32>
    %shift_right_logical3A_1295 = arith.shrui %gather3A_964, %and3A_1294 : vector<16xi32>
    %and3A_1296 = arith.constant 1 : i32
    %and3A_1297 = vector.broadcast %and3A_1296 : i32 to vector<16xi32>
    %and3A_1298 = arith.andi %shift_right_logical3A_1295, %and3A_1297 : vector<16xi32>
    %convert_element_type3A_1299 = arith.sitofp %and3A_1298 : vector<16xi32> to vector<16xf32>
    %mul3A_1300 = arith.mulf %convert_element_type3A_1299, %get3A_238 : vector<16xf32>
    %swap3A_1301 = arith.constant 976 : index
    %swap3A_1302 = tpu.vector_load %arg10[%swap3A_1301] {strides = array<i32>} : memref<2048xf32, #tpu.memory_space<vmem>>, vector<16xf32>,
    tpu.vector_store %arg10[%swap3A_1301], %mul3A_1300 {strides = array<i32>} : memref<2048xf32, #tpu.memory_space<vmem>>, vector<16xf32>,
    %and3A_1303 = arith.constant 31 : i32
    %and3A_1304 = vector.broadcast %and3A_1303 : i32 to vector<16xi32>
    %and3A_1305 = arith.andi %get3A_842, %and3A_1304 : vector<16xi32>
    %shift_right_logical3A_1306 = arith.shrui %gather3A_968, %and3A_1305 : vector<16xi32>
    %and3A_1307 = arith.constant 1 : i32
    %and3A_1308 = vector.broadcast %and3A_1307 : i32 to vector<16xi32>
    %and3A_1309 = arith.andi %shift_right_logical3A_1306, %and3A_1308 : vector<16xi32>
    %convert_element_type3A_1310 = arith.sitofp %and3A_1309 : vector<16xi32> to vector<16xf32>
    %mul3A_1311 = arith.mulf %convert_element_type3A_1310, %get3A_238 : vector<16xf32>
    %swap3A_1312 = arith.constant 992 : index
    %swap3A_1313 = tpu.vector_load %arg10[%swap3A_1312] {strides = array<i32>} : memref<2048xf32, #tpu.memory_space<vmem>>, vector<16xf32>,
    tpu.vector_store %arg10[%swap3A_1312], %mul3A_1311 {strides = array<i32>} : memref<2048xf32, #tpu.memory_space<vmem>>, vector<16xf32>,
    %and3A_1314 = arith.constant 31 : i32
    %and3A_1315 = vector.broadcast %and3A_1314 : i32 to vector<16xi32>
    %and3A_1316 = arith.andi %get3A_844, %and3A_1315 : vector<16xi32>
    %shift_right_logical3A_1317 = arith.shrui %gather3A_972, %and3A_1316 : vector<16xi32>
    %and3A_1318 = arith.constant 1 : i32
    %and3A_1319 = vector.broadcast %and3A_1318 : i32 to vector<16xi32>
    %and3A_1320 = arith.andi %shift_right_logical3A_1317, %and3A_1319 : vector<16xi32>
    %convert_element_type3A_1321 = arith.sitofp %and3A_1320 : vector<16xi32> to vector<16xf32>
    %mul3A_1322 = arith.mulf %convert_element_type3A_1321, %get3A_238 : vector<16xf32>
    %swap3A_1323 = arith.constant 1008 : index
    %swap3A_1324 = tpu.vector_load %arg10[%swap3A_1323] {strides = array<i32>} : memref<2048xf32, #tpu.memory_space<vmem>>, vector<16xf32>,
    tpu.vector_store %arg10[%swap3A_1323], %mul3A_1322 {strides = array<i32>} : memref<2048xf32, #tpu.memory_space<vmem>>, vector<16xf32>,
    %dma_start3A_1325 = arith.constant 0 : i32
    %dma_start3A_1326 = tpu.memref_slice %arg10[%dma_start3A_1325] : memref<2048xf32, #tpu.memory_space<vmem>> -> memref<1024xf32, #tpu.memory_space<vmem>>
    %dma_start3A_1327 = tpu.memref_slice %arg5[%mul3A_2] : memref<32768xf32, #tpu.memory_space<hbm>> -> memref<1024xf32, #tpu.memory_space<hbm>>
    %dma_start3A_1328 = tpu.memref_slice %arg5[%mul3A_2] : memref<32768xf32, #tpu.memory_space<hbm>> -> memref<1024xf32, #tpu.memory_space<hbm>>
    %dma_start3A_1329 = arith.constant 0 : i32
    %dma_start3A_1330 = tpu.memref_slice %arg10[%dma_start3A_1329] : memref<2048xf32, #tpu.memory_space<vmem>> -> memref<1024xf32, #tpu.memory_space<vmem>>
    tpu.enqueue_dma source(%dma_start3A_1330 : memref<1024xf32, #tpu.memory_space<vmem>>) target(%dma_start3A_1328 : memref<1024xf32, #tpu.memory_space<hbm>>) target_semaphore(%arg14 : memref<!tpu.dma_semaphore, #tpu.memory_space<semaphore_mem>>)
    %get3A_1331 = arith.constant 1024 : index
    %get3A_1332 = tpu.vector_load %arg6[%get3A_1331] {strides = array<i32>} : memref<2048xi32, #tpu.memory_space<vmem>>, vector<16xi32>,
    %get3A_1333 = arith.constant 1040 : index
    %get3A_1334 = tpu.vector_load %arg6[%get3A_1333] {strides = array<i32>} : memref<2048xi32, #tpu.memory_space<vmem>>, vector<16xi32>,
    %get3A_1335 = arith.constant 1056 : index
    %get3A_1336 = tpu.vector_load %arg6[%get3A_1335] {strides = array<i32>} : memref<2048xi32, #tpu.memory_space<vmem>>, vector<16xi32>,
    %get3A_1337 = arith.constant 1072 : index
    %get3A_1338 = tpu.vector_load %arg6[%get3A_1337] {strides = array<i32>} : memref<2048xi32, #tpu.memory_space<vmem>>, vector<16xi32>,
    %get3A_1339 = arith.constant 1088 : index
    %get3A_1340 = tpu.vector_load %arg6[%get3A_1339] {strides = array<i32>} : memref<2048xi32, #tpu.memory_space<vmem>>, vector<16xi32>,
    %get3A_1341 = arith.constant 1104 : index
    %get3A_1342 = tpu.vector_load %arg6[%get3A_1341] {strides = array<i32>} : memref<2048xi32, #tpu.memory_space<vmem>>, vector<16xi32>,
    %get3A_1343 = arith.constant 1120 : index
    %get3A_1344 = tpu.vector_load %arg6[%get3A_1343] {strides = array<i32>} : memref<2048xi32, #tpu.memory_space<vmem>>, vector<16xi32>,
    %get3A_1345 = arith.constant 1136 : index
    %get3A_1346 = tpu.vector_load %arg6[%get3A_1345] {strides = array<i32>} : memref<2048xi32, #tpu.memory_space<vmem>>, vector<16xi32>,
    %get3A_1347 = arith.constant 1152 : index
    %get3A_1348 = tpu.vector_load %arg6[%get3A_1347] {strides = array<i32>} : memref<2048xi32, #tpu.memory_space<vmem>>, vector<16xi32>,
    %get3A_1349 = arith.constant 1168 : index
    %get3A_1350 = tpu.vector_load %arg6[%get3A_1349] {strides = array<i32>} : memref<2048xi32, #tpu.memory_space<vmem>>, vector<16xi32>,
    %get3A_1351 = arith.constant 1184 : index
    %get3A_1352 = tpu.vector_load %arg6[%get3A_1351] {strides = array<i32>} : memref<2048xi32, #tpu.memory_space<vmem>>, vector<16xi32>,
    %get3A_1353 = arith.constant 1200 : index
    %get3A_1354 = tpu.vector_load %arg6[%get3A_1353] {strides = array<i32>} : memref<2048xi32, #tpu.memory_space<vmem>>, vector<16xi32>,
    %get3A_1355 = arith.constant 1216 : index
    %get3A_1356 = tpu.vector_load %arg6[%get3A_1355] {strides = array<i32>} : memref<2048xi32, #tpu.memory_space<vmem>>, vector<16xi32>,
    %get3A_1357 = arith.constant 1232 : index
    %get3A_1358 = tpu.vector_load %arg6[%get3A_1357] {strides = array<i32>} : memref<2048xi32, #tpu.memory_space<vmem>>, vector<16xi32>,
    %get3A_1359 = arith.constant 1248 : index
    %get3A_1360 = tpu.vector_load %arg6[%get3A_1359] {strides = array<i32>} : memref<2048xi32, #tpu.memory_space<vmem>>, vector<16xi32>,
    %get3A_1361 = arith.constant 1264 : index
    %get3A_1362 = tpu.vector_load %arg6[%get3A_1361] {strides = array<i32>} : memref<2048xi32, #tpu.memory_space<vmem>>, vector<16xi32>,
    %get3A_1363 = arith.constant 1280 : index
    %get3A_1364 = tpu.vector_load %arg6[%get3A_1363] {strides = array<i32>} : memref<2048xi32, #tpu.memory_space<vmem>>, vector<16xi32>,
    %get3A_1365 = arith.constant 1296 : index
    %get3A_1366 = tpu.vector_load %arg6[%get3A_1365] {strides = array<i32>} : memref<2048xi32, #tpu.memory_space<vmem>>, vector<16xi32>,
    %get3A_1367 = arith.constant 1312 : index
    %get3A_1368 = tpu.vector_load %arg6[%get3A_1367] {strides = array<i32>} : memref<2048xi32, #tpu.memory_space<vmem>>, vector<16xi32>,
    %get3A_1369 = arith.constant 1328 : index
    %get3A_1370 = tpu.vector_load %arg6[%get3A_1369] {strides = array<i32>} : memref<2048xi32, #tpu.memory_space<vmem>>, vector<16xi32>,
    %get3A_1371 = arith.constant 1344 : index
    %get3A_1372 = tpu.vector_load %arg6[%get3A_1371] {strides = array<i32>} : memref<2048xi32, #tpu.memory_space<vmem>>, vector<16xi32>,
    %get3A_1373 = arith.constant 1360 : index
    %get3A_1374 = tpu.vector_load %arg6[%get3A_1373] {strides = array<i32>} : memref<2048xi32, #tpu.memory_space<vmem>>, vector<16xi32>,
    %get3A_1375 = arith.constant 1376 : index
    %get3A_1376 = tpu.vector_load %arg6[%get3A_1375] {strides = array<i32>} : memref<2048xi32, #tpu.memory_space<vmem>>, vector<16xi32>,
    %get3A_1377 = arith.constant 1392 : index
    %get3A_1378 = tpu.vector_load %arg6[%get3A_1377] {strides = array<i32>} : memref<2048xi32, #tpu.memory_space<vmem>>, vector<16xi32>,
    %get3A_1379 = arith.constant 1408 : index
    %get3A_1380 = tpu.vector_load %arg6[%get3A_1379] {strides = array<i32>} : memref<2048xi32, #tpu.memory_space<vmem>>, vector<16xi32>,
    %get3A_1381 = arith.constant 1424 : index
    %get3A_1382 = tpu.vector_load %arg6[%get3A_1381] {strides = array<i32>} : memref<2048xi32, #tpu.memory_space<vmem>>, vector<16xi32>,
    %get3A_1383 = arith.constant 1440 : index
    %get3A_1384 = tpu.vector_load %arg6[%get3A_1383] {strides = array<i32>} : memref<2048xi32, #tpu.memory_space<vmem>>, vector<16xi32>,
    %get3A_1385 = arith.constant 1456 : index
    %get3A_1386 = tpu.vector_load %arg6[%get3A_1385] {strides = array<i32>} : memref<2048xi32, #tpu.memory_space<vmem>>, vector<16xi32>,
    %get3A_1387 = arith.constant 1472 : index
    %get3A_1388 = tpu.vector_load %arg6[%get3A_1387] {strides = array<i32>} : memref<2048xi32, #tpu.memory_space<vmem>>, vector<16xi32>,
    %get3A_1389 = arith.constant 1488 : index
    %get3A_1390 = tpu.vector_load %arg6[%get3A_1389] {strides = array<i32>} : memref<2048xi32, #tpu.memory_space<vmem>>, vector<16xi32>,
    %get3A_1391 = arith.constant 1504 : index
    %get3A_1392 = tpu.vector_load %arg6[%get3A_1391] {strides = array<i32>} : memref<2048xi32, #tpu.memory_space<vmem>>, vector<16xi32>,
    %get3A_1393 = arith.constant 1520 : index
    %get3A_1394 = tpu.vector_load %arg6[%get3A_1393] {strides = array<i32>} : memref<2048xi32, #tpu.memory_space<vmem>>, vector<16xi32>,
    %shift_right_logical3A_1395 = arith.constant 5 : i32
    %shift_right_logical3A_1396 = vector.broadcast %shift_right_logical3A_1395 : i32 to vector<16xi32>
    %shift_right_logical3A_1397 = arith.shrui %get3A_1332, %shift_right_logical3A_1396 : vector<16xi32>
    %gather3A_1398 = tpu.vector_load_idx %arg9[%shift_right_logical3A_1397] : memref<1584xi32, #tpu.memory_space<vmem>>[vector<16xi32>], vector<16xi32>,
    %shift_right_logical3A_1399 = arith.constant 5 : i32
    %shift_right_logical3A_1400 = vector.broadcast %shift_right_logical3A_1399 : i32 to vector<16xi32>
    %shift_right_logical3A_1401 = arith.shrui %get3A_1334, %shift_right_logical3A_1400 : vector<16xi32>
    %gather3A_1402 = tpu.vector_load_idx %arg9[%shift_right_logical3A_1401] : memref<1584xi32, #tpu.memory_space<vmem>>[vector<16xi32>], vector<16xi32>,
    %shift_right_logical3A_1403 = arith.constant 5 : i32
    %shift_right_logical3A_1404 = vector.broadcast %shift_right_logical3A_1403 : i32 to vector<16xi32>
    %shift_right_logical3A_1405 = arith.shrui %get3A_1336, %shift_right_logical3A_1404 : vector<16xi32>
    %gather3A_1406 = tpu.vector_load_idx %arg9[%shift_right_logical3A_1405] : memref<1584xi32, #tpu.memory_space<vmem>>[vector<16xi32>], vector<16xi32>,
    %shift_right_logical3A_1407 = arith.constant 5 : i32
    %shift_right_logical3A_1408 = vector.broadcast %shift_right_logical3A_1407 : i32 to vector<16xi32>
    %shift_right_logical3A_1409 = arith.shrui %get3A_1338, %shift_right_logical3A_1408 : vector<16xi32>
    %gather3A_1410 = tpu.vector_load_idx %arg9[%shift_right_logical3A_1409] : memref<1584xi32, #tpu.memory_space<vmem>>[vector<16xi32>], vector<16xi32>,
    %shift_right_logical3A_1411 = arith.constant 5 : i32
    %shift_right_logical3A_1412 = vector.broadcast %shift_right_logical3A_1411 : i32 to vector<16xi32>
    %shift_right_logical3A_1413 = arith.shrui %get3A_1340, %shift_right_logical3A_1412 : vector<16xi32>
    %gather3A_1414 = tpu.vector_load_idx %arg9[%shift_right_logical3A_1413] : memref<1584xi32, #tpu.memory_space<vmem>>[vector<16xi32>], vector<16xi32>,
    %shift_right_logical3A_1415 = arith.constant 5 : i32
    %shift_right_logical3A_1416 = vector.broadcast %shift_right_logical3A_1415 : i32 to vector<16xi32>
    %shift_right_logical3A_1417 = arith.shrui %get3A_1342, %shift_right_logical3A_1416 : vector<16xi32>
    %gather3A_1418 = tpu.vector_load_idx %arg9[%shift_right_logical3A_1417] : memref<1584xi32, #tpu.memory_space<vmem>>[vector<16xi32>], vector<16xi32>,
    %shift_right_logical3A_1419 = arith.constant 5 : i32
    %shift_right_logical3A_1420 = vector.broadcast %shift_right_logical3A_1419 : i32 to vector<16xi32>
    %shift_right_logical3A_1421 = arith.shrui %get3A_1344, %shift_right_logical3A_1420 : vector<16xi32>
    %gather3A_1422 = tpu.vector_load_idx %arg9[%shift_right_logical3A_1421] : memref<1584xi32, #tpu.memory_space<vmem>>[vector<16xi32>], vector<16xi32>,
    %shift_right_logical3A_1423 = arith.constant 5 : i32
    %shift_right_logical3A_1424 = vector.broadcast %shift_right_logical3A_1423 : i32 to vector<16xi32>
    %shift_right_logical3A_1425 = arith.shrui %get3A_1346, %shift_right_logical3A_1424 : vector<16xi32>
    %gather3A_1426 = tpu.vector_load_idx %arg9[%shift_right_logical3A_1425] : memref<1584xi32, #tpu.memory_space<vmem>>[vector<16xi32>], vector<16xi32>,
    %shift_right_logical3A_1427 = arith.constant 5 : i32
    %shift_right_logical3A_1428 = vector.broadcast %shift_right_logical3A_1427 : i32 to vector<16xi32>
    %shift_right_logical3A_1429 = arith.shrui %get3A_1348, %shift_right_logical3A_1428 : vector<16xi32>
    %gather3A_1430 = tpu.vector_load_idx %arg9[%shift_right_logical3A_1429] : memref<1584xi32, #tpu.memory_space<vmem>>[vector<16xi32>], vector<16xi32>,
    %shift_right_logical3A_1431 = arith.constant 5 : i32
    %shift_right_logical3A_1432 = vector.broadcast %shift_right_logical3A_1431 : i32 to vector<16xi32>
    %shift_right_logical3A_1433 = arith.shrui %get3A_1350, %shift_right_logical3A_1432 : vector<16xi32>
    %gather3A_1434 = tpu.vector_load_idx %arg9[%shift_right_logical3A_1433] : memref<1584xi32, #tpu.memory_space<vmem>>[vector<16xi32>], vector<16xi32>,
    %shift_right_logical3A_1435 = arith.constant 5 : i32
    %shift_right_logical3A_1436 = vector.broadcast %shift_right_logical3A_1435 : i32 to vector<16xi32>
    %shift_right_logical3A_1437 = arith.shrui %get3A_1352, %shift_right_logical3A_1436 : vector<16xi32>
    %gather3A_1438 = tpu.vector_load_idx %arg9[%shift_right_logical3A_1437] : memref<1584xi32, #tpu.memory_space<vmem>>[vector<16xi32>], vector<16xi32>,
    %shift_right_logical3A_1439 = arith.constant 5 : i32
    %shift_right_logical3A_1440 = vector.broadcast %shift_right_logical3A_1439 : i32 to vector<16xi32>
    %shift_right_logical3A_1441 = arith.shrui %get3A_1354, %shift_right_logical3A_1440 : vector<16xi32>
    %gather3A_1442 = tpu.vector_load_idx %arg9[%shift_right_logical3A_1441] : memref<1584xi32, #tpu.memory_space<vmem>>[vector<16xi32>], vector<16xi32>,
    %shift_right_logical3A_1443 = arith.constant 5 : i32
    %shift_right_logical3A_1444 = vector.broadcast %shift_right_logical3A_1443 : i32 to vector<16xi32>
    %shift_right_logical3A_1445 = arith.shrui %get3A_1356, %shift_right_logical3A_1444 : vector<16xi32>
    %gather3A_1446 = tpu.vector_load_idx %arg9[%shift_right_logical3A_1445] : memref<1584xi32, #tpu.memory_space<vmem>>[vector<16xi32>], vector<16xi32>,
    %shift_right_logical3A_1447 = arith.constant 5 : i32
    %shift_right_logical3A_1448 = vector.broadcast %shift_right_logical3A_1447 : i32 to vector<16xi32>
    %shift_right_logical3A_1449 = arith.shrui %get3A_1358, %shift_right_logical3A_1448 : vector<16xi32>
    %gather3A_1450 = tpu.vector_load_idx %arg9[%shift_right_logical3A_1449] : memref<1584xi32, #tpu.memory_space<vmem>>[vector<16xi32>], vector<16xi32>,
    %shift_right_logical3A_1451 = arith.constant 5 : i32
    %shift_right_logical3A_1452 = vector.broadcast %shift_right_logical3A_1451 : i32 to vector<16xi32>
    %shift_right_logical3A_1453 = arith.shrui %get3A_1360, %shift_right_logical3A_1452 : vector<16xi32>
    %gather3A_1454 = tpu.vector_load_idx %arg9[%shift_right_logical3A_1453] : memref<1584xi32, #tpu.memory_space<vmem>>[vector<16xi32>], vector<16xi32>,
    %shift_right_logical3A_1455 = arith.constant 5 : i32
    %shift_right_logical3A_1456 = vector.broadcast %shift_right_logical3A_1455 : i32 to vector<16xi32>
    %shift_right_logical3A_1457 = arith.shrui %get3A_1362, %shift_right_logical3A_1456 : vector<16xi32>
    %gather3A_1458 = tpu.vector_load_idx %arg9[%shift_right_logical3A_1457] : memref<1584xi32, #tpu.memory_space<vmem>>[vector<16xi32>], vector<16xi32>,
    %shift_right_logical3A_1459 = arith.constant 5 : i32
    %shift_right_logical3A_1460 = vector.broadcast %shift_right_logical3A_1459 : i32 to vector<16xi32>
    %shift_right_logical3A_1461 = arith.shrui %get3A_1364, %shift_right_logical3A_1460 : vector<16xi32>
    %gather3A_1462 = tpu.vector_load_idx %arg9[%shift_right_logical3A_1461] : memref<1584xi32, #tpu.memory_space<vmem>>[vector<16xi32>], vector<16xi32>,
    %shift_right_logical3A_1463 = arith.constant 5 : i32
    %shift_right_logical3A_1464 = vector.broadcast %shift_right_logical3A_1463 : i32 to vector<16xi32>
    %shift_right_logical3A_1465 = arith.shrui %get3A_1366, %shift_right_logical3A_1464 : vector<16xi32>
    %gather3A_1466 = tpu.vector_load_idx %arg9[%shift_right_logical3A_1465] : memref<1584xi32, #tpu.memory_space<vmem>>[vector<16xi32>], vector<16xi32>,
    %shift_right_logical3A_1467 = arith.constant 5 : i32
    %shift_right_logical3A_1468 = vector.broadcast %shift_right_logical3A_1467 : i32 to vector<16xi32>
    %shift_right_logical3A_1469 = arith.shrui %get3A_1368, %shift_right_logical3A_1468 : vector<16xi32>
    %gather3A_1470 = tpu.vector_load_idx %arg9[%shift_right_logical3A_1469] : memref<1584xi32, #tpu.memory_space<vmem>>[vector<16xi32>], vector<16xi32>,
    %shift_right_logical3A_1471 = arith.constant 5 : i32
    %shift_right_logical3A_1472 = vector.broadcast %shift_right_logical3A_1471 : i32 to vector<16xi32>
    %shift_right_logical3A_1473 = arith.shrui %get3A_1370, %shift_right_logical3A_1472 : vector<16xi32>
    %gather3A_1474 = tpu.vector_load_idx %arg9[%shift_right_logical3A_1473] : memref<1584xi32, #tpu.memory_space<vmem>>[vector<16xi32>], vector<16xi32>,
    %shift_right_logical3A_1475 = arith.constant 5 : i32
    %shift_right_logical3A_1476 = vector.broadcast %shift_right_logical3A_1475 : i32 to vector<16xi32>
    %shift_right_logical3A_1477 = arith.shrui %get3A_1372, %shift_right_logical3A_1476 : vector<16xi32>
    %gather3A_1478 = tpu.vector_load_idx %arg9[%shift_right_logical3A_1477] : memref<1584xi32, #tpu.memory_space<vmem>>[vector<16xi32>], vector<16xi32>,
    %shift_right_logical3A_1479 = arith.constant 5 : i32
    %shift_right_logical3A_1480 = vector.broadcast %shift_right_logical3A_1479 : i32 to vector<16xi32>
    %shift_right_logical3A_1481 = arith.shrui %get3A_1374, %shift_right_logical3A_1480 : vector<16xi32>
    %gather3A_1482 = tpu.vector_load_idx %arg9[%shift_right_logical3A_1481] : memref<1584xi32, #tpu.memory_space<vmem>>[vector<16xi32>], vector<16xi32>,
    %shift_right_logical3A_1483 = arith.constant 5 : i32
    %shift_right_logical3A_1484 = vector.broadcast %shift_right_logical3A_1483 : i32 to vector<16xi32>
    %shift_right_logical3A_1485 = arith.shrui %get3A_1376, %shift_right_logical3A_1484 : vector<16xi32>
    %gather3A_1486 = tpu.vector_load_idx %arg9[%shift_right_logical3A_1485] : memref<1584xi32, #tpu.memory_space<vmem>>[vector<16xi32>], vector<16xi32>,
    %shift_right_logical3A_1487 = arith.constant 5 : i32
    %shift_right_logical3A_1488 = vector.broadcast %shift_right_logical3A_1487 : i32 to vector<16xi32>
    %shift_right_logical3A_1489 = arith.shrui %get3A_1378, %shift_right_logical3A_1488 : vector<16xi32>
    %gather3A_1490 = tpu.vector_load_idx %arg9[%shift_right_logical3A_1489] : memref<1584xi32, #tpu.memory_space<vmem>>[vector<16xi32>], vector<16xi32>,
    %shift_right_logical3A_1491 = arith.constant 5 : i32
    %shift_right_logical3A_1492 = vector.broadcast %shift_right_logical3A_1491 : i32 to vector<16xi32>
    %shift_right_logical3A_1493 = arith.shrui %get3A_1380, %shift_right_logical3A_1492 : vector<16xi32>
    %gather3A_1494 = tpu.vector_load_idx %arg9[%shift_right_logical3A_1493] : memref<1584xi32, #tpu.memory_space<vmem>>[vector<16xi32>], vector<16xi32>,
    %shift_right_logical3A_1495 = arith.constant 5 : i32
    %shift_right_logical3A_1496 = vector.broadcast %shift_right_logical3A_1495 : i32 to vector<16xi32>
    %shift_right_logical3A_1497 = arith.shrui %get3A_1382, %shift_right_logical3A_1496 : vector<16xi32>
    %gather3A_1498 = tpu.vector_load_idx %arg9[%shift_right_logical3A_1497] : memref<1584xi32, #tpu.memory_space<vmem>>[vector<16xi32>], vector<16xi32>,
    %shift_right_logical3A_1499 = arith.constant 5 : i32
    %shift_right_logical3A_1500 = vector.broadcast %shift_right_logical3A_1499 : i32 to vector<16xi32>
    %shift_right_logical3A_1501 = arith.shrui %get3A_1384, %shift_right_logical3A_1500 : vector<16xi32>
    %gather3A_1502 = tpu.vector_load_idx %arg9[%shift_right_logical3A_1501] : memref<1584xi32, #tpu.memory_space<vmem>>[vector<16xi32>], vector<16xi32>,
    %shift_right_logical3A_1503 = arith.constant 5 : i32
    %shift_right_logical3A_1504 = vector.broadcast %shift_right_logical3A_1503 : i32 to vector<16xi32>
    %shift_right_logical3A_1505 = arith.shrui %get3A_1386, %shift_right_logical3A_1504 : vector<16xi32>
    %gather3A_1506 = tpu.vector_load_idx %arg9[%shift_right_logical3A_1505] : memref<1584xi32, #tpu.memory_space<vmem>>[vector<16xi32>], vector<16xi32>,
    %shift_right_logical3A_1507 = arith.constant 5 : i32
    %shift_right_logical3A_1508 = vector.broadcast %shift_right_logical3A_1507 : i32 to vector<16xi32>
    %shift_right_logical3A_1509 = arith.shrui %get3A_1388, %shift_right_logical3A_1508 : vector<16xi32>
    %gather3A_1510 = tpu.vector_load_idx %arg9[%shift_right_logical3A_1509] : memref<1584xi32, #tpu.memory_space<vmem>>[vector<16xi32>], vector<16xi32>,
    %shift_right_logical3A_1511 = arith.constant 5 : i32
    %shift_right_logical3A_1512 = vector.broadcast %shift_right_logical3A_1511 : i32 to vector<16xi32>
    %shift_right_logical3A_1513 = arith.shrui %get3A_1390, %shift_right_logical3A_1512 : vector<16xi32>
    %gather3A_1514 = tpu.vector_load_idx %arg9[%shift_right_logical3A_1513] : memref<1584xi32, #tpu.memory_space<vmem>>[vector<16xi32>], vector<16xi32>,
    %shift_right_logical3A_1515 = arith.constant 5 : i32
    %shift_right_logical3A_1516 = vector.broadcast %shift_right_logical3A_1515 : i32 to vector<16xi32>
    %shift_right_logical3A_1517 = arith.shrui %get3A_1392, %shift_right_logical3A_1516 : vector<16xi32>
    %gather3A_1518 = tpu.vector_load_idx %arg9[%shift_right_logical3A_1517] : memref<1584xi32, #tpu.memory_space<vmem>>[vector<16xi32>], vector<16xi32>,
    %shift_right_logical3A_1519 = arith.constant 5 : i32
    %shift_right_logical3A_1520 = vector.broadcast %shift_right_logical3A_1519 : i32 to vector<16xi32>
    %shift_right_logical3A_1521 = arith.shrui %get3A_1394, %shift_right_logical3A_1520 : vector<16xi32>
    %gather3A_1522 = tpu.vector_load_idx %arg9[%shift_right_logical3A_1521] : memref<1584xi32, #tpu.memory_space<vmem>>[vector<16xi32>], vector<16xi32>,
    %and3A_1523 = arith.constant 31 : i32
    %and3A_1524 = vector.broadcast %and3A_1523 : i32 to vector<16xi32>
    %and3A_1525 = arith.andi %get3A_1332, %and3A_1524 : vector<16xi32>
    %shift_right_logical3A_1526 = arith.shrui %gather3A_1398, %and3A_1525 : vector<16xi32>
    %and3A_1527 = arith.constant 1 : i32
    %and3A_1528 = vector.broadcast %and3A_1527 : i32 to vector<16xi32>
    %and3A_1529 = arith.andi %shift_right_logical3A_1526, %and3A_1528 : vector<16xi32>
    %convert_element_type3A_1530 = arith.sitofp %and3A_1529 : vector<16xi32> to vector<16xf32>
    %mul3A_1531 = arith.mulf %convert_element_type3A_1530, %get3A_238 : vector<16xf32>
    %swap3A_1532 = arith.constant 1024 : index
    %swap3A_1533 = tpu.vector_load %arg10[%swap3A_1532] {strides = array<i32>} : memref<2048xf32, #tpu.memory_space<vmem>>, vector<16xf32>,
    tpu.vector_store %arg10[%swap3A_1532], %mul3A_1531 {strides = array<i32>} : memref<2048xf32, #tpu.memory_space<vmem>>, vector<16xf32>,
    %and3A_1534 = arith.constant 31 : i32
    %and3A_1535 = vector.broadcast %and3A_1534 : i32 to vector<16xi32>
    %and3A_1536 = arith.andi %get3A_1334, %and3A_1535 : vector<16xi32>
    %shift_right_logical3A_1537 = arith.shrui %gather3A_1402, %and3A_1536 : vector<16xi32>
    %and3A_1538 = arith.constant 1 : i32
    %and3A_1539 = vector.broadcast %and3A_1538 : i32 to vector<16xi32>
    %and3A_1540 = arith.andi %shift_right_logical3A_1537, %and3A_1539 : vector<16xi32>
    %convert_element_type3A_1541 = arith.sitofp %and3A_1540 : vector<16xi32> to vector<16xf32>
    %mul3A_1542 = arith.mulf %convert_element_type3A_1541, %get3A_238 : vector<16xf32>
    %swap3A_1543 = arith.constant 1040 : index
    %swap3A_1544 = tpu.vector_load %arg10[%swap3A_1543] {strides = array<i32>} : memref<2048xf32, #tpu.memory_space<vmem>>, vector<16xf32>,
    tpu.vector_store %arg10[%swap3A_1543], %mul3A_1542 {strides = array<i32>} : memref<2048xf32, #tpu.memory_space<vmem>>, vector<16xf32>,
    %and3A_1545 = arith.constant 31 : i32
    %and3A_1546 = vector.broadcast %and3A_1545 : i32 to vector<16xi32>
    %and3A_1547 = arith.andi %get3A_1336, %and3A_1546 : vector<16xi32>
    %shift_right_logical3A_1548 = arith.shrui %gather3A_1406, %and3A_1547 : vector<16xi32>
    %and3A_1549 = arith.constant 1 : i32
    %and3A_1550 = vector.broadcast %and3A_1549 : i32 to vector<16xi32>
    %and3A_1551 = arith.andi %shift_right_logical3A_1548, %and3A_1550 : vector<16xi32>
    %convert_element_type3A_1552 = arith.sitofp %and3A_1551 : vector<16xi32> to vector<16xf32>
    %mul3A_1553 = arith.mulf %convert_element_type3A_1552, %get3A_238 : vector<16xf32>
    %swap3A_1554 = arith.constant 1056 : index
    %swap3A_1555 = tpu.vector_load %arg10[%swap3A_1554] {strides = array<i32>} : memref<2048xf32, #tpu.memory_space<vmem>>, vector<16xf32>,
    tpu.vector_store %arg10[%swap3A_1554], %mul3A_1553 {strides = array<i32>} : memref<2048xf32, #tpu.memory_space<vmem>>, vector<16xf32>,
    %and3A_1556 = arith.constant 31 : i32
    %and3A_1557 = vector.broadcast %and3A_1556 : i32 to vector<16xi32>
    %and3A_1558 = arith.andi %get3A_1338, %and3A_1557 : vector<16xi32>
    %shift_right_logical3A_1559 = arith.shrui %gather3A_1410, %and3A_1558 : vector<16xi32>
    %and3A_1560 = arith.constant 1 : i32
    %and3A_1561 = vector.broadcast %and3A_1560 : i32 to vector<16xi32>
    %and3A_1562 = arith.andi %shift_right_logical3A_1559, %and3A_1561 : vector<16xi32>
    %convert_element_type3A_1563 = arith.sitofp %and3A_1562 : vector<16xi32> to vector<16xf32>
    %mul3A_1564 = arith.mulf %convert_element_type3A_1563, %get3A_238 : vector<16xf32>
    %swap3A_1565 = arith.constant 1072 : index
    %swap3A_1566 = tpu.vector_load %arg10[%swap3A_1565] {strides = array<i32>} : memref<2048xf32, #tpu.memory_space<vmem>>, vector<16xf32>,
    tpu.vector_store %arg10[%swap3A_1565], %mul3A_1564 {strides = array<i32>} : memref<2048xf32, #tpu.memory_space<vmem>>, vector<16xf32>,
    %and3A_1567 = arith.constant 31 : i32
    %and3A_1568 = vector.broadcast %and3A_1567 : i32 to vector<16xi32>
    %and3A_1569 = arith.andi %get3A_1340, %and3A_1568 : vector<16xi32>
    %shift_right_logical3A_1570 = arith.shrui %gather3A_1414, %and3A_1569 : vector<16xi32>
    %and3A_1571 = arith.constant 1 : i32
    %and3A_1572 = vector.broadcast %and3A_1571 : i32 to vector<16xi32>
    %and3A_1573 = arith.andi %shift_right_logical3A_1570, %and3A_1572 : vector<16xi32>
    %convert_element_type3A_1574 = arith.sitofp %and3A_1573 : vector<16xi32> to vector<16xf32>
    %mul3A_1575 = arith.mulf %convert_element_type3A_1574, %get3A_238 : vector<16xf32>
    %swap3A_1576 = arith.constant 1088 : index
    %swap3A_1577 = tpu.vector_load %arg10[%swap3A_1576] {strides = array<i32>} : memref<2048xf32, #tpu.memory_space<vmem>>, vector<16xf32>,
    tpu.vector_store %arg10[%swap3A_1576], %mul3A_1575 {strides = array<i32>} : memref<2048xf32, #tpu.memory_space<vmem>>, vector<16xf32>,
    %and3A_1578 = arith.constant 31 : i32
    %and3A_1579 = vector.broadcast %and3A_1578 : i32 to vector<16xi32>
    %and3A_1580 = arith.andi %get3A_1342, %and3A_1579 : vector<16xi32>
    %shift_right_logical3A_1581 = arith.shrui %gather3A_1418, %and3A_1580 : vector<16xi32>
    %and3A_1582 = arith.constant 1 : i32
    %and3A_1583 = vector.broadcast %and3A_1582 : i32 to vector<16xi32>
    %and3A_1584 = arith.andi %shift_right_logical3A_1581, %and3A_1583 : vector<16xi32>
    %convert_element_type3A_1585 = arith.sitofp %and3A_1584 : vector<16xi32> to vector<16xf32>
    %mul3A_1586 = arith.mulf %convert_element_type3A_1585, %get3A_238 : vector<16xf32>
    %swap3A_1587 = arith.constant 1104 : index
    %swap3A_1588 = tpu.vector_load %arg10[%swap3A_1587] {strides = array<i32>} : memref<2048xf32, #tpu.memory_space<vmem>>, vector<16xf32>,
    tpu.vector_store %arg10[%swap3A_1587], %mul3A_1586 {strides = array<i32>} : memref<2048xf32, #tpu.memory_space<vmem>>, vector<16xf32>,
    %and3A_1589 = arith.constant 31 : i32
    %and3A_1590 = vector.broadcast %and3A_1589 : i32 to vector<16xi32>
    %and3A_1591 = arith.andi %get3A_1344, %and3A_1590 : vector<16xi32>
    %shift_right_logical3A_1592 = arith.shrui %gather3A_1422, %and3A_1591 : vector<16xi32>
    %and3A_1593 = arith.constant 1 : i32
    %and3A_1594 = vector.broadcast %and3A_1593 : i32 to vector<16xi32>
    %and3A_1595 = arith.andi %shift_right_logical3A_1592, %and3A_1594 : vector<16xi32>
    %convert_element_type3A_1596 = arith.sitofp %and3A_1595 : vector<16xi32> to vector<16xf32>
    %mul3A_1597 = arith.mulf %convert_element_type3A_1596, %get3A_238 : vector<16xf32>
    %swap3A_1598 = arith.constant 1120 : index
    %swap3A_1599 = tpu.vector_load %arg10[%swap3A_1598] {strides = array<i32>} : memref<2048xf32, #tpu.memory_space<vmem>>, vector<16xf32>,
    tpu.vector_store %arg10[%swap3A_1598], %mul3A_1597 {strides = array<i32>} : memref<2048xf32, #tpu.memory_space<vmem>>, vector<16xf32>,
    %and3A_1600 = arith.constant 31 : i32
    %and3A_1601 = vector.broadcast %and3A_1600 : i32 to vector<16xi32>
    %and3A_1602 = arith.andi %get3A_1346, %and3A_1601 : vector<16xi32>
    %shift_right_logical3A_1603 = arith.shrui %gather3A_1426, %and3A_1602 : vector<16xi32>
    %and3A_1604 = arith.constant 1 : i32
    %and3A_1605 = vector.broadcast %and3A_1604 : i32 to vector<16xi32>
    %and3A_1606 = arith.andi %shift_right_logical3A_1603, %and3A_1605 : vector<16xi32>
    %convert_element_type3A_1607 = arith.sitofp %and3A_1606 : vector<16xi32> to vector<16xf32>
    %mul3A_1608 = arith.mulf %convert_element_type3A_1607, %get3A_238 : vector<16xf32>
    %swap3A_1609 = arith.constant 1136 : index
    %swap3A_1610 = tpu.vector_load %arg10[%swap3A_1609] {strides = array<i32>} : memref<2048xf32, #tpu.memory_space<vmem>>, vector<16xf32>,
    tpu.vector_store %arg10[%swap3A_1609], %mul3A_1608 {strides = array<i32>} : memref<2048xf32, #tpu.memory_space<vmem>>, vector<16xf32>,
    %and3A_1611 = arith.constant 31 : i32
    %and3A_1612 = vector.broadcast %and3A_1611 : i32 to vector<16xi32>
    %and3A_1613 = arith.andi %get3A_1348, %and3A_1612 : vector<16xi32>
    %shift_right_logical3A_1614 = arith.shrui %gather3A_1430, %and3A_1613 : vector<16xi32>
    %and3A_1615 = arith.constant 1 : i32
    %and3A_1616 = vector.broadcast %and3A_1615 : i32 to vector<16xi32>
    %and3A_1617 = arith.andi %shift_right_logical3A_1614, %and3A_1616 : vector<16xi32>
    %convert_element_type3A_1618 = arith.sitofp %and3A_1617 : vector<16xi32> to vector<16xf32>
    %mul3A_1619 = arith.mulf %convert_element_type3A_1618, %get3A_238 : vector<16xf32>
    %swap3A_1620 = arith.constant 1152 : index
    %swap3A_1621 = tpu.vector_load %arg10[%swap3A_1620] {strides = array<i32>} : memref<2048xf32, #tpu.memory_space<vmem>>, vector<16xf32>,
    tpu.vector_store %arg10[%swap3A_1620], %mul3A_1619 {strides = array<i32>} : memref<2048xf32, #tpu.memory_space<vmem>>, vector<16xf32>,
    %and3A_1622 = arith.constant 31 : i32
    %and3A_1623 = vector.broadcast %and3A_1622 : i32 to vector<16xi32>
    %and3A_1624 = arith.andi %get3A_1350, %and3A_1623 : vector<16xi32>
    %shift_right_logical3A_1625 = arith.shrui %gather3A_1434, %and3A_1624 : vector<16xi32>
    %and3A_1626 = arith.constant 1 : i32
    %and3A_1627 = vector.broadcast %and3A_1626 : i32 to vector<16xi32>
    %and3A_1628 = arith.andi %shift_right_logical3A_1625, %and3A_1627 : vector<16xi32>
    %convert_element_type3A_1629 = arith.sitofp %and3A_1628 : vector<16xi32> to vector<16xf32>
    %mul3A_1630 = arith.mulf %convert_element_type3A_1629, %get3A_238 : vector<16xf32>
    %swap3A_1631 = arith.constant 1168 : index
    %swap3A_1632 = tpu.vector_load %arg10[%swap3A_1631] {strides = array<i32>} : memref<2048xf32, #tpu.memory_space<vmem>>, vector<16xf32>,
    tpu.vector_store %arg10[%swap3A_1631], %mul3A_1630 {strides = array<i32>} : memref<2048xf32, #tpu.memory_space<vmem>>, vector<16xf32>,
    %and3A_1633 = arith.constant 31 : i32
    %and3A_1634 = vector.broadcast %and3A_1633 : i32 to vector<16xi32>
    %and3A_1635 = arith.andi %get3A_1352, %and3A_1634 : vector<16xi32>
    %shift_right_logical3A_1636 = arith.shrui %gather3A_1438, %and3A_1635 : vector<16xi32>
    %and3A_1637 = arith.constant 1 : i32
    %and3A_1638 = vector.broadcast %and3A_1637 : i32 to vector<16xi32>
    %and3A_1639 = arith.andi %shift_right_logical3A_1636, %and3A_1638 : vector<16xi32>
    %convert_element_type3A_1640 = arith.sitofp %and3A_1639 : vector<16xi32> to vector<16xf32>
    %mul3A_1641 = arith.mulf %convert_element_type3A_1640, %get3A_238 : vector<16xf32>
    %swap3A_1642 = arith.constant 1184 : index
    %swap3A_1643 = tpu.vector_load %arg10[%swap3A_1642] {strides = array<i32>} : memref<2048xf32, #tpu.memory_space<vmem>>, vector<16xf32>,
    tpu.vector_store %arg10[%swap3A_1642], %mul3A_1641 {strides = array<i32>} : memref<2048xf32, #tpu.memory_space<vmem>>, vector<16xf32>,
    %and3A_1644 = arith.constant 31 : i32
    %and3A_1645 = vector.broadcast %and3A_1644 : i32 to vector<16xi32>
    %and3A_1646 = arith.andi %get3A_1354, %and3A_1645 : vector<16xi32>
    %shift_right_logical3A_1647 = arith.shrui %gather3A_1442, %and3A_1646 : vector<16xi32>
    %and3A_1648 = arith.constant 1 : i32
    %and3A_1649 = vector.broadcast %and3A_1648 : i32 to vector<16xi32>
    %and3A_1650 = arith.andi %shift_right_logical3A_1647, %and3A_1649 : vector<16xi32>
    %convert_element_type3A_1651 = arith.sitofp %and3A_1650 : vector<16xi32> to vector<16xf32>
    %mul3A_1652 = arith.mulf %convert_element_type3A_1651, %get3A_238 : vector<16xf32>
    %swap3A_1653 = arith.constant 1200 : index
    %swap3A_1654 = tpu.vector_load %arg10[%swap3A_1653] {strides = array<i32>} : memref<2048xf32, #tpu.memory_space<vmem>>, vector<16xf32>,
    tpu.vector_store %arg10[%swap3A_1653], %mul3A_1652 {strides = array<i32>} : memref<2048xf32, #tpu.memory_space<vmem>>, vector<16xf32>,
    %and3A_1655 = arith.constant 31 : i32
    %and3A_1656 = vector.broadcast %and3A_1655 : i32 to vector<16xi32>
    %and3A_1657 = arith.andi %get3A_1356, %and3A_1656 : vector<16xi32>
    %shift_right_logical3A_1658 = arith.shrui %gather3A_1446, %and3A_1657 : vector<16xi32>
    %and3A_1659 = arith.constant 1 : i32
    %and3A_1660 = vector.broadcast %and3A_1659 : i32 to vector<16xi32>
    %and3A_1661 = arith.andi %shift_right_logical3A_1658, %and3A_1660 : vector<16xi32>
    %convert_element_type3A_1662 = arith.sitofp %and3A_1661 : vector<16xi32> to vector<16xf32>
    %mul3A_1663 = arith.mulf %convert_element_type3A_1662, %get3A_238 : vector<16xf32>
    %swap3A_1664 = arith.constant 1216 : index
    %swap3A_1665 = tpu.vector_load %arg10[%swap3A_1664] {strides = array<i32>} : memref<2048xf32, #tpu.memory_space<vmem>>, vector<16xf32>,
    tpu.vector_store %arg10[%swap3A_1664], %mul3A_1663 {strides = array<i32>} : memref<2048xf32, #tpu.memory_space<vmem>>, vector<16xf32>,
    %and3A_1666 = arith.constant 31 : i32
    %and3A_1667 = vector.broadcast %and3A_1666 : i32 to vector<16xi32>
    %and3A_1668 = arith.andi %get3A_1358, %and3A_1667 : vector<16xi32>
    %shift_right_logical3A_1669 = arith.shrui %gather3A_1450, %and3A_1668 : vector<16xi32>
    %and3A_1670 = arith.constant 1 : i32
    %and3A_1671 = vector.broadcast %and3A_1670 : i32 to vector<16xi32>
    %and3A_1672 = arith.andi %shift_right_logical3A_1669, %and3A_1671 : vector<16xi32>
    %convert_element_type3A_1673 = arith.sitofp %and3A_1672 : vector<16xi32> to vector<16xf32>
    %mul3A_1674 = arith.mulf %convert_element_type3A_1673, %get3A_238 : vector<16xf32>
    %swap3A_1675 = arith.constant 1232 : index
    %swap3A_1676 = tpu.vector_load %arg10[%swap3A_1675] {strides = array<i32>} : memref<2048xf32, #tpu.memory_space<vmem>>, vector<16xf32>,
    tpu.vector_store %arg10[%swap3A_1675], %mul3A_1674 {strides = array<i32>} : memref<2048xf32, #tpu.memory_space<vmem>>, vector<16xf32>,
    %and3A_1677 = arith.constant 31 : i32
    %and3A_1678 = vector.broadcast %and3A_1677 : i32 to vector<16xi32>
    %and3A_1679 = arith.andi %get3A_1360, %and3A_1678 : vector<16xi32>
    %shift_right_logical3A_1680 = arith.shrui %gather3A_1454, %and3A_1679 : vector<16xi32>
    %and3A_1681 = arith.constant 1 : i32
    %and3A_1682 = vector.broadcast %and3A_1681 : i32 to vector<16xi32>
    %and3A_1683 = arith.andi %shift_right_logical3A_1680, %and3A_1682 : vector<16xi32>
    %convert_element_type3A_1684 = arith.sitofp %and3A_1683 : vector<16xi32> to vector<16xf32>
    %mul3A_1685 = arith.mulf %convert_element_type3A_1684, %get3A_238 : vector<16xf32>
    %swap3A_1686 = arith.constant 1248 : index
    %swap3A_1687 = tpu.vector_load %arg10[%swap3A_1686] {strides = array<i32>} : memref<2048xf32, #tpu.memory_space<vmem>>, vector<16xf32>,
    tpu.vector_store %arg10[%swap3A_1686], %mul3A_1685 {strides = array<i32>} : memref<2048xf32, #tpu.memory_space<vmem>>, vector<16xf32>,
    %and3A_1688 = arith.constant 31 : i32
    %and3A_1689 = vector.broadcast %and3A_1688 : i32 to vector<16xi32>
    %and3A_1690 = arith.andi %get3A_1362, %and3A_1689 : vector<16xi32>
    %shift_right_logical3A_1691 = arith.shrui %gather3A_1458, %and3A_1690 : vector<16xi32>
    %and3A_1692 = arith.constant 1 : i32
    %and3A_1693 = vector.broadcast %and3A_1692 : i32 to vector<16xi32>
    %and3A_1694 = arith.andi %shift_right_logical3A_1691, %and3A_1693 : vector<16xi32>
    %convert_element_type3A_1695 = arith.sitofp %and3A_1694 : vector<16xi32> to vector<16xf32>
    %mul3A_1696 = arith.mulf %convert_element_type3A_1695, %get3A_238 : vector<16xf32>
    %swap3A_1697 = arith.constant 1264 : index
    %swap3A_1698 = tpu.vector_load %arg10[%swap3A_1697] {strides = array<i32>} : memref<2048xf32, #tpu.memory_space<vmem>>, vector<16xf32>,
    tpu.vector_store %arg10[%swap3A_1697], %mul3A_1696 {strides = array<i32>} : memref<2048xf32, #tpu.memory_space<vmem>>, vector<16xf32>,
    %and3A_1699 = arith.constant 31 : i32
    %and3A_1700 = vector.broadcast %and3A_1699 : i32 to vector<16xi32>
    %and3A_1701 = arith.andi %get3A_1364, %and3A_1700 : vector<16xi32>
    %shift_right_logical3A_1702 = arith.shrui %gather3A_1462, %and3A_1701 : vector<16xi32>
    %and3A_1703 = arith.constant 1 : i32
    %and3A_1704 = vector.broadcast %and3A_1703 : i32 to vector<16xi32>
    %and3A_1705 = arith.andi %shift_right_logical3A_1702, %and3A_1704 : vector<16xi32>
    %convert_element_type3A_1706 = arith.sitofp %and3A_1705 : vector<16xi32> to vector<16xf32>
    %mul3A_1707 = arith.mulf %convert_element_type3A_1706, %get3A_238 : vector<16xf32>
    %swap3A_1708 = arith.constant 1280 : index
    %swap3A_1709 = tpu.vector_load %arg10[%swap3A_1708] {strides = array<i32>} : memref<2048xf32, #tpu.memory_space<vmem>>, vector<16xf32>,
    tpu.vector_store %arg10[%swap3A_1708], %mul3A_1707 {strides = array<i32>} : memref<2048xf32, #tpu.memory_space<vmem>>, vector<16xf32>,
    %and3A_1710 = arith.constant 31 : i32
    %and3A_1711 = vector.broadcast %and3A_1710 : i32 to vector<16xi32>
    %and3A_1712 = arith.andi %get3A_1366, %and3A_1711 : vector<16xi32>
    %shift_right_logical3A_1713 = arith.shrui %gather3A_1466, %and3A_1712 : vector<16xi32>
    %and3A_1714 = arith.constant 1 : i32
    %and3A_1715 = vector.broadcast %and3A_1714 : i32 to vector<16xi32>
    %and3A_1716 = arith.andi %shift_right_logical3A_1713, %and3A_1715 : vector<16xi32>
    %convert_element_type3A_1717 = arith.sitofp %and3A_1716 : vector<16xi32> to vector<16xf32>
    %mul3A_1718 = arith.mulf %convert_element_type3A_1717, %get3A_238 : vector<16xf32>
    %swap3A_1719 = arith.constant 1296 : index
    %swap3A_1720 = tpu.vector_load %arg10[%swap3A_1719] {strides = array<i32>} : memref<2048xf32, #tpu.memory_space<vmem>>, vector<16xf32>,
    tpu.vector_store %arg10[%swap3A_1719], %mul3A_1718 {strides = array<i32>} : memref<2048xf32, #tpu.memory_space<vmem>>, vector<16xf32>,
    %and3A_1721 = arith.constant 31 : i32
    %and3A_1722 = vector.broadcast %and3A_1721 : i32 to vector<16xi32>
    %and3A_1723 = arith.andi %get3A_1368, %and3A_1722 : vector<16xi32>
    %shift_right_logical3A_1724 = arith.shrui %gather3A_1470, %and3A_1723 : vector<16xi32>
    %and3A_1725 = arith.constant 1 : i32
    %and3A_1726 = vector.broadcast %and3A_1725 : i32 to vector<16xi32>
    %and3A_1727 = arith.andi %shift_right_logical3A_1724, %and3A_1726 : vector<16xi32>
    %convert_element_type3A_1728 = arith.sitofp %and3A_1727 : vector<16xi32> to vector<16xf32>
    %mul3A_1729 = arith.mulf %convert_element_type3A_1728, %get3A_238 : vector<16xf32>
    %swap3A_1730 = arith.constant 1312 : index
    %swap3A_1731 = tpu.vector_load %arg10[%swap3A_1730] {strides = array<i32>} : memref<2048xf32, #tpu.memory_space<vmem>>, vector<16xf32>,
    tpu.vector_store %arg10[%swap3A_1730], %mul3A_1729 {strides = array<i32>} : memref<2048xf32, #tpu.memory_space<vmem>>, vector<16xf32>,
    %and3A_1732 = arith.constant 31 : i32
    %and3A_1733 = vector.broadcast %and3A_1732 : i32 to vector<16xi32>
    %and3A_1734 = arith.andi %get3A_1370, %and3A_1733 : vector<16xi32>
    %shift_right_logical3A_1735 = arith.shrui %gather3A_1474, %and3A_1734 : vector<16xi32>
    %and3A_1736 = arith.constant 1 : i32
    %and3A_1737 = vector.broadcast %and3A_1736 : i32 to vector<16xi32>
    %and3A_1738 = arith.andi %shift_right_logical3A_1735, %and3A_1737 : vector<16xi32>
    %convert_element_type3A_1739 = arith.sitofp %and3A_1738 : vector<16xi32> to vector<16xf32>
    %mul3A_1740 = arith.mulf %convert_element_type3A_1739, %get3A_238 : vector<16xf32>
    %swap3A_1741 = arith.constant 1328 : index
    %swap3A_1742 = tpu.vector_load %arg10[%swap3A_1741] {strides = array<i32>} : memref<2048xf32, #tpu.memory_space<vmem>>, vector<16xf32>,
    tpu.vector_store %arg10[%swap3A_1741], %mul3A_1740 {strides = array<i32>} : memref<2048xf32, #tpu.memory_space<vmem>>, vector<16xf32>,
    %and3A_1743 = arith.constant 31 : i32
    %and3A_1744 = vector.broadcast %and3A_1743 : i32 to vector<16xi32>
    %and3A_1745 = arith.andi %get3A_1372, %and3A_1744 : vector<16xi32>
    %shift_right_logical3A_1746 = arith.shrui %gather3A_1478, %and3A_1745 : vector<16xi32>
    %and3A_1747 = arith.constant 1 : i32
    %and3A_1748 = vector.broadcast %and3A_1747 : i32 to vector<16xi32>
    %and3A_1749 = arith.andi %shift_right_logical3A_1746, %and3A_1748 : vector<16xi32>
    %convert_element_type3A_1750 = arith.sitofp %and3A_1749 : vector<16xi32> to vector<16xf32>
    %mul3A_1751 = arith.mulf %convert_element_type3A_1750, %get3A_238 : vector<16xf32>
    %swap3A_1752 = arith.constant 1344 : index
    %swap3A_1753 = tpu.vector_load %arg10[%swap3A_1752] {strides = array<i32>} : memref<2048xf32, #tpu.memory_space<vmem>>, vector<16xf32>,
    tpu.vector_store %arg10[%swap3A_1752], %mul3A_1751 {strides = array<i32>} : memref<2048xf32, #tpu.memory_space<vmem>>, vector<16xf32>,
    %and3A_1754 = arith.constant 31 : i32
    %and3A_1755 = vector.broadcast %and3A_1754 : i32 to vector<16xi32>
    %and3A_1756 = arith.andi %get3A_1374, %and3A_1755 : vector<16xi32>
    %shift_right_logical3A_1757 = arith.shrui %gather3A_1482, %and3A_1756 : vector<16xi32>
    %and3A_1758 = arith.constant 1 : i32
    %and3A_1759 = vector.broadcast %and3A_1758 : i32 to vector<16xi32>
    %and3A_1760 = arith.andi %shift_right_logical3A_1757, %and3A_1759 : vector<16xi32>
    %convert_element_type3A_1761 = arith.sitofp %and3A_1760 : vector<16xi32> to vector<16xf32>
    %mul3A_1762 = arith.mulf %convert_element_type3A_1761, %get3A_238 : vector<16xf32>
    %swap3A_1763 = arith.constant 1360 : index
    %swap3A_1764 = tpu.vector_load %arg10[%swap3A_1763] {strides = array<i32>} : memref<2048xf32, #tpu.memory_space<vmem>>, vector<16xf32>,
    tpu.vector_store %arg10[%swap3A_1763], %mul3A_1762 {strides = array<i32>} : memref<2048xf32, #tpu.memory_space<vmem>>, vector<16xf32>,
    %and3A_1765 = arith.constant 31 : i32
    %and3A_1766 = vector.broadcast %and3A_1765 : i32 to vector<16xi32>
    %and3A_1767 = arith.andi %get3A_1376, %and3A_1766 : vector<16xi32>
    %shift_right_logical3A_1768 = arith.shrui %gather3A_1486, %and3A_1767 : vector<16xi32>
    %and3A_1769 = arith.constant 1 : i32
    %and3A_1770 = vector.broadcast %and3A_1769 : i32 to vector<16xi32>
    %and3A_1771 = arith.andi %shift_right_logical3A_1768, %and3A_1770 : vector<16xi32>
    %convert_element_type3A_1772 = arith.sitofp %and3A_1771 : vector<16xi32> to vector<16xf32>
    %mul3A_1773 = arith.mulf %convert_element_type3A_1772, %get3A_238 : vector<16xf32>
    %swap3A_1774 = arith.constant 1376 : index
    %swap3A_1775 = tpu.vector_load %arg10[%swap3A_1774] {strides = array<i32>} : memref<2048xf32, #tpu.memory_space<vmem>>, vector<16xf32>,
    tpu.vector_store %arg10[%swap3A_1774], %mul3A_1773 {strides = array<i32>} : memref<2048xf32, #tpu.memory_space<vmem>>, vector<16xf32>,
    %and3A_1776 = arith.constant 31 : i32
    %and3A_1777 = vector.broadcast %and3A_1776 : i32 to vector<16xi32>
    %and3A_1778 = arith.andi %get3A_1378, %and3A_1777 : vector<16xi32>
    %shift_right_logical3A_1779 = arith.shrui %gather3A_1490, %and3A_1778 : vector<16xi32>
    %and3A_1780 = arith.constant 1 : i32
    %and3A_1781 = vector.broadcast %and3A_1780 : i32 to vector<16xi32>
    %and3A_1782 = arith.andi %shift_right_logical3A_1779, %and3A_1781 : vector<16xi32>
    %convert_element_type3A_1783 = arith.sitofp %and3A_1782 : vector<16xi32> to vector<16xf32>
    %mul3A_1784 = arith.mulf %convert_element_type3A_1783, %get3A_238 : vector<16xf32>
    %swap3A_1785 = arith.constant 1392 : index
    %swap3A_1786 = tpu.vector_load %arg10[%swap3A_1785] {strides = array<i32>} : memref<2048xf32, #tpu.memory_space<vmem>>, vector<16xf32>,
    tpu.vector_store %arg10[%swap3A_1785], %mul3A_1784 {strides = array<i32>} : memref<2048xf32, #tpu.memory_space<vmem>>, vector<16xf32>,
    %and3A_1787 = arith.constant 31 : i32
    %and3A_1788 = vector.broadcast %and3A_1787 : i32 to vector<16xi32>
    %and3A_1789 = arith.andi %get3A_1380, %and3A_1788 : vector<16xi32>
    %shift_right_logical3A_1790 = arith.shrui %gather3A_1494, %and3A_1789 : vector<16xi32>
    %and3A_1791 = arith.constant 1 : i32
    %and3A_1792 = vector.broadcast %and3A_1791 : i32 to vector<16xi32>
    %and3A_1793 = arith.andi %shift_right_logical3A_1790, %and3A_1792 : vector<16xi32>
    %convert_element_type3A_1794 = arith.sitofp %and3A_1793 : vector<16xi32> to vector<16xf32>
    %mul3A_1795 = arith.mulf %convert_element_type3A_1794, %get3A_238 : vector<16xf32>
    %swap3A_1796 = arith.constant 1408 : index
    %swap3A_1797 = tpu.vector_load %arg10[%swap3A_1796] {strides = array<i32>} : memref<2048xf32, #tpu.memory_space<vmem>>, vector<16xf32>,
    tpu.vector_store %arg10[%swap3A_1796], %mul3A_1795 {strides = array<i32>} : memref<2048xf32, #tpu.memory_space<vmem>>, vector<16xf32>,
    %and3A_1798 = arith.constant 31 : i32
    %and3A_1799 = vector.broadcast %and3A_1798 : i32 to vector<16xi32>
    %and3A_1800 = arith.andi %get3A_1382, %and3A_1799 : vector<16xi32>
    %shift_right_logical3A_1801 = arith.shrui %gather3A_1498, %and3A_1800 : vector<16xi32>
    %and3A_1802 = arith.constant 1 : i32
    %and3A_1803 = vector.broadcast %and3A_1802 : i32 to vector<16xi32>
    %and3A_1804 = arith.andi %shift_right_logical3A_1801, %and3A_1803 : vector<16xi32>
    %convert_element_type3A_1805 = arith.sitofp %and3A_1804 : vector<16xi32> to vector<16xf32>
    %mul3A_1806 = arith.mulf %convert_element_type3A_1805, %get3A_238 : vector<16xf32>
    %swap3A_1807 = arith.constant 1424 : index
    %swap3A_1808 = tpu.vector_load %arg10[%swap3A_1807] {strides = array<i32>} : memref<2048xf32, #tpu.memory_space<vmem>>, vector<16xf32>,
    tpu.vector_store %arg10[%swap3A_1807], %mul3A_1806 {strides = array<i32>} : memref<2048xf32, #tpu.memory_space<vmem>>, vector<16xf32>,
    %and3A_1809 = arith.constant 31 : i32
    %and3A_1810 = vector.broadcast %and3A_1809 : i32 to vector<16xi32>
    %and3A_1811 = arith.andi %get3A_1384, %and3A_1810 : vector<16xi32>
    %shift_right_logical3A_1812 = arith.shrui %gather3A_1502, %and3A_1811 : vector<16xi32>
    %and3A_1813 = arith.constant 1 : i32
    %and3A_1814 = vector.broadcast %and3A_1813 : i32 to vector<16xi32>
    %and3A_1815 = arith.andi %shift_right_logical3A_1812, %and3A_1814 : vector<16xi32>
    %convert_element_type3A_1816 = arith.sitofp %and3A_1815 : vector<16xi32> to vector<16xf32>
    %mul3A_1817 = arith.mulf %convert_element_type3A_1816, %get3A_238 : vector<16xf32>
    %swap3A_1818 = arith.constant 1440 : index
    %swap3A_1819 = tpu.vector_load %arg10[%swap3A_1818] {strides = array<i32>} : memref<2048xf32, #tpu.memory_space<vmem>>, vector<16xf32>,
    tpu.vector_store %arg10[%swap3A_1818], %mul3A_1817 {strides = array<i32>} : memref<2048xf32, #tpu.memory_space<vmem>>, vector<16xf32>,
    %and3A_1820 = arith.constant 31 : i32
    %and3A_1821 = vector.broadcast %and3A_1820 : i32 to vector<16xi32>
    %and3A_1822 = arith.andi %get3A_1386, %and3A_1821 : vector<16xi32>
    %shift_right_logical3A_1823 = arith.shrui %gather3A_1506, %and3A_1822 : vector<16xi32>
    %and3A_1824 = arith.constant 1 : i32
    %and3A_1825 = vector.broadcast %and3A_1824 : i32 to vector<16xi32>
    %and3A_1826 = arith.andi %shift_right_logical3A_1823, %and3A_1825 : vector<16xi32>
    %convert_element_type3A_1827 = arith.sitofp %and3A_1826 : vector<16xi32> to vector<16xf32>
    %mul3A_1828 = arith.mulf %convert_element_type3A_1827, %get3A_238 : vector<16xf32>
    %swap3A_1829 = arith.constant 1456 : index
    %swap3A_1830 = tpu.vector_load %arg10[%swap3A_1829] {strides = array<i32>} : memref<2048xf32, #tpu.memory_space<vmem>>, vector<16xf32>,
    tpu.vector_store %arg10[%swap3A_1829], %mul3A_1828 {strides = array<i32>} : memref<2048xf32, #tpu.memory_space<vmem>>, vector<16xf32>,
    %and3A_1831 = arith.constant 31 : i32
    %and3A_1832 = vector.broadcast %and3A_1831 : i32 to vector<16xi32>
    %and3A_1833 = arith.andi %get3A_1388, %and3A_1832 : vector<16xi32>
    %shift_right_logical3A_1834 = arith.shrui %gather3A_1510, %and3A_1833 : vector<16xi32>
    %and3A_1835 = arith.constant 1 : i32
    %and3A_1836 = vector.broadcast %and3A_1835 : i32 to vector<16xi32>
    %and3A_1837 = arith.andi %shift_right_logical3A_1834, %and3A_1836 : vector<16xi32>
    %convert_element_type3A_1838 = arith.sitofp %and3A_1837 : vector<16xi32> to vector<16xf32>
    %mul3A_1839 = arith.mulf %convert_element_type3A_1838, %get3A_238 : vector<16xf32>
    %swap3A_1840 = arith.constant 1472 : index
    %swap3A_1841 = tpu.vector_load %arg10[%swap3A_1840] {strides = array<i32>} : memref<2048xf32, #tpu.memory_space<vmem>>, vector<16xf32>,
    tpu.vector_store %arg10[%swap3A_1840], %mul3A_1839 {strides = array<i32>} : memref<2048xf32, #tpu.memory_space<vmem>>, vector<16xf32>,
    %and3A_1842 = arith.constant 31 : i32
    %and3A_1843 = vector.broadcast %and3A_1842 : i32 to vector<16xi32>
    %and3A_1844 = arith.andi %get3A_1390, %and3A_1843 : vector<16xi32>
    %shift_right_logical3A_1845 = arith.shrui %gather3A_1514, %and3A_1844 : vector<16xi32>
    %and3A_1846 = arith.constant 1 : i32
    %and3A_1847 = vector.broadcast %and3A_1846 : i32 to vector<16xi32>
    %and3A_1848 = arith.andi %shift_right_logical3A_1845, %and3A_1847 : vector<16xi32>
    %convert_element_type3A_1849 = arith.sitofp %and3A_1848 : vector<16xi32> to vector<16xf32>
    %mul3A_1850 = arith.mulf %convert_element_type3A_1849, %get3A_238 : vector<16xf32>
    %swap3A_1851 = arith.constant 1488 : index
    %swap3A_1852 = tpu.vector_load %arg10[%swap3A_1851] {strides = array<i32>} : memref<2048xf32, #tpu.memory_space<vmem>>, vector<16xf32>,
    tpu.vector_store %arg10[%swap3A_1851], %mul3A_1850 {strides = array<i32>} : memref<2048xf32, #tpu.memory_space<vmem>>, vector<16xf32>,
    %and3A_1853 = arith.constant 31 : i32
    %and3A_1854 = vector.broadcast %and3A_1853 : i32 to vector<16xi32>
    %and3A_1855 = arith.andi %get3A_1392, %and3A_1854 : vector<16xi32>
    %shift_right_logical3A_1856 = arith.shrui %gather3A_1518, %and3A_1855 : vector<16xi32>
    %and3A_1857 = arith.constant 1 : i32
    %and3A_1858 = vector.broadcast %and3A_1857 : i32 to vector<16xi32>
    %and3A_1859 = arith.andi %shift_right_logical3A_1856, %and3A_1858 : vector<16xi32>
    %convert_element_type3A_1860 = arith.sitofp %and3A_1859 : vector<16xi32> to vector<16xf32>
    %mul3A_1861 = arith.mulf %convert_element_type3A_1860, %get3A_238 : vector<16xf32>
    %swap3A_1862 = arith.constant 1504 : index
    %swap3A_1863 = tpu.vector_load %arg10[%swap3A_1862] {strides = array<i32>} : memref<2048xf32, #tpu.memory_space<vmem>>, vector<16xf32>,
    tpu.vector_store %arg10[%swap3A_1862], %mul3A_1861 {strides = array<i32>} : memref<2048xf32, #tpu.memory_space<vmem>>, vector<16xf32>,
    %and3A_1864 = arith.constant 31 : i32
    %and3A_1865 = vector.broadcast %and3A_1864 : i32 to vector<16xi32>
    %and3A_1866 = arith.andi %get3A_1394, %and3A_1865 : vector<16xi32>
    %shift_right_logical3A_1867 = arith.shrui %gather3A_1522, %and3A_1866 : vector<16xi32>
    %and3A_1868 = arith.constant 1 : i32
    %and3A_1869 = vector.broadcast %and3A_1868 : i32 to vector<16xi32>
    %and3A_1870 = arith.andi %shift_right_logical3A_1867, %and3A_1869 : vector<16xi32>
    %convert_element_type3A_1871 = arith.sitofp %and3A_1870 : vector<16xi32> to vector<16xf32>
    %mul3A_1872 = arith.mulf %convert_element_type3A_1871, %get3A_238 : vector<16xf32>
    %swap3A_1873 = arith.constant 1520 : index
    %swap3A_1874 = tpu.vector_load %arg10[%swap3A_1873] {strides = array<i32>} : memref<2048xf32, #tpu.memory_space<vmem>>, vector<16xf32>,
    tpu.vector_store %arg10[%swap3A_1873], %mul3A_1872 {strides = array<i32>} : memref<2048xf32, #tpu.memory_space<vmem>>, vector<16xf32>,
    %get3A_1875 = arith.constant 1536 : index
    %get3A_1876 = tpu.vector_load %arg6[%get3A_1875] {strides = array<i32>} : memref<2048xi32, #tpu.memory_space<vmem>>, vector<16xi32>,
    %get3A_1877 = arith.constant 1552 : index
    %get3A_1878 = tpu.vector_load %arg6[%get3A_1877] {strides = array<i32>} : memref<2048xi32, #tpu.memory_space<vmem>>, vector<16xi32>,
    %get3A_1879 = arith.constant 1568 : index
    %get3A_1880 = tpu.vector_load %arg6[%get3A_1879] {strides = array<i32>} : memref<2048xi32, #tpu.memory_space<vmem>>, vector<16xi32>,
    %get3A_1881 = arith.constant 1584 : index
    %get3A_1882 = tpu.vector_load %arg6[%get3A_1881] {strides = array<i32>} : memref<2048xi32, #tpu.memory_space<vmem>>, vector<16xi32>,
    %get3A_1883 = arith.constant 1600 : index
    %get3A_1884 = tpu.vector_load %arg6[%get3A_1883] {strides = array<i32>} : memref<2048xi32, #tpu.memory_space<vmem>>, vector<16xi32>,
    %get3A_1885 = arith.constant 1616 : index
    %get3A_1886 = tpu.vector_load %arg6[%get3A_1885] {strides = array<i32>} : memref<2048xi32, #tpu.memory_space<vmem>>, vector<16xi32>,
    %get3A_1887 = arith.constant 1632 : index
    %get3A_1888 = tpu.vector_load %arg6[%get3A_1887] {strides = array<i32>} : memref<2048xi32, #tpu.memory_space<vmem>>, vector<16xi32>,
    %get3A_1889 = arith.constant 1648 : index
    %get3A_1890 = tpu.vector_load %arg6[%get3A_1889] {strides = array<i32>} : memref<2048xi32, #tpu.memory_space<vmem>>, vector<16xi32>,
    %get3A_1891 = arith.constant 1664 : index
    %get3A_1892 = tpu.vector_load %arg6[%get3A_1891] {strides = array<i32>} : memref<2048xi32, #tpu.memory_space<vmem>>, vector<16xi32>,
    %get3A_1893 = arith.constant 1680 : index
    %get3A_1894 = tpu.vector_load %arg6[%get3A_1893] {strides = array<i32>} : memref<2048xi32, #tpu.memory_space<vmem>>, vector<16xi32>,
    %get3A_1895 = arith.constant 1696 : index
    %get3A_1896 = tpu.vector_load %arg6[%get3A_1895] {strides = array<i32>} : memref<2048xi32, #tpu.memory_space<vmem>>, vector<16xi32>,
    %get3A_1897 = arith.constant 1712 : index
    %get3A_1898 = tpu.vector_load %arg6[%get3A_1897] {strides = array<i32>} : memref<2048xi32, #tpu.memory_space<vmem>>, vector<16xi32>,
    %get3A_1899 = arith.constant 1728 : index
    %get3A_1900 = tpu.vector_load %arg6[%get3A_1899] {strides = array<i32>} : memref<2048xi32, #tpu.memory_space<vmem>>, vector<16xi32>,
    %get3A_1901 = arith.constant 1744 : index
    %get3A_1902 = tpu.vector_load %arg6[%get3A_1901] {strides = array<i32>} : memref<2048xi32, #tpu.memory_space<vmem>>, vector<16xi32>,
    %get3A_1903 = arith.constant 1760 : index
    %get3A_1904 = tpu.vector_load %arg6[%get3A_1903] {strides = array<i32>} : memref<2048xi32, #tpu.memory_space<vmem>>, vector<16xi32>,
    %get3A_1905 = arith.constant 1776 : index
    %get3A_1906 = tpu.vector_load %arg6[%get3A_1905] {strides = array<i32>} : memref<2048xi32, #tpu.memory_space<vmem>>, vector<16xi32>,
    %get3A_1907 = arith.constant 1792 : index
    %get3A_1908 = tpu.vector_load %arg6[%get3A_1907] {strides = array<i32>} : memref<2048xi32, #tpu.memory_space<vmem>>, vector<16xi32>,
    %get3A_1909 = arith.constant 1808 : index
    %get3A_1910 = tpu.vector_load %arg6[%get3A_1909] {strides = array<i32>} : memref<2048xi32, #tpu.memory_space<vmem>>, vector<16xi32>,
    %get3A_1911 = arith.constant 1824 : index
    %get3A_1912 = tpu.vector_load %arg6[%get3A_1911] {strides = array<i32>} : memref<2048xi32, #tpu.memory_space<vmem>>, vector<16xi32>,
    %get3A_1913 = arith.constant 1840 : index
    %get3A_1914 = tpu.vector_load %arg6[%get3A_1913] {strides = array<i32>} : memref<2048xi32, #tpu.memory_space<vmem>>, vector<16xi32>,
    %get3A_1915 = arith.constant 1856 : index
    %get3A_1916 = tpu.vector_load %arg6[%get3A_1915] {strides = array<i32>} : memref<2048xi32, #tpu.memory_space<vmem>>, vector<16xi32>,
    %get3A_1917 = arith.constant 1872 : index
    %get3A_1918 = tpu.vector_load %arg6[%get3A_1917] {strides = array<i32>} : memref<2048xi32, #tpu.memory_space<vmem>>, vector<16xi32>,
    %get3A_1919 = arith.constant 1888 : index
    %get3A_1920 = tpu.vector_load %arg6[%get3A_1919] {strides = array<i32>} : memref<2048xi32, #tpu.memory_space<vmem>>, vector<16xi32>,
    %get3A_1921 = arith.constant 1904 : index
    %get3A_1922 = tpu.vector_load %arg6[%get3A_1921] {strides = array<i32>} : memref<2048xi32, #tpu.memory_space<vmem>>, vector<16xi32>,
    %get3A_1923 = arith.constant 1920 : index
    %get3A_1924 = tpu.vector_load %arg6[%get3A_1923] {strides = array<i32>} : memref<2048xi32, #tpu.memory_space<vmem>>, vector<16xi32>,
    %get3A_1925 = arith.constant 1936 : index
    %get3A_1926 = tpu.vector_load %arg6[%get3A_1925] {strides = array<i32>} : memref<2048xi32, #tpu.memory_space<vmem>>, vector<16xi32>,
    %get3A_1927 = arith.constant 1952 : index
    %get3A_1928 = tpu.vector_load %arg6[%get3A_1927] {strides = array<i32>} : memref<2048xi32, #tpu.memory_space<vmem>>, vector<16xi32>,
    %get3A_1929 = arith.constant 1968 : index
    %get3A_1930 = tpu.vector_load %arg6[%get3A_1929] {strides = array<i32>} : memref<2048xi32, #tpu.memory_space<vmem>>, vector<16xi32>,
    %get3A_1931 = arith.constant 1984 : index
    %get3A_1932 = tpu.vector_load %arg6[%get3A_1931] {strides = array<i32>} : memref<2048xi32, #tpu.memory_space<vmem>>, vector<16xi32>,
    %get3A_1933 = arith.constant 2000 : index
    %get3A_1934 = tpu.vector_load %arg6[%get3A_1933] {strides = array<i32>} : memref<2048xi32, #tpu.memory_space<vmem>>, vector<16xi32>,
    %get3A_1935 = arith.constant 2016 : index
    %get3A_1936 = tpu.vector_load %arg6[%get3A_1935] {strides = array<i32>} : memref<2048xi32, #tpu.memory_space<vmem>>, vector<16xi32>,
    %get3A_1937 = arith.constant 2032 : index
    %get3A_1938 = tpu.vector_load %arg6[%get3A_1937] {strides = array<i32>} : memref<2048xi32, #tpu.memory_space<vmem>>, vector<16xi32>,
    %shift_right_logical3A_1939 = arith.constant 5 : i32
    %shift_right_logical3A_1940 = vector.broadcast %shift_right_logical3A_1939 : i32 to vector<16xi32>
    %shift_right_logical3A_1941 = arith.shrui %get3A_1876, %shift_right_logical3A_1940 : vector<16xi32>
    %gather3A_1942 = tpu.vector_load_idx %arg9[%shift_right_logical3A_1941] : memref<1584xi32, #tpu.memory_space<vmem>>[vector<16xi32>], vector<16xi32>,
    %shift_right_logical3A_1943 = arith.constant 5 : i32
    %shift_right_logical3A_1944 = vector.broadcast %shift_right_logical3A_1943 : i32 to vector<16xi32>
    %shift_right_logical3A_1945 = arith.shrui %get3A_1878, %shift_right_logical3A_1944 : vector<16xi32>
    %gather3A_1946 = tpu.vector_load_idx %arg9[%shift_right_logical3A_1945] : memref<1584xi32, #tpu.memory_space<vmem>>[vector<16xi32>], vector<16xi32>,
    %shift_right_logical3A_1947 = arith.constant 5 : i32
    %shift_right_logical3A_1948 = vector.broadcast %shift_right_logical3A_1947 : i32 to vector<16xi32>
    %shift_right_logical3A_1949 = arith.shrui %get3A_1880, %shift_right_logical3A_1948 : vector<16xi32>
    %gather3A_1950 = tpu.vector_load_idx %arg9[%shift_right_logical3A_1949] : memref<1584xi32, #tpu.memory_space<vmem>>[vector<16xi32>], vector<16xi32>,
    %shift_right_logical3A_1951 = arith.constant 5 : i32
    %shift_right_logical3A_1952 = vector.broadcast %shift_right_logical3A_1951 : i32 to vector<16xi32>
    %shift_right_logical3A_1953 = arith.shrui %get3A_1882, %shift_right_logical3A_1952 : vector<16xi32>
    %gather3A_1954 = tpu.vector_load_idx %arg9[%shift_right_logical3A_1953] : memref<1584xi32, #tpu.memory_space<vmem>>[vector<16xi32>], vector<16xi32>,
    %shift_right_logical3A_1955 = arith.constant 5 : i32
    %shift_right_logical3A_1956 = vector.broadcast %shift_right_logical3A_1955 : i32 to vector<16xi32>
    %shift_right_logical3A_1957 = arith.shrui %get3A_1884, %shift_right_logical3A_1956 : vector<16xi32>
    %gather3A_1958 = tpu.vector_load_idx %arg9[%shift_right_logical3A_1957] : memref<1584xi32, #tpu.memory_space<vmem>>[vector<16xi32>], vector<16xi32>,
    %shift_right_logical3A_1959 = arith.constant 5 : i32
    %shift_right_logical3A_1960 = vector.broadcast %shift_right_logical3A_1959 : i32 to vector<16xi32>
    %shift_right_logical3A_1961 = arith.shrui %get3A_1886, %shift_right_logical3A_1960 : vector<16xi32>
    %gather3A_1962 = tpu.vector_load_idx %arg9[%shift_right_logical3A_1961] : memref<1584xi32, #tpu.memory_space<vmem>>[vector<16xi32>], vector<16xi32>,
    %shift_right_logical3A_1963 = arith.constant 5 : i32
    %shift_right_logical3A_1964 = vector.broadcast %shift_right_logical3A_1963 : i32 to vector<16xi32>
    %shift_right_logical3A_1965 = arith.shrui %get3A_1888, %shift_right_logical3A_1964 : vector<16xi32>
    %gather3A_1966 = tpu.vector_load_idx %arg9[%shift_right_logical3A_1965] : memref<1584xi32, #tpu.memory_space<vmem>>[vector<16xi32>], vector<16xi32>,
    %shift_right_logical3A_1967 = arith.constant 5 : i32
    %shift_right_logical3A_1968 = vector.broadcast %shift_right_logical3A_1967 : i32 to vector<16xi32>
    %shift_right_logical3A_1969 = arith.shrui %get3A_1890, %shift_right_logical3A_1968 : vector<16xi32>
    %gather3A_1970 = tpu.vector_load_idx %arg9[%shift_right_logical3A_1969] : memref<1584xi32, #tpu.memory_space<vmem>>[vector<16xi32>], vector<16xi32>,
    %shift_right_logical3A_1971 = arith.constant 5 : i32
    %shift_right_logical3A_1972 = vector.broadcast %shift_right_logical3A_1971 : i32 to vector<16xi32>
    %shift_right_logical3A_1973 = arith.shrui %get3A_1892, %shift_right_logical3A_1972 : vector<16xi32>
    %gather3A_1974 = tpu.vector_load_idx %arg9[%shift_right_logical3A_1973] : memref<1584xi32, #tpu.memory_space<vmem>>[vector<16xi32>], vector<16xi32>,
    %shift_right_logical3A_1975 = arith.constant 5 : i32
    %shift_right_logical3A_1976 = vector.broadcast %shift_right_logical3A_1975 : i32 to vector<16xi32>
    %shift_right_logical3A_1977 = arith.shrui %get3A_1894, %shift_right_logical3A_1976 : vector<16xi32>
    %gather3A_1978 = tpu.vector_load_idx %arg9[%shift_right_logical3A_1977] : memref<1584xi32, #tpu.memory_space<vmem>>[vector<16xi32>], vector<16xi32>,
    %shift_right_logical3A_1979 = arith.constant 5 : i32
    %shift_right_logical3A_1980 = vector.broadcast %shift_right_logical3A_1979 : i32 to vector<16xi32>
    %shift_right_logical3A_1981 = arith.shrui %get3A_1896, %shift_right_logical3A_1980 : vector<16xi32>
    %gather3A_1982 = tpu.vector_load_idx %arg9[%shift_right_logical3A_1981] : memref<1584xi32, #tpu.memory_space<vmem>>[vector<16xi32>], vector<16xi32>,
    %shift_right_logical3A_1983 = arith.constant 5 : i32
    %shift_right_logical3A_1984 = vector.broadcast %shift_right_logical3A_1983 : i32 to vector<16xi32>
    %shift_right_logical3A_1985 = arith.shrui %get3A_1898, %shift_right_logical3A_1984 : vector<16xi32>
    %gather3A_1986 = tpu.vector_load_idx %arg9[%shift_right_logical3A_1985] : memref<1584xi32, #tpu.memory_space<vmem>>[vector<16xi32>], vector<16xi32>,
    %shift_right_logical3A_1987 = arith.constant 5 : i32
    %shift_right_logical3A_1988 = vector.broadcast %shift_right_logical3A_1987 : i32 to vector<16xi32>
    %shift_right_logical3A_1989 = arith.shrui %get3A_1900, %shift_right_logical3A_1988 : vector<16xi32>
    %gather3A_1990 = tpu.vector_load_idx %arg9[%shift_right_logical3A_1989] : memref<1584xi32, #tpu.memory_space<vmem>>[vector<16xi32>], vector<16xi32>,
    %shift_right_logical3A_1991 = arith.constant 5 : i32
    %shift_right_logical3A_1992 = vector.broadcast %shift_right_logical3A_1991 : i32 to vector<16xi32>
    %shift_right_logical3A_1993 = arith.shrui %get3A_1902, %shift_right_logical3A_1992 : vector<16xi32>
    %gather3A_1994 = tpu.vector_load_idx %arg9[%shift_right_logical3A_1993] : memref<1584xi32, #tpu.memory_space<vmem>>[vector<16xi32>], vector<16xi32>,
    %shift_right_logical3A_1995 = arith.constant 5 : i32
    %shift_right_logical3A_1996 = vector.broadcast %shift_right_logical3A_1995 : i32 to vector<16xi32>
    %shift_right_logical3A_1997 = arith.shrui %get3A_1904, %shift_right_logical3A_1996 : vector<16xi32>
    %gather3A_1998 = tpu.vector_load_idx %arg9[%shift_right_logical3A_1997] : memref<1584xi32, #tpu.memory_space<vmem>>[vector<16xi32>], vector<16xi32>,
    %shift_right_logical3A_1999 = arith.constant 5 : i32
    %shift_right_logical3A_2000 = vector.broadcast %shift_right_logical3A_1999 : i32 to vector<16xi32>
    %shift_right_logical3A_2001 = arith.shrui %get3A_1906, %shift_right_logical3A_2000 : vector<16xi32>
    %gather3A_2002 = tpu.vector_load_idx %arg9[%shift_right_logical3A_2001] : memref<1584xi32, #tpu.memory_space<vmem>>[vector<16xi32>], vector<16xi32>,
    %shift_right_logical3A_2003 = arith.constant 5 : i32
    %shift_right_logical3A_2004 = vector.broadcast %shift_right_logical3A_2003 : i32 to vector<16xi32>
    %shift_right_logical3A_2005 = arith.shrui %get3A_1908, %shift_right_logical3A_2004 : vector<16xi32>
    %gather3A_2006 = tpu.vector_load_idx %arg9[%shift_right_logical3A_2005] : memref<1584xi32, #tpu.memory_space<vmem>>[vector<16xi32>], vector<16xi32>,
    %shift_right_logical3A_2007 = arith.constant 5 : i32
    %shift_right_logical3A_2008 = vector.broadcast %shift_right_logical3A_2007 : i32 to vector<16xi32>
    %shift_right_logical3A_2009 = arith.shrui %get3A_1910, %shift_right_logical3A_2008 : vector<16xi32>
    %gather3A_2010 = tpu.vector_load_idx %arg9[%shift_right_logical3A_2009] : memref<1584xi32, #tpu.memory_space<vmem>>[vector<16xi32>], vector<16xi32>,
    %shift_right_logical3A_2011 = arith.constant 5 : i32
    %shift_right_logical3A_2012 = vector.broadcast %shift_right_logical3A_2011 : i32 to vector<16xi32>
    %shift_right_logical3A_2013 = arith.shrui %get3A_1912, %shift_right_logical3A_2012 : vector<16xi32>
    %gather3A_2014 = tpu.vector_load_idx %arg9[%shift_right_logical3A_2013] : memref<1584xi32, #tpu.memory_space<vmem>>[vector<16xi32>], vector<16xi32>,
    %shift_right_logical3A_2015 = arith.constant 5 : i32
    %shift_right_logical3A_2016 = vector.broadcast %shift_right_logical3A_2015 : i32 to vector<16xi32>
    %shift_right_logical3A_2017 = arith.shrui %get3A_1914, %shift_right_logical3A_2016 : vector<16xi32>
    %gather3A_2018 = tpu.vector_load_idx %arg9[%shift_right_logical3A_2017] : memref<1584xi32, #tpu.memory_space<vmem>>[vector<16xi32>], vector<16xi32>,
    %shift_right_logical3A_2019 = arith.constant 5 : i32
    %shift_right_logical3A_2020 = vector.broadcast %shift_right_logical3A_2019 : i32 to vector<16xi32>
    %shift_right_logical3A_2021 = arith.shrui %get3A_1916, %shift_right_logical3A_2020 : vector<16xi32>
    %gather3A_2022 = tpu.vector_load_idx %arg9[%shift_right_logical3A_2021] : memref<1584xi32, #tpu.memory_space<vmem>>[vector<16xi32>], vector<16xi32>,
    %shift_right_logical3A_2023 = arith.constant 5 : i32
    %shift_right_logical3A_2024 = vector.broadcast %shift_right_logical3A_2023 : i32 to vector<16xi32>
    %shift_right_logical3A_2025 = arith.shrui %get3A_1918, %shift_right_logical3A_2024 : vector<16xi32>
    %gather3A_2026 = tpu.vector_load_idx %arg9[%shift_right_logical3A_2025] : memref<1584xi32, #tpu.memory_space<vmem>>[vector<16xi32>], vector<16xi32>,
    %shift_right_logical3A_2027 = arith.constant 5 : i32
    %shift_right_logical3A_2028 = vector.broadcast %shift_right_logical3A_2027 : i32 to vector<16xi32>
    %shift_right_logical3A_2029 = arith.shrui %get3A_1920, %shift_right_logical3A_2028 : vector<16xi32>
    %gather3A_2030 = tpu.vector_load_idx %arg9[%shift_right_logical3A_2029] : memref<1584xi32, #tpu.memory_space<vmem>>[vector<16xi32>], vector<16xi32>,
    %shift_right_logical3A_2031 = arith.constant 5 : i32
    %shift_right_logical3A_2032 = vector.broadcast %shift_right_logical3A_2031 : i32 to vector<16xi32>
    %shift_right_logical3A_2033 = arith.shrui %get3A_1922, %shift_right_logical3A_2032 : vector<16xi32>
    %gather3A_2034 = tpu.vector_load_idx %arg9[%shift_right_logical3A_2033] : memref<1584xi32, #tpu.memory_space<vmem>>[vector<16xi32>], vector<16xi32>,
    %shift_right_logical3A_2035 = arith.constant 5 : i32
    %shift_right_logical3A_2036 = vector.broadcast %shift_right_logical3A_2035 : i32 to vector<16xi32>
    %shift_right_logical3A_2037 = arith.shrui %get3A_1924, %shift_right_logical3A_2036 : vector<16xi32>
    %gather3A_2038 = tpu.vector_load_idx %arg9[%shift_right_logical3A_2037] : memref<1584xi32, #tpu.memory_space<vmem>>[vector<16xi32>], vector<16xi32>,
    %shift_right_logical3A_2039 = arith.constant 5 : i32
    %shift_right_logical3A_2040 = vector.broadcast %shift_right_logical3A_2039 : i32 to vector<16xi32>
    %shift_right_logical3A_2041 = arith.shrui %get3A_1926, %shift_right_logical3A_2040 : vector<16xi32>
    %gather3A_2042 = tpu.vector_load_idx %arg9[%shift_right_logical3A_2041] : memref<1584xi32, #tpu.memory_space<vmem>>[vector<16xi32>], vector<16xi32>,
    %shift_right_logical3A_2043 = arith.constant 5 : i32
    %shift_right_logical3A_2044 = vector.broadcast %shift_right_logical3A_2043 : i32 to vector<16xi32>
    %shift_right_logical3A_2045 = arith.shrui %get3A_1928, %shift_right_logical3A_2044 : vector<16xi32>
    %gather3A_2046 = tpu.vector_load_idx %arg9[%shift_right_logical3A_2045] : memref<1584xi32, #tpu.memory_space<vmem>>[vector<16xi32>], vector<16xi32>,
    %shift_right_logical3A_2047 = arith.constant 5 : i32
    %shift_right_logical3A_2048 = vector.broadcast %shift_right_logical3A_2047 : i32 to vector<16xi32>
    %shift_right_logical3A_2049 = arith.shrui %get3A_1930, %shift_right_logical3A_2048 : vector<16xi32>
    %gather3A_2050 = tpu.vector_load_idx %arg9[%shift_right_logical3A_2049] : memref<1584xi32, #tpu.memory_space<vmem>>[vector<16xi32>], vector<16xi32>,
    %shift_right_logical3A_2051 = arith.constant 5 : i32
    %shift_right_logical3A_2052 = vector.broadcast %shift_right_logical3A_2051 : i32 to vector<16xi32>
    %shift_right_logical3A_2053 = arith.shrui %get3A_1932, %shift_right_logical3A_2052 : vector<16xi32>
    %gather3A_2054 = tpu.vector_load_idx %arg9[%shift_right_logical3A_2053] : memref<1584xi32, #tpu.memory_space<vmem>>[vector<16xi32>], vector<16xi32>,
    %shift_right_logical3A_2055 = arith.constant 5 : i32
    %shift_right_logical3A_2056 = vector.broadcast %shift_right_logical3A_2055 : i32 to vector<16xi32>
    %shift_right_logical3A_2057 = arith.shrui %get3A_1934, %shift_right_logical3A_2056 : vector<16xi32>
    %gather3A_2058 = tpu.vector_load_idx %arg9[%shift_right_logical3A_2057] : memref<1584xi32, #tpu.memory_space<vmem>>[vector<16xi32>], vector<16xi32>,
    %shift_right_logical3A_2059 = arith.constant 5 : i32
    %shift_right_logical3A_2060 = vector.broadcast %shift_right_logical3A_2059 : i32 to vector<16xi32>
    %shift_right_logical3A_2061 = arith.shrui %get3A_1936, %shift_right_logical3A_2060 : vector<16xi32>
    %gather3A_2062 = tpu.vector_load_idx %arg9[%shift_right_logical3A_2061] : memref<1584xi32, #tpu.memory_space<vmem>>[vector<16xi32>], vector<16xi32>,
    %shift_right_logical3A_2063 = arith.constant 5 : i32
    %shift_right_logical3A_2064 = vector.broadcast %shift_right_logical3A_2063 : i32 to vector<16xi32>
    %shift_right_logical3A_2065 = arith.shrui %get3A_1938, %shift_right_logical3A_2064 : vector<16xi32>
    %gather3A_2066 = tpu.vector_load_idx %arg9[%shift_right_logical3A_2065] : memref<1584xi32, #tpu.memory_space<vmem>>[vector<16xi32>], vector<16xi32>,
    %and3A_2067 = arith.constant 31 : i32
    %and3A_2068 = vector.broadcast %and3A_2067 : i32 to vector<16xi32>
    %and3A_2069 = arith.andi %get3A_1876, %and3A_2068 : vector<16xi32>
    %shift_right_logical3A_2070 = arith.shrui %gather3A_1942, %and3A_2069 : vector<16xi32>
    %and3A_2071 = arith.constant 1 : i32
    %and3A_2072 = vector.broadcast %and3A_2071 : i32 to vector<16xi32>
    %and3A_2073 = arith.andi %shift_right_logical3A_2070, %and3A_2072 : vector<16xi32>
    %convert_element_type3A_2074 = arith.sitofp %and3A_2073 : vector<16xi32> to vector<16xf32>
    %mul3A_2075 = arith.mulf %convert_element_type3A_2074, %get3A_238 : vector<16xf32>
    %swap3A_2076 = arith.constant 1536 : index
    %swap3A_2077 = tpu.vector_load %arg10[%swap3A_2076] {strides = array<i32>} : memref<2048xf32, #tpu.memory_space<vmem>>, vector<16xf32>,
    tpu.vector_store %arg10[%swap3A_2076], %mul3A_2075 {strides = array<i32>} : memref<2048xf32, #tpu.memory_space<vmem>>, vector<16xf32>,
    %and3A_2078 = arith.constant 31 : i32
    %and3A_2079 = vector.broadcast %and3A_2078 : i32 to vector<16xi32>
    %and3A_2080 = arith.andi %get3A_1878, %and3A_2079 : vector<16xi32>
    %shift_right_logical3A_2081 = arith.shrui %gather3A_1946, %and3A_2080 : vector<16xi32>
    %and3A_2082 = arith.constant 1 : i32
    %and3A_2083 = vector.broadcast %and3A_2082 : i32 to vector<16xi32>
    %and3A_2084 = arith.andi %shift_right_logical3A_2081, %and3A_2083 : vector<16xi32>
    %convert_element_type3A_2085 = arith.sitofp %and3A_2084 : vector<16xi32> to vector<16xf32>
    %mul3A_2086 = arith.mulf %convert_element_type3A_2085, %get3A_238 : vector<16xf32>
    %swap3A_2087 = arith.constant 1552 : index
    %swap3A_2088 = tpu.vector_load %arg10[%swap3A_2087] {strides = array<i32>} : memref<2048xf32, #tpu.memory_space<vmem>>, vector<16xf32>,
    tpu.vector_store %arg10[%swap3A_2087], %mul3A_2086 {strides = array<i32>} : memref<2048xf32, #tpu.memory_space<vmem>>, vector<16xf32>,
    %and3A_2089 = arith.constant 31 : i32
    %and3A_2090 = vector.broadcast %and3A_2089 : i32 to vector<16xi32>
    %and3A_2091 = arith.andi %get3A_1880, %and3A_2090 : vector<16xi32>
    %shift_right_logical3A_2092 = arith.shrui %gather3A_1950, %and3A_2091 : vector<16xi32>
    %and3A_2093 = arith.constant 1 : i32
    %and3A_2094 = vector.broadcast %and3A_2093 : i32 to vector<16xi32>
    %and3A_2095 = arith.andi %shift_right_logical3A_2092, %and3A_2094 : vector<16xi32>
    %convert_element_type3A_2096 = arith.sitofp %and3A_2095 : vector<16xi32> to vector<16xf32>
    %mul3A_2097 = arith.mulf %convert_element_type3A_2096, %get3A_238 : vector<16xf32>
    %swap3A_2098 = arith.constant 1568 : index
    %swap3A_2099 = tpu.vector_load %arg10[%swap3A_2098] {strides = array<i32>} : memref<2048xf32, #tpu.memory_space<vmem>>, vector<16xf32>,
    tpu.vector_store %arg10[%swap3A_2098], %mul3A_2097 {strides = array<i32>} : memref<2048xf32, #tpu.memory_space<vmem>>, vector<16xf32>,
    %and3A_2100 = arith.constant 31 : i32
    %and3A_2101 = vector.broadcast %and3A_2100 : i32 to vector<16xi32>
    %and3A_2102 = arith.andi %get3A_1882, %and3A_2101 : vector<16xi32>
    %shift_right_logical3A_2103 = arith.shrui %gather3A_1954, %and3A_2102 : vector<16xi32>
    %and3A_2104 = arith.constant 1 : i32
    %and3A_2105 = vector.broadcast %and3A_2104 : i32 to vector<16xi32>
    %and3A_2106 = arith.andi %shift_right_logical3A_2103, %and3A_2105 : vector<16xi32>
    %convert_element_type3A_2107 = arith.sitofp %and3A_2106 : vector<16xi32> to vector<16xf32>
    %mul3A_2108 = arith.mulf %convert_element_type3A_2107, %get3A_238 : vector<16xf32>
    %swap3A_2109 = arith.constant 1584 : index
    %swap3A_2110 = tpu.vector_load %arg10[%swap3A_2109] {strides = array<i32>} : memref<2048xf32, #tpu.memory_space<vmem>>, vector<16xf32>,
    tpu.vector_store %arg10[%swap3A_2109], %mul3A_2108 {strides = array<i32>} : memref<2048xf32, #tpu.memory_space<vmem>>, vector<16xf32>,
    %and3A_2111 = arith.constant 31 : i32
    %and3A_2112 = vector.broadcast %and3A_2111 : i32 to vector<16xi32>
    %and3A_2113 = arith.andi %get3A_1884, %and3A_2112 : vector<16xi32>
    %shift_right_logical3A_2114 = arith.shrui %gather3A_1958, %and3A_2113 : vector<16xi32>
    %and3A_2115 = arith.constant 1 : i32
    %and3A_2116 = vector.broadcast %and3A_2115 : i32 to vector<16xi32>
    %and3A_2117 = arith.andi %shift_right_logical3A_2114, %and3A_2116 : vector<16xi32>
    %convert_element_type3A_2118 = arith.sitofp %and3A_2117 : vector<16xi32> to vector<16xf32>
    %mul3A_2119 = arith.mulf %convert_element_type3A_2118, %get3A_238 : vector<16xf32>
    %swap3A_2120 = arith.constant 1600 : index
    %swap3A_2121 = tpu.vector_load %arg10[%swap3A_2120] {strides = array<i32>} : memref<2048xf32, #tpu.memory_space<vmem>>, vector<16xf32>,
    tpu.vector_store %arg10[%swap3A_2120], %mul3A_2119 {strides = array<i32>} : memref<2048xf32, #tpu.memory_space<vmem>>, vector<16xf32>,
    %and3A_2122 = arith.constant 31 : i32
    %and3A_2123 = vector.broadcast %and3A_2122 : i32 to vector<16xi32>
    %and3A_2124 = arith.andi %get3A_1886, %and3A_2123 : vector<16xi32>
    %shift_right_logical3A_2125 = arith.shrui %gather3A_1962, %and3A_2124 : vector<16xi32>
    %and3A_2126 = arith.constant 1 : i32
    %and3A_2127 = vector.broadcast %and3A_2126 : i32 to vector<16xi32>
    %and3A_2128 = arith.andi %shift_right_logical3A_2125, %and3A_2127 : vector<16xi32>
    %convert_element_type3A_2129 = arith.sitofp %and3A_2128 : vector<16xi32> to vector<16xf32>
    %mul3A_2130 = arith.mulf %convert_element_type3A_2129, %get3A_238 : vector<16xf32>
    %swap3A_2131 = arith.constant 1616 : index
    %swap3A_2132 = tpu.vector_load %arg10[%swap3A_2131] {strides = array<i32>} : memref<2048xf32, #tpu.memory_space<vmem>>, vector<16xf32>,
    tpu.vector_store %arg10[%swap3A_2131], %mul3A_2130 {strides = array<i32>} : memref<2048xf32, #tpu.memory_space<vmem>>, vector<16xf32>,
    %and3A_2133 = arith.constant 31 : i32
    %and3A_2134 = vector.broadcast %and3A_2133 : i32 to vector<16xi32>
    %and3A_2135 = arith.andi %get3A_1888, %and3A_2134 : vector<16xi32>
    %shift_right_logical3A_2136 = arith.shrui %gather3A_1966, %and3A_2135 : vector<16xi32>
    %and3A_2137 = arith.constant 1 : i32
    %and3A_2138 = vector.broadcast %and3A_2137 : i32 to vector<16xi32>
    %and3A_2139 = arith.andi %shift_right_logical3A_2136, %and3A_2138 : vector<16xi32>
    %convert_element_type3A_2140 = arith.sitofp %and3A_2139 : vector<16xi32> to vector<16xf32>
    %mul3A_2141 = arith.mulf %convert_element_type3A_2140, %get3A_238 : vector<16xf32>
    %swap3A_2142 = arith.constant 1632 : index
    %swap3A_2143 = tpu.vector_load %arg10[%swap3A_2142] {strides = array<i32>} : memref<2048xf32, #tpu.memory_space<vmem>>, vector<16xf32>,
    tpu.vector_store %arg10[%swap3A_2142], %mul3A_2141 {strides = array<i32>} : memref<2048xf32, #tpu.memory_space<vmem>>, vector<16xf32>,
    %and3A_2144 = arith.constant 31 : i32
    %and3A_2145 = vector.broadcast %and3A_2144 : i32 to vector<16xi32>
    %and3A_2146 = arith.andi %get3A_1890, %and3A_2145 : vector<16xi32>
    %shift_right_logical3A_2147 = arith.shrui %gather3A_1970, %and3A_2146 : vector<16xi32>
    %and3A_2148 = arith.constant 1 : i32
    %and3A_2149 = vector.broadcast %and3A_2148 : i32 to vector<16xi32>
    %and3A_2150 = arith.andi %shift_right_logical3A_2147, %and3A_2149 : vector<16xi32>
    %convert_element_type3A_2151 = arith.sitofp %and3A_2150 : vector<16xi32> to vector<16xf32>
    %mul3A_2152 = arith.mulf %convert_element_type3A_2151, %get3A_238 : vector<16xf32>
    %swap3A_2153 = arith.constant 1648 : index
    %swap3A_2154 = tpu.vector_load %arg10[%swap3A_2153] {strides = array<i32>} : memref<2048xf32, #tpu.memory_space<vmem>>, vector<16xf32>,
    tpu.vector_store %arg10[%swap3A_2153], %mul3A_2152 {strides = array<i32>} : memref<2048xf32, #tpu.memory_space<vmem>>, vector<16xf32>,
    %and3A_2155 = arith.constant 31 : i32
    %and3A_2156 = vector.broadcast %and3A_2155 : i32 to vector<16xi32>
    %and3A_2157 = arith.andi %get3A_1892, %and3A_2156 : vector<16xi32>
    %shift_right_logical3A_2158 = arith.shrui %gather3A_1974, %and3A_2157 : vector<16xi32>
    %and3A_2159 = arith.constant 1 : i32
    %and3A_2160 = vector.broadcast %and3A_2159 : i32 to vector<16xi32>
    %and3A_2161 = arith.andi %shift_right_logical3A_2158, %and3A_2160 : vector<16xi32>
    %convert_element_type3A_2162 = arith.sitofp %and3A_2161 : vector<16xi32> to vector<16xf32>
    %mul3A_2163 = arith.mulf %convert_element_type3A_2162, %get3A_238 : vector<16xf32>
    %swap3A_2164 = arith.constant 1664 : index
    %swap3A_2165 = tpu.vector_load %arg10[%swap3A_2164] {strides = array<i32>} : memref<2048xf32, #tpu.memory_space<vmem>>, vector<16xf32>,
    tpu.vector_store %arg10[%swap3A_2164], %mul3A_2163 {strides = array<i32>} : memref<2048xf32, #tpu.memory_space<vmem>>, vector<16xf32>,
    %and3A_2166 = arith.constant 31 : i32
    %and3A_2167 = vector.broadcast %and3A_2166 : i32 to vector<16xi32>
    %and3A_2168 = arith.andi %get3A_1894, %and3A_2167 : vector<16xi32>
    %shift_right_logical3A_2169 = arith.shrui %gather3A_1978, %and3A_2168 : vector<16xi32>
    %and3A_2170 = arith.constant 1 : i32
    %and3A_2171 = vector.broadcast %and3A_2170 : i32 to vector<16xi32>
    %and3A_2172 = arith.andi %shift_right_logical3A_2169, %and3A_2171 : vector<16xi32>
    %convert_element_type3A_2173 = arith.sitofp %and3A_2172 : vector<16xi32> to vector<16xf32>
    %mul3A_2174 = arith.mulf %convert_element_type3A_2173, %get3A_238 : vector<16xf32>
    %swap3A_2175 = arith.constant 1680 : index
    %swap3A_2176 = tpu.vector_load %arg10[%swap3A_2175] {strides = array<i32>} : memref<2048xf32, #tpu.memory_space<vmem>>, vector<16xf32>,
    tpu.vector_store %arg10[%swap3A_2175], %mul3A_2174 {strides = array<i32>} : memref<2048xf32, #tpu.memory_space<vmem>>, vector<16xf32>,
    %and3A_2177 = arith.constant 31 : i32
    %and3A_2178 = vector.broadcast %and3A_2177 : i32 to vector<16xi32>
    %and3A_2179 = arith.andi %get3A_1896, %and3A_2178 : vector<16xi32>
    %shift_right_logical3A_2180 = arith.shrui %gather3A_1982, %and3A_2179 : vector<16xi32>
    %and3A_2181 = arith.constant 1 : i32
    %and3A_2182 = vector.broadcast %and3A_2181 : i32 to vector<16xi32>
    %and3A_2183 = arith.andi %shift_right_logical3A_2180, %and3A_2182 : vector<16xi32>
    %convert_element_type3A_2184 = arith.sitofp %and3A_2183 : vector<16xi32> to vector<16xf32>
    %mul3A_2185 = arith.mulf %convert_element_type3A_2184, %get3A_238 : vector<16xf32>
    %swap3A_2186 = arith.constant 1696 : index
    %swap3A_2187 = tpu.vector_load %arg10[%swap3A_2186] {strides = array<i32>} : memref<2048xf32, #tpu.memory_space<vmem>>, vector<16xf32>,
    tpu.vector_store %arg10[%swap3A_2186], %mul3A_2185 {strides = array<i32>} : memref<2048xf32, #tpu.memory_space<vmem>>, vector<16xf32>,
    %and3A_2188 = arith.constant 31 : i32
    %and3A_2189 = vector.broadcast %and3A_2188 : i32 to vector<16xi32>
    %and3A_2190 = arith.andi %get3A_1898, %and3A_2189 : vector<16xi32>
    %shift_right_logical3A_2191 = arith.shrui %gather3A_1986, %and3A_2190 : vector<16xi32>
    %and3A_2192 = arith.constant 1 : i32
    %and3A_2193 = vector.broadcast %and3A_2192 : i32 to vector<16xi32>
    %and3A_2194 = arith.andi %shift_right_logical3A_2191, %and3A_2193 : vector<16xi32>
    %convert_element_type3A_2195 = arith.sitofp %and3A_2194 : vector<16xi32> to vector<16xf32>
    %mul3A_2196 = arith.mulf %convert_element_type3A_2195, %get3A_238 : vector<16xf32>
    %swap3A_2197 = arith.constant 1712 : index
    %swap3A_2198 = tpu.vector_load %arg10[%swap3A_2197] {strides = array<i32>} : memref<2048xf32, #tpu.memory_space<vmem>>, vector<16xf32>,
    tpu.vector_store %arg10[%swap3A_2197], %mul3A_2196 {strides = array<i32>} : memref<2048xf32, #tpu.memory_space<vmem>>, vector<16xf32>,
    %and3A_2199 = arith.constant 31 : i32
    %and3A_2200 = vector.broadcast %and3A_2199 : i32 to vector<16xi32>
    %and3A_2201 = arith.andi %get3A_1900, %and3A_2200 : vector<16xi32>
    %shift_right_logical3A_2202 = arith.shrui %gather3A_1990, %and3A_2201 : vector<16xi32>
    %and3A_2203 = arith.constant 1 : i32
    %and3A_2204 = vector.broadcast %and3A_2203 : i32 to vector<16xi32>
    %and3A_2205 = arith.andi %shift_right_logical3A_2202, %and3A_2204 : vector<16xi32>
    %convert_element_type3A_2206 = arith.sitofp %and3A_2205 : vector<16xi32> to vector<16xf32>
    %mul3A_2207 = arith.mulf %convert_element_type3A_2206, %get3A_238 : vector<16xf32>
    %swap3A_2208 = arith.constant 1728 : index
    %swap3A_2209 = tpu.vector_load %arg10[%swap3A_2208] {strides = array<i32>} : memref<2048xf32, #tpu.memory_space<vmem>>, vector<16xf32>,
    tpu.vector_store %arg10[%swap3A_2208], %mul3A_2207 {strides = array<i32>} : memref<2048xf32, #tpu.memory_space<vmem>>, vector<16xf32>,
    %and3A_2210 = arith.constant 31 : i32
    %and3A_2211 = vector.broadcast %and3A_2210 : i32 to vector<16xi32>
    %and3A_2212 = arith.andi %get3A_1902, %and3A_2211 : vector<16xi32>
    %shift_right_logical3A_2213 = arith.shrui %gather3A_1994, %and3A_2212 : vector<16xi32>
    %and3A_2214 = arith.constant 1 : i32
    %and3A_2215 = vector.broadcast %and3A_2214 : i32 to vector<16xi32>
    %and3A_2216 = arith.andi %shift_right_logical3A_2213, %and3A_2215 : vector<16xi32>
    %convert_element_type3A_2217 = arith.sitofp %and3A_2216 : vector<16xi32> to vector<16xf32>
    %mul3A_2218 = arith.mulf %convert_element_type3A_2217, %get3A_238 : vector<16xf32>
    %swap3A_2219 = arith.constant 1744 : index
    %swap3A_2220 = tpu.vector_load %arg10[%swap3A_2219] {strides = array<i32>} : memref<2048xf32, #tpu.memory_space<vmem>>, vector<16xf32>,
    tpu.vector_store %arg10[%swap3A_2219], %mul3A_2218 {strides = array<i32>} : memref<2048xf32, #tpu.memory_space<vmem>>, vector<16xf32>,
    %and3A_2221 = arith.constant 31 : i32
    %and3A_2222 = vector.broadcast %and3A_2221 : i32 to vector<16xi32>
    %and3A_2223 = arith.andi %get3A_1904, %and3A_2222 : vector<16xi32>
    %shift_right_logical3A_2224 = arith.shrui %gather3A_1998, %and3A_2223 : vector<16xi32>
    %and3A_2225 = arith.constant 1 : i32
    %and3A_2226 = vector.broadcast %and3A_2225 : i32 to vector<16xi32>
    %and3A_2227 = arith.andi %shift_right_logical3A_2224, %and3A_2226 : vector<16xi32>
    %convert_element_type3A_2228 = arith.sitofp %and3A_2227 : vector<16xi32> to vector<16xf32>
    %mul3A_2229 = arith.mulf %convert_element_type3A_2228, %get3A_238 : vector<16xf32>
    %swap3A_2230 = arith.constant 1760 : index
    %swap3A_2231 = tpu.vector_load %arg10[%swap3A_2230] {strides = array<i32>} : memref<2048xf32, #tpu.memory_space<vmem>>, vector<16xf32>,
    tpu.vector_store %arg10[%swap3A_2230], %mul3A_2229 {strides = array<i32>} : memref<2048xf32, #tpu.memory_space<vmem>>, vector<16xf32>,
    %and3A_2232 = arith.constant 31 : i32
    %and3A_2233 = vector.broadcast %and3A_2232 : i32 to vector<16xi32>
    %and3A_2234 = arith.andi %get3A_1906, %and3A_2233 : vector<16xi32>
    %shift_right_logical3A_2235 = arith.shrui %gather3A_2002, %and3A_2234 : vector<16xi32>
    %and3A_2236 = arith.constant 1 : i32
    %and3A_2237 = vector.broadcast %and3A_2236 : i32 to vector<16xi32>
    %and3A_2238 = arith.andi %shift_right_logical3A_2235, %and3A_2237 : vector<16xi32>
    %convert_element_type3A_2239 = arith.sitofp %and3A_2238 : vector<16xi32> to vector<16xf32>
    %mul3A_2240 = arith.mulf %convert_element_type3A_2239, %get3A_238 : vector<16xf32>
    %swap3A_2241 = arith.constant 1776 : index
    %swap3A_2242 = tpu.vector_load %arg10[%swap3A_2241] {strides = array<i32>} : memref<2048xf32, #tpu.memory_space<vmem>>, vector<16xf32>,
    tpu.vector_store %arg10[%swap3A_2241], %mul3A_2240 {strides = array<i32>} : memref<2048xf32, #tpu.memory_space<vmem>>, vector<16xf32>,
    %and3A_2243 = arith.constant 31 : i32
    %and3A_2244 = vector.broadcast %and3A_2243 : i32 to vector<16xi32>
    %and3A_2245 = arith.andi %get3A_1908, %and3A_2244 : vector<16xi32>
    %shift_right_logical3A_2246 = arith.shrui %gather3A_2006, %and3A_2245 : vector<16xi32>
    %and3A_2247 = arith.constant 1 : i32
    %and3A_2248 = vector.broadcast %and3A_2247 : i32 to vector<16xi32>
    %and3A_2249 = arith.andi %shift_right_logical3A_2246, %and3A_2248 : vector<16xi32>
    %convert_element_type3A_2250 = arith.sitofp %and3A_2249 : vector<16xi32> to vector<16xf32>
    %mul3A_2251 = arith.mulf %convert_element_type3A_2250, %get3A_238 : vector<16xf32>
    %swap3A_2252 = arith.constant 1792 : index
    %swap3A_2253 = tpu.vector_load %arg10[%swap3A_2252] {strides = array<i32>} : memref<2048xf32, #tpu.memory_space<vmem>>, vector<16xf32>,
    tpu.vector_store %arg10[%swap3A_2252], %mul3A_2251 {strides = array<i32>} : memref<2048xf32, #tpu.memory_space<vmem>>, vector<16xf32>,
    %and3A_2254 = arith.constant 31 : i32
    %and3A_2255 = vector.broadcast %and3A_2254 : i32 to vector<16xi32>
    %and3A_2256 = arith.andi %get3A_1910, %and3A_2255 : vector<16xi32>
    %shift_right_logical3A_2257 = arith.shrui %gather3A_2010, %and3A_2256 : vector<16xi32>
    %and3A_2258 = arith.constant 1 : i32
    %and3A_2259 = vector.broadcast %and3A_2258 : i32 to vector<16xi32>
    %and3A_2260 = arith.andi %shift_right_logical3A_2257, %and3A_2259 : vector<16xi32>
    %convert_element_type3A_2261 = arith.sitofp %and3A_2260 : vector<16xi32> to vector<16xf32>
    %mul3A_2262 = arith.mulf %convert_element_type3A_2261, %get3A_238 : vector<16xf32>
    %swap3A_2263 = arith.constant 1808 : index
    %swap3A_2264 = tpu.vector_load %arg10[%swap3A_2263] {strides = array<i32>} : memref<2048xf32, #tpu.memory_space<vmem>>, vector<16xf32>,
    tpu.vector_store %arg10[%swap3A_2263], %mul3A_2262 {strides = array<i32>} : memref<2048xf32, #tpu.memory_space<vmem>>, vector<16xf32>,
    %and3A_2265 = arith.constant 31 : i32
    %and3A_2266 = vector.broadcast %and3A_2265 : i32 to vector<16xi32>
    %and3A_2267 = arith.andi %get3A_1912, %and3A_2266 : vector<16xi32>
    %shift_right_logical3A_2268 = arith.shrui %gather3A_2014, %and3A_2267 : vector<16xi32>
    %and3A_2269 = arith.constant 1 : i32
    %and3A_2270 = vector.broadcast %and3A_2269 : i32 to vector<16xi32>
    %and3A_2271 = arith.andi %shift_right_logical3A_2268, %and3A_2270 : vector<16xi32>
    %convert_element_type3A_2272 = arith.sitofp %and3A_2271 : vector<16xi32> to vector<16xf32>
    %mul3A_2273 = arith.mulf %convert_element_type3A_2272, %get3A_238 : vector<16xf32>
    %swap3A_2274 = arith.constant 1824 : index
    %swap3A_2275 = tpu.vector_load %arg10[%swap3A_2274] {strides = array<i32>} : memref<2048xf32, #tpu.memory_space<vmem>>, vector<16xf32>,
    tpu.vector_store %arg10[%swap3A_2274], %mul3A_2273 {strides = array<i32>} : memref<2048xf32, #tpu.memory_space<vmem>>, vector<16xf32>,
    %and3A_2276 = arith.constant 31 : i32
    %and3A_2277 = vector.broadcast %and3A_2276 : i32 to vector<16xi32>
    %and3A_2278 = arith.andi %get3A_1914, %and3A_2277 : vector<16xi32>
    %shift_right_logical3A_2279 = arith.shrui %gather3A_2018, %and3A_2278 : vector<16xi32>
    %and3A_2280 = arith.constant 1 : i32
    %and3A_2281 = vector.broadcast %and3A_2280 : i32 to vector<16xi32>
    %and3A_2282 = arith.andi %shift_right_logical3A_2279, %and3A_2281 : vector<16xi32>
    %convert_element_type3A_2283 = arith.sitofp %and3A_2282 : vector<16xi32> to vector<16xf32>
    %mul3A_2284 = arith.mulf %convert_element_type3A_2283, %get3A_238 : vector<16xf32>
    %swap3A_2285 = arith.constant 1840 : index
    %swap3A_2286 = tpu.vector_load %arg10[%swap3A_2285] {strides = array<i32>} : memref<2048xf32, #tpu.memory_space<vmem>>, vector<16xf32>,
    tpu.vector_store %arg10[%swap3A_2285], %mul3A_2284 {strides = array<i32>} : memref<2048xf32, #tpu.memory_space<vmem>>, vector<16xf32>,
    %and3A_2287 = arith.constant 31 : i32
    %and3A_2288 = vector.broadcast %and3A_2287 : i32 to vector<16xi32>
    %and3A_2289 = arith.andi %get3A_1916, %and3A_2288 : vector<16xi32>
    %shift_right_logical3A_2290 = arith.shrui %gather3A_2022, %and3A_2289 : vector<16xi32>
    %and3A_2291 = arith.constant 1 : i32
    %and3A_2292 = vector.broadcast %and3A_2291 : i32 to vector<16xi32>
    %and3A_2293 = arith.andi %shift_right_logical3A_2290, %and3A_2292 : vector<16xi32>
    %convert_element_type3A_2294 = arith.sitofp %and3A_2293 : vector<16xi32> to vector<16xf32>
    %mul3A_2295 = arith.mulf %convert_element_type3A_2294, %get3A_238 : vector<16xf32>
    %swap3A_2296 = arith.constant 1856 : index
    %swap3A_2297 = tpu.vector_load %arg10[%swap3A_2296] {strides = array<i32>} : memref<2048xf32, #tpu.memory_space<vmem>>, vector<16xf32>,
    tpu.vector_store %arg10[%swap3A_2296], %mul3A_2295 {strides = array<i32>} : memref<2048xf32, #tpu.memory_space<vmem>>, vector<16xf32>,
    %and3A_2298 = arith.constant 31 : i32
    %and3A_2299 = vector.broadcast %and3A_2298 : i32 to vector<16xi32>
    %and3A_2300 = arith.andi %get3A_1918, %and3A_2299 : vector<16xi32>
    %shift_right_logical3A_2301 = arith.shrui %gather3A_2026, %and3A_2300 : vector<16xi32>
    %and3A_2302 = arith.constant 1 : i32
    %and3A_2303 = vector.broadcast %and3A_2302 : i32 to vector<16xi32>
    %and3A_2304 = arith.andi %shift_right_logical3A_2301, %and3A_2303 : vector<16xi32>
    %convert_element_type3A_2305 = arith.sitofp %and3A_2304 : vector<16xi32> to vector<16xf32>
    %mul3A_2306 = arith.mulf %convert_element_type3A_2305, %get3A_238 : vector<16xf32>
    %swap3A_2307 = arith.constant 1872 : index
    %swap3A_2308 = tpu.vector_load %arg10[%swap3A_2307] {strides = array<i32>} : memref<2048xf32, #tpu.memory_space<vmem>>, vector<16xf32>,
    tpu.vector_store %arg10[%swap3A_2307], %mul3A_2306 {strides = array<i32>} : memref<2048xf32, #tpu.memory_space<vmem>>, vector<16xf32>,
    %and3A_2309 = arith.constant 31 : i32
    %and3A_2310 = vector.broadcast %and3A_2309 : i32 to vector<16xi32>
    %and3A_2311 = arith.andi %get3A_1920, %and3A_2310 : vector<16xi32>
    %shift_right_logical3A_2312 = arith.shrui %gather3A_2030, %and3A_2311 : vector<16xi32>
    %and3A_2313 = arith.constant 1 : i32
    %and3A_2314 = vector.broadcast %and3A_2313 : i32 to vector<16xi32>
    %and3A_2315 = arith.andi %shift_right_logical3A_2312, %and3A_2314 : vector<16xi32>
    %convert_element_type3A_2316 = arith.sitofp %and3A_2315 : vector<16xi32> to vector<16xf32>
    %mul3A_2317 = arith.mulf %convert_element_type3A_2316, %get3A_238 : vector<16xf32>
    %swap3A_2318 = arith.constant 1888 : index
    %swap3A_2319 = tpu.vector_load %arg10[%swap3A_2318] {strides = array<i32>} : memref<2048xf32, #tpu.memory_space<vmem>>, vector<16xf32>,
    tpu.vector_store %arg10[%swap3A_2318], %mul3A_2317 {strides = array<i32>} : memref<2048xf32, #tpu.memory_space<vmem>>, vector<16xf32>,
    %and3A_2320 = arith.constant 31 : i32
    %and3A_2321 = vector.broadcast %and3A_2320 : i32 to vector<16xi32>
    %and3A_2322 = arith.andi %get3A_1922, %and3A_2321 : vector<16xi32>
    %shift_right_logical3A_2323 = arith.shrui %gather3A_2034, %and3A_2322 : vector<16xi32>
    %and3A_2324 = arith.constant 1 : i32
    %and3A_2325 = vector.broadcast %and3A_2324 : i32 to vector<16xi32>
    %and3A_2326 = arith.andi %shift_right_logical3A_2323, %and3A_2325 : vector<16xi32>
    %convert_element_type3A_2327 = arith.sitofp %and3A_2326 : vector<16xi32> to vector<16xf32>
    %mul3A_2328 = arith.mulf %convert_element_type3A_2327, %get3A_238 : vector<16xf32>
    %swap3A_2329 = arith.constant 1904 : index
    %swap3A_2330 = tpu.vector_load %arg10[%swap3A_2329] {strides = array<i32>} : memref<2048xf32, #tpu.memory_space<vmem>>, vector<16xf32>,
    tpu.vector_store %arg10[%swap3A_2329], %mul3A_2328 {strides = array<i32>} : memref<2048xf32, #tpu.memory_space<vmem>>, vector<16xf32>,
    %and3A_2331 = arith.constant 31 : i32
    %and3A_2332 = vector.broadcast %and3A_2331 : i32 to vector<16xi32>
    %and3A_2333 = arith.andi %get3A_1924, %and3A_2332 : vector<16xi32>
    %shift_right_logical3A_2334 = arith.shrui %gather3A_2038, %and3A_2333 : vector<16xi32>
    %and3A_2335 = arith.constant 1 : i32
    %and3A_2336 = vector.broadcast %and3A_2335 : i32 to vector<16xi32>
    %and3A_2337 = arith.andi %shift_right_logical3A_2334, %and3A_2336 : vector<16xi32>
    %convert_element_type3A_2338 = arith.sitofp %and3A_2337 : vector<16xi32> to vector<16xf32>
    %mul3A_2339 = arith.mulf %convert_element_type3A_2338, %get3A_238 : vector<16xf32>
    %swap3A_2340 = arith.constant 1920 : index
    %swap3A_2341 = tpu.vector_load %arg10[%swap3A_2340] {strides = array<i32>} : memref<2048xf32, #tpu.memory_space<vmem>>, vector<16xf32>,
    tpu.vector_store %arg10[%swap3A_2340], %mul3A_2339 {strides = array<i32>} : memref<2048xf32, #tpu.memory_space<vmem>>, vector<16xf32>,
    %and3A_2342 = arith.constant 31 : i32
    %and3A_2343 = vector.broadcast %and3A_2342 : i32 to vector<16xi32>
    %and3A_2344 = arith.andi %get3A_1926, %and3A_2343 : vector<16xi32>
    %shift_right_logical3A_2345 = arith.shrui %gather3A_2042, %and3A_2344 : vector<16xi32>
    %and3A_2346 = arith.constant 1 : i32
    %and3A_2347 = vector.broadcast %and3A_2346 : i32 to vector<16xi32>
    %and3A_2348 = arith.andi %shift_right_logical3A_2345, %and3A_2347 : vector<16xi32>
    %convert_element_type3A_2349 = arith.sitofp %and3A_2348 : vector<16xi32> to vector<16xf32>
    %mul3A_2350 = arith.mulf %convert_element_type3A_2349, %get3A_238 : vector<16xf32>
    %swap3A_2351 = arith.constant 1936 : index
    %swap3A_2352 = tpu.vector_load %arg10[%swap3A_2351] {strides = array<i32>} : memref<2048xf32, #tpu.memory_space<vmem>>, vector<16xf32>,
    tpu.vector_store %arg10[%swap3A_2351], %mul3A_2350 {strides = array<i32>} : memref<2048xf32, #tpu.memory_space<vmem>>, vector<16xf32>,
    %and3A_2353 = arith.constant 31 : i32
    %and3A_2354 = vector.broadcast %and3A_2353 : i32 to vector<16xi32>
    %and3A_2355 = arith.andi %get3A_1928, %and3A_2354 : vector<16xi32>
    %shift_right_logical3A_2356 = arith.shrui %gather3A_2046, %and3A_2355 : vector<16xi32>
    %and3A_2357 = arith.constant 1 : i32
    %and3A_2358 = vector.broadcast %and3A_2357 : i32 to vector<16xi32>
    %and3A_2359 = arith.andi %shift_right_logical3A_2356, %and3A_2358 : vector<16xi32>
    %convert_element_type3A_2360 = arith.sitofp %and3A_2359 : vector<16xi32> to vector<16xf32>
    %mul3A_2361 = arith.mulf %convert_element_type3A_2360, %get3A_238 : vector<16xf32>
    %swap3A_2362 = arith.constant 1952 : index
    %swap3A_2363 = tpu.vector_load %arg10[%swap3A_2362] {strides = array<i32>} : memref<2048xf32, #tpu.memory_space<vmem>>, vector<16xf32>,
    tpu.vector_store %arg10[%swap3A_2362], %mul3A_2361 {strides = array<i32>} : memref<2048xf32, #tpu.memory_space<vmem>>, vector<16xf32>,
    %and3A_2364 = arith.constant 31 : i32
    %and3A_2365 = vector.broadcast %and3A_2364 : i32 to vector<16xi32>
    %and3A_2366 = arith.andi %get3A_1930, %and3A_2365 : vector<16xi32>
    %shift_right_logical3A_2367 = arith.shrui %gather3A_2050, %and3A_2366 : vector<16xi32>
    %and3A_2368 = arith.constant 1 : i32
    %and3A_2369 = vector.broadcast %and3A_2368 : i32 to vector<16xi32>
    %and3A_2370 = arith.andi %shift_right_logical3A_2367, %and3A_2369 : vector<16xi32>
    %convert_element_type3A_2371 = arith.sitofp %and3A_2370 : vector<16xi32> to vector<16xf32>
    %mul3A_2372 = arith.mulf %convert_element_type3A_2371, %get3A_238 : vector<16xf32>
    %swap3A_2373 = arith.constant 1968 : index
    %swap3A_2374 = tpu.vector_load %arg10[%swap3A_2373] {strides = array<i32>} : memref<2048xf32, #tpu.memory_space<vmem>>, vector<16xf32>,
    tpu.vector_store %arg10[%swap3A_2373], %mul3A_2372 {strides = array<i32>} : memref<2048xf32, #tpu.memory_space<vmem>>, vector<16xf32>,
    %and3A_2375 = arith.constant 31 : i32
    %and3A_2376 = vector.broadcast %and3A_2375 : i32 to vector<16xi32>
    %and3A_2377 = arith.andi %get3A_1932, %and3A_2376 : vector<16xi32>
    %shift_right_logical3A_2378 = arith.shrui %gather3A_2054, %and3A_2377 : vector<16xi32>
    %and3A_2379 = arith.constant 1 : i32
    %and3A_2380 = vector.broadcast %and3A_2379 : i32 to vector<16xi32>
    %and3A_2381 = arith.andi %shift_right_logical3A_2378, %and3A_2380 : vector<16xi32>
    %convert_element_type3A_2382 = arith.sitofp %and3A_2381 : vector<16xi32> to vector<16xf32>
    %mul3A_2383 = arith.mulf %convert_element_type3A_2382, %get3A_238 : vector<16xf32>
    %swap3A_2384 = arith.constant 1984 : index
    %swap3A_2385 = tpu.vector_load %arg10[%swap3A_2384] {strides = array<i32>} : memref<2048xf32, #tpu.memory_space<vmem>>, vector<16xf32>,
    tpu.vector_store %arg10[%swap3A_2384], %mul3A_2383 {strides = array<i32>} : memref<2048xf32, #tpu.memory_space<vmem>>, vector<16xf32>,
    %and3A_2386 = arith.constant 31 : i32
    %and3A_2387 = vector.broadcast %and3A_2386 : i32 to vector<16xi32>
    %and3A_2388 = arith.andi %get3A_1934, %and3A_2387 : vector<16xi32>
    %shift_right_logical3A_2389 = arith.shrui %gather3A_2058, %and3A_2388 : vector<16xi32>
    %and3A_2390 = arith.constant 1 : i32
    %and3A_2391 = vector.broadcast %and3A_2390 : i32 to vector<16xi32>
    %and3A_2392 = arith.andi %shift_right_logical3A_2389, %and3A_2391 : vector<16xi32>
    %convert_element_type3A_2393 = arith.sitofp %and3A_2392 : vector<16xi32> to vector<16xf32>
    %mul3A_2394 = arith.mulf %convert_element_type3A_2393, %get3A_238 : vector<16xf32>
    %swap3A_2395 = arith.constant 2000 : index
    %swap3A_2396 = tpu.vector_load %arg10[%swap3A_2395] {strides = array<i32>} : memref<2048xf32, #tpu.memory_space<vmem>>, vector<16xf32>,
    tpu.vector_store %arg10[%swap3A_2395], %mul3A_2394 {strides = array<i32>} : memref<2048xf32, #tpu.memory_space<vmem>>, vector<16xf32>,
    %and3A_2397 = arith.constant 31 : i32
    %and3A_2398 = vector.broadcast %and3A_2397 : i32 to vector<16xi32>
    %and3A_2399 = arith.andi %get3A_1936, %and3A_2398 : vector<16xi32>
    %shift_right_logical3A_2400 = arith.shrui %gather3A_2062, %and3A_2399 : vector<16xi32>
    %and3A_2401 = arith.constant 1 : i32
    %and3A_2402 = vector.broadcast %and3A_2401 : i32 to vector<16xi32>
    %and3A_2403 = arith.andi %shift_right_logical3A_2400, %and3A_2402 : vector<16xi32>
    %convert_element_type3A_2404 = arith.sitofp %and3A_2403 : vector<16xi32> to vector<16xf32>
    %mul3A_2405 = arith.mulf %convert_element_type3A_2404, %get3A_238 : vector<16xf32>
    %swap3A_2406 = arith.constant 2016 : index
    %swap3A_2407 = tpu.vector_load %arg10[%swap3A_2406] {strides = array<i32>} : memref<2048xf32, #tpu.memory_space<vmem>>, vector<16xf32>,
    tpu.vector_store %arg10[%swap3A_2406], %mul3A_2405 {strides = array<i32>} : memref<2048xf32, #tpu.memory_space<vmem>>, vector<16xf32>,
    %and3A_2408 = arith.constant 31 : i32
    %and3A_2409 = vector.broadcast %and3A_2408 : i32 to vector<16xi32>
    %and3A_2410 = arith.andi %get3A_1938, %and3A_2409 : vector<16xi32>
    %shift_right_logical3A_2411 = arith.shrui %gather3A_2066, %and3A_2410 : vector<16xi32>
    %and3A_2412 = arith.constant 1 : i32
    %and3A_2413 = vector.broadcast %and3A_2412 : i32 to vector<16xi32>
    %and3A_2414 = arith.andi %shift_right_logical3A_2411, %and3A_2413 : vector<16xi32>
    %convert_element_type3A_2415 = arith.sitofp %and3A_2414 : vector<16xi32> to vector<16xf32>
    %mul3A_2416 = arith.mulf %convert_element_type3A_2415, %get3A_238 : vector<16xf32>
    %swap3A_2417 = arith.constant 2032 : index
    %swap3A_2418 = tpu.vector_load %arg10[%swap3A_2417] {strides = array<i32>} : memref<2048xf32, #tpu.memory_space<vmem>>, vector<16xf32>,
    tpu.vector_store %arg10[%swap3A_2417], %mul3A_2416 {strides = array<i32>} : memref<2048xf32, #tpu.memory_space<vmem>>, vector<16xf32>,
    %add3A_2419 = arith.constant 1024 : i32
    %add3A_2420 = arith.addi %mul3A_2, %add3A_2419 : i32
    %dma_start3A_2421 = arith.constant 1024 : i32
    %dma_start3A_2422 = tpu.memref_slice %arg10[%dma_start3A_2421] : memref<2048xf32, #tpu.memory_space<vmem>> -> memref<1024xf32, #tpu.memory_space<vmem>>
    %dma_start3A_2423 = tpu.memref_slice %arg5[%add3A_2420] : memref<32768xf32, #tpu.memory_space<hbm>> -> memref<1024xf32, #tpu.memory_space<hbm>>
    %dma_start3A_2424 = tpu.memref_slice %arg5[%add3A_2420] : memref<32768xf32, #tpu.memory_space<hbm>> -> memref<1024xf32, #tpu.memory_space<hbm>>
    %dma_start3A_2425 = arith.constant 1024 : i32
    %dma_start3A_2426 = tpu.memref_slice %arg10[%dma_start3A_2425] : memref<2048xf32, #tpu.memory_space<vmem>> -> memref<1024xf32, #tpu.memory_space<vmem>>
    tpu.enqueue_dma source(%dma_start3A_2426 : memref<1024xf32, #tpu.memory_space<vmem>>) target(%dma_start3A_2424 : memref<1024xf32, #tpu.memory_space<hbm>>) target_semaphore(%arg14 : memref<!tpu.dma_semaphore, #tpu.memory_space<semaphore_mem>>)
    %dma_wait3A_2427 = arith.constant 0 : i32
    %dma_wait3A_2428 = tpu.memref_slice %arg10[%dma_wait3A_2427] : memref<2048xf32, #tpu.memory_space<vmem>> -> memref<1024xf32, #tpu.memory_space<vmem>>
    %dma_wait3A_2429 = tpu.memref_slice %arg5[%mul3A_2] : memref<32768xf32, #tpu.memory_space<hbm>> -> memref<1024xf32, #tpu.memory_space<hbm>>
    %dma_wait3A_2430 = tpu.memref_slice %arg5[%mul3A_2] : memref<32768xf32, #tpu.memory_space<hbm>> -> memref<1024xf32, #tpu.memory_space<hbm>>
    %dma_wait3A_2431 = arith.constant 0 : i32
    %dma_wait3A_2432 = tpu.memref_slice %arg10[%dma_wait3A_2431] : memref<2048xf32, #tpu.memory_space<vmem>> -> memref<1024xf32, #tpu.memory_space<vmem>>
    tpu.wait_dma2 semaphore(%arg14 : memref<!tpu.dma_semaphore, #tpu.memory_space<semaphore_mem>>) src(%dma_wait3A_2432 : memref<1024xf32, #tpu.memory_space<vmem>>) dst(%dma_wait3A_2430 : memref<1024xf32, #tpu.memory_space<hbm>>)
    %dma_wait3A_2433 = arith.constant 1024 : i32
    %dma_wait3A_2434 = tpu.memref_slice %arg10[%dma_wait3A_2433] : memref<2048xf32, #tpu.memory_space<vmem>> -> memref<1024xf32, #tpu.memory_space<vmem>>
    %dma_wait3A_2435 = tpu.memref_slice %arg5[%add3A_2420] : memref<32768xf32, #tpu.memory_space<hbm>> -> memref<1024xf32, #tpu.memory_space<hbm>>
    %dma_wait3A_2436 = tpu.memref_slice %arg5[%add3A_2420] : memref<32768xf32, #tpu.memory_space<hbm>> -> memref<1024xf32, #tpu.memory_space<hbm>>
    %dma_wait3A_2437 = arith.constant 1024 : i32
    %dma_wait3A_2438 = tpu.memref_slice %arg10[%dma_wait3A_2437] : memref<2048xf32, #tpu.memory_space<vmem>> -> memref<1024xf32, #tpu.memory_space<vmem>>
    tpu.wait_dma2 semaphore(%arg14 : memref<!tpu.dma_semaphore, #tpu.memory_space<semaphore_mem>>) src(%dma_wait3A_2438 : memref<1024xf32, #tpu.memory_space<vmem>>) dst(%dma_wait3A_2436 : memref<1024xf32, #tpu.memory_space<hbm>>)
    return
  }
}

</mosaic_0001>

<sc_bundles>
// kernel: kernel.3.cloned.1.call-start
scs
__scs_entry_jumppad:
0x0: {  	(pc) =	sbr.rel $0x88, $3  }
0x1: {  	(tag) =	ssettag $0x0;
	lr =	simm.s32 $0x1  }
0x2: {  	[smem:$0x3F9E] =	sst lr;
	_ =	strace $0xD0000000  }
0x3: {  	_ = 	snop  }
0x4: {  	_ = 	snop  }
0x5: {  	_ = 	snop  }
0x6: {  	_ = 	snop  }
0x7: {  	_ = 	snop  }
__scs_overlays_trampoline_lowered:
0x8: {  	[smem:$0x3FAD] =	sst s0  }
0x9: {  	[smem:$0x3FAE] =	sst s1  }
0xa: {  	[smem:$0x3FAF] =	sst s2  }
0xb: {  	[smem:$0x3FB0] =	sst s3  }
0xc: {  	[smem:$0x3FB1] =	sst s4  }
0xd: {  	[smem:$0x3FB2] =	sst s5  }
0xe: {  	[smem:$0x3FB3] =	sst s6  }
0xf: {  	[smem:$0x3FB4] =	sst s7  }
0x10: {  	[smem:$0x3FB5] =	sst s8  }
0x11: {  	[smem:$0x3FB6] =	sst s9;
	s0 =	simm.s32 @!p0 $0x0  }
0x12: {  	s1 =	sld [smem:$0x3F9C];
	s0 =	simm.s32 @p0 $0x1  }
0x13: {  	[smem:$0x3FB7] =	sst s0;
	s0 =	simm.s32 @!p1 $0x0  }
0x14: {  	s2 =	sld [smem:$0x3F9B];
	s0 =	simm.s32 @p1 $0x1  }
0x15: {  	[smem:$0x3FB8] =	sst s0;
	s0 =	simm.s32 @!p2 $0x0  }
0x16: {  	s3 =	sld [smem:$0x3FDB];
	s0 =	simm.s32 @p2 $0x1  }
0x17: {  	s4 =	simm.s32 $0x1BF5;
	[smem:$0x3FBA] =	sst s0  }
0x18: {  	s0 =	sld [smem:$0x3F9D];
	_ =	swait.ge [sflag:s4], $0x0  }
0x19: {  	s7 =	sld [smem:$0x3F9E]  }
0x1a: {  	s8 =	sadd.s32 $0xFFFFE003, lr  }
0x1b: {  	s9 =	sadd.s32 $0xFFFFFEF7, lr;
	s5 =	simm.s32 $0xFFFFFFFF;
	p2 =	slt.u32 s8, $0xFFFFF086  }
0x1c: {  	p1 =	slt.u32 s9, $0xF7A;
	s5 =	simm.s32 @!p2 $0x0  }
0x1d: {  	s5 =	simm.s32 @p1 $0x1;
	p0 =	seq.s32 s7, s2  }
0x1e: {  	s7 =	smul.u32 @!p0 $0xF7A, s2;
	p2 =	seq.s32 @!p0 s5, $0x0  }
0x1f: {  	s9 =	smul.u32 $0xF7A, s1;
	s8 =	simm.s32 @!p0 $0x1BF5;
	p2 =	por !p2, p0  }
0x20: {  	[sflag:s8] =	ssyncset.s32 @!p0 $0xFFFFF086;
	s6 =	sadd.s32 @!p0 s3, s7;
	s7 =	simm.s32 @!p0 $0x108  }
0x21: {  	s3 =	sadd.s32 s3, s9;
	s6 =	sadd.s32 @!p0 $0x88, s6;
	s7 =	simm.s32 @p2 $0x1082  }
0x22: {  	[simem:s7], [sflag:s8] =	dma.local @!p0 [hbm:s6], $0xF7A  }
0x23: {  	s9 =	sor.u32 $0xD0000000, s2;
	s6 =	simm.s32 $0x108;
	_ =	swait.ge @!p0 [sflag:s8], $0x0  }
0x24: {  	s3 =	sadd.s32 $0x88, s3;
	s6 =	simm.s32 @!p1 $0x1082;
	[sflag:s4] =	ssyncset.s32 $0xFFFFF086  }
0x25: {  	[simem:s6], [sflag:s4] =	dma.local [hbm:s3], $0xF7A  }
0x26: {  	[smem:$0x3F9E] =	sst s1;
	(tag) =	ssettag s2;
	_ =	strace s9  }
0x27: {  	s1 =	sld [smem:$0x3FAE]  }
0x28: {  	s2 =	sld [smem:$0x3FAF]  }
0x29: {  	s4 =	sld [smem:$0x3FB1]  }
0x2a: {  	p0 =	seq.s32 s5, $0x0;
	s5 =	sld [smem:$0x3FB2]  }
0x2b: {  	s6 =	sld [smem:$0x3FB3]  }
0x2c: {  	s7 =	sld [smem:$0x3FB4]  }
0x2d: {  	s3 =	simm.s32 $0x108;
	s8 =	sld [smem:$0x3FB5]  }
0x2e: {  	s3 =	simm.s32 @!p0 $0x1082;
	s9 =	sld [smem:$0x3FB6]  }
0x2f: {  	lr =	sadd.s32 s0, s3;
	s0 =	sld [smem:$0x3FAD]  }
0x30: {  	s3 =	sld [smem:$0x3FB0]  }
0x31: {  	[smem:$0x3FB9] =	sst s10  }
0x32: {  	s10 =	sld [smem:$0x3FB7];
	_ =	sdelay $0x3  }
0x33: {  	p0 =	seq.s32 s10, $0x1;
	s10 =	sld [smem:$0x3FB9];
	_ =	sdelay $0x3  }
0x34: {  	[smem:$0x3FB9] =	sst s10  }
0x35: {  	s10 =	sld [smem:$0x3FB8];
	_ =	sdelay $0x3  }
0x36: {  	p1 =	seq.s32 s10, $0x1;
	s10 =	sld [smem:$0x3FB9];
	_ =	sdelay $0x3  }
0x37: {  	[smem:$0x3FB9] =	sst s10  }
0x38: {  	s10 =	sld [smem:$0x3FBA]  }
0x39: {  	_ = 	snop;
	(pc) =	sbr.ind lr, $3  }
0x3a: {  	_ = 	snop  }
0x3b: {  	_ = 	snop  }
0x3c: {  	p2 =	seq.s32 s10, $0x1;
	s10 =	sld [smem:$0x3FB9]  }
0x3d: {  	_ =	shalt  }
0x3e: {  	_ =	shalt  }
0x3f: {  	_ =	shalt  }
0x40: {  	_ =	shalt  }
0x41: {  	_ =	shalt  }
0x42: {  	_ =	shalt  }
0x43: {  	_ =	shalt  }
0x44: {  	_ =	shalt  }
0x45: {  	_ =	shalt  }
0x46: {  	_ =	shalt  }
0x47: {  	_ =	shalt  }
0x48: {  	_ =	shalt  }
0x49: {  	_ =	shalt  }
0x4a: {  	_ =	shalt  }
0x4b: {  	_ =	shalt  }
0x4c: {  	_ =	shalt  }
0x4d: {  	_ =	shalt  }
0x4e: {  	_ =	shalt  }
0x4f: {  	_ =	shalt  }
0x50: {  	_ =	shalt  }
0x51: {  	_ =	shalt  }
0x52: {  	_ =	shalt  }
0x53: {  	_ =	shalt  }
0x54: {  	_ =	shalt  }
0x55: {  	_ =	shalt  }
0x56: {  	_ =	shalt  }
0x57: {  	_ =	shalt  }
0x58: {  	_ =	shalt  }
0x59: {  	_ =	shalt  }
0x5a: {  	_ =	shalt  }
0x5b: {  	_ =	shalt  }
0x5c: {  	_ =	shalt  }
0x5d: {  	_ =	shalt  }
0x5e: {  	_ =	shalt  }
0x5f: {  	_ =	shalt  }
0x60: {  	_ =	shalt  }
0x61: {  	_ =	shalt  }
0x62: {  	_ =	shalt  }
0x63: {  	_ =	shalt  }
0x64: {  	_ =	shalt  }
0x65: {  	_ =	shalt  }
0x66: {  	_ =	shalt  }
0x67: {  	_ =	shalt  }
0x68: {  	_ =	shalt  }
0x69: {  	_ =	shalt  }
0x6a: {  	_ =	shalt  }
0x6b: {  	_ =	shalt  }
0x6c: {  	_ =	shalt  }
0x6d: {  	_ =	shalt  }
0x6e: {  	_ =	shalt  }
0x6f: {  	_ =	shalt  }
0x70: {  	_ =	shalt  }
0x71: {  	_ =	shalt  }
0x72: {  	_ =	shalt  }
0x73: {  	_ =	shalt  }
0x74: {  	_ =	shalt  }
0x75: {  	_ =	shalt  }
0x76: {  	_ =	shalt  }
0x77: {  	_ =	shalt  }
0x78: {  	_ =	shalt  }
0x79: {  	_ =	shalt  }
0x7a: {  	_ =	shalt  }
0x7b: {  	_ =	shalt  }
0x7c: {  	_ =	shalt  }
0x7d: {  	_ =	shalt  }
0x7e: {  	_ =	shalt  }
0x7f: {  	_ =	shalt  }
0x80: {  	_ =	shalt  }
0x81: {  	_ =	shalt  }
0x82: {  	_ =	shalt  }
0x83: {  	_ =	shalt  }
0x84: {  	_ =	shalt  }
0x85: {  	_ =	shalt  }
0x86: {  	_ =	shalt  }
0x87: {  	_ =	shalt  }
.Lfunc_end0:
.L_simem_size_0:
called_computation_lowered:
.L_overlay_start_0:
0x88: {  	s0 =	sld [smem:$0x3FD9]  }
0x89: {  	s1 =	sld [smem:$0x3FFE];
	_ =	sdelay $0x3  }
0x8a: {  	s0 =	sadd.s32 s1, s0  }
0x8b: {  	[smem:$0x3FC5] =	sst s0  }
0x8c: {  	_ = 	snop  }
0x8d: {  	s0 =	sld [smem:$0x3FC8]  }
0x8e: {  	s16 =	sld [smem:$0x3FD0];
	(tm) =	ssettm $0x1  }
0x8f: {  	s2 =	sld [smem:$0x3FFB];
	_ =	sdelay $0x3  }
0x90: {  	_ =	strace s2  }
0x91: {  	s2 =	sld [smem:$0x3FFC];
	_ =	sdelay $0x3  }
0x92: {  	_ =	strace s2  }
0x93: {  	s2 =	sld [smem:$0x3FFD];
	_ =	sdelay $0x3  }
0x94: {  	_ =	strace s2  }
0x95: {  	_ =	strace $0x8FFFFFFF  }
0x96: {  	s17 =	sld [smem:$0x3FDB];
	_ =	sdelay $0x1  }
0x97: {  	s3 =	simm.s32 $_scs_section_size  }
0x98: {  	s4 =	simm.s32 $_size__tile_overlayer_lowered;
	s5 =	simm.s32 $_tile_overlayer_lowered  }
0x99: {  	s20 =	simm.s32 $0x1BFF;
	s19 =	sshll.u32 s5, $0x1;
	s2 =	sadd.s32 s3, s17  }
0x9a: {  	s6 =	simm.s32 $0x0;
	s18 =	sshll.u32 s4, $0x1;
	s4 =	sadd.s32 s19, s2  }
0x9b: {  	[timem:s6], [sflag:s20] =	dma.local [hbm:s4], s18  }
0x9c: {  	_ =	swait.ge [sflag:s20], s18  }
0x9d: {  	s3 =	ssub.s32 $0x0, s18;
	[sflag:s20] =	ssyncset.done $0x0  }
0x9e: {  	[sflag:s20] =	ssyncadd.s32 s3;
	_ =	sdelay $0x1  }
0x9f: {  	s21 =	simm.s32 $0x1B8B  }
0xa0: {  	_ =	swait.ge [sflag:s21], $0x1  }
0xa1: {  	[sflag:s21] =	ssyncset.done $0x0  }
0xa2: {  	s23 =	simm.s32 $0x1B8E;
	s22 =	sld [smem:$0x3FFE];
	[sflag:s21] =	ssyncadd.s32 $0xFFFFFFFF  }
0xa3: {  	s24 =	simm.s32 $execute0_lowered;
	[smem:$0x3FD2] =	sst s23  }
0xa4: {  	s4 =	sshll.u32 s24, $0x1;
	_ =	strace $0x80000046;
	[dreg:$0x1] =	wrdreg $0xFFFFFFFF  }
0xa5: {  	s25 =	simm.s32 $_size_execute0_lowered;
	s2 =	sadd.s32 s2, s4;
	[dreg:$0x0] =	wrdreg $0x0  }
0xa6: {  	s4 =	sshll.u32 s25, $0x1;
	[dreg:$0x2] =	wrdreg s2  }
0xa7: {  	[dreg:$0x3] =	wrdreg s4  }
0xa8: {  	[dreg:$0x4] =	wrdreg $0xC0  }
0xa9: {  	_ =	task [dreg:s6], $0x5FFFF  }
0xaa: {  	[dreg:$0x1] =	wrdreg $0xFFFFFFFF  }
0xab: {  	[dreg:$0x0] =	wrdreg $0x60  }
0xac: {  	[dreg:$0x2] =	wrdreg s16  }
0xad: {  	[dreg:$0x3] =	wrdreg s0  }
0xae: {  	[dreg:$0x4] =	wrdreg s22  }
0xaf: {  	[dreg:$0x5] =	wrdreg $0x9  }
0xb0: {  	_ =	task.clear_ibuf [dreg:s6], $0x6FFFF;
	_ =	strace $0x90000046  }
0xb1: {  	s26 =	simm.s32 $0x9;
	_ =	strace $0x80000048  }
0xb2: {  	_ =	swait.ge [sflag:s26], $0x1  }
0xb3: {  	[sflag:s26] =	ssyncadd.s32 $0xFFFFFFFF  }
0xb4: {  	_ =	strace $0x90000048  }
0xb5: {  	_ =	sfence  }
0xb6: {  	s28 =	sld [smem:$0x0];
	_ =	sdelay $0x1  }
0xb7: {  	s29 =	srdreg.scid  }
0xb8: {  	s30 =	sshll.u32 s29, $0xD;
	s31 =	sshrl.u32 s29, $0x2  }
0xb9: {  	s1 =	sand.u32 $0x1, s29;
	s2 =	sand.u32 $0x4000, s30;
	s0 =	sadd.s32 s31, s28  }
0xba: {  	s1 =	sor.u32 s2, s1;
	s0 =	sshll.u32 s0, $0x11  }
0xbb: {  	s0 =	sor.u32 s0, s1  }
0xbc: {  	s0 =	sadd.s32 $0x8F2B, s0  }
0xbd: {  	[sflag:s0] =	ssyncadd.remote.s32 $0x1  }
0xbe: {  	_ =	sfence.sel $0xFFFF  }
0xbf: {  	[dreg:$0x0] =	wrdreg $0xFFFFFFFF;
	(pc) =	sbr.abs _section_cstart, $3  }
0xc0: {  	[dreg:$0x1] =	wrdreg $0xFFFFFFFF  }
0xc1: {  	_ =	task.clear_ibuf [dreg:s6], $0x2FFFF;
	_ =	strace $0x9FFFFFFF  }
0xc2: {  	(tm) =	ssettm $0x7FFFFFFF  }
0xc3: {  	_ =	shalt  }
tec
execute0_lowered:
.L_overlay_start_1:
0x0: {  	(tag) =	ssettag $0x1  }
0x1: {  	s3 =	rddreg [dreg:$0x0]  }
0x2: {  	s6 =	rddreg [dreg:$0x1]  }
0x3: {  	s4 =	rddreg [dreg:$0x2];
	s2 =	simm.s32 $0x0;
	s1 =	stileid.u32  }
0x4: {  	[smem:$0x7FF] =	sst s2;
	s5 =	sshll.u32 s1, $0x8  }
0x5: {  	s0 =	rddreg [dreg:$0x3];
	_ =	strace $0x80000047;
	s3 =	sadd.s32 s3, s5  }
0x6: {  	[tilespmem:s2], [sflag:$0x1] =	stream.linear.gather [hbm4b:s3+s2], $0x800, $0x38;
	[tilespmem:$0x1780] =	vst v63  }
0x7: {  	s20 =	simm.s32 $0x800  }
0x8: {  	[tilespmem:s20], [sflag:$0x2] =	stream.linear.gather [hbm4b:s6+s2], $0x80, $0x38;
	[tilespmem:$0x1780] =	vst v63  }
0x9: {  	s22 =	simm.s32 $0x880;
	s21 =	sadd.s32 $0x600, s4  }
0xa: {  	v0 =	vimm.s32 $0x0;
	[tilespmem:s22], [sflag:$0x3] =	stream.linear.gather [hbm4b:s21+s2], $0x80, $0x38;
	[tilespmem:$0x1780] =	vst v63  }
0xb: {  	[tilespmem:$0x900] =	vst v0  }
0xc: {  	[tilespmem:$0x910] =	vst v0  }
0xd: {  	[tilespmem:$0x920] =	vst v0  }
0xe: {  	[tilespmem:$0x930] =	vst v0  }
0xf: {  	[tilespmem:$0x940] =	vst v0  }
0x10: {  	[tilespmem:$0x950] =	vst v0  }
0x11: {  	[tilespmem:$0x960] =	vst v0  }
0x12: {  	[tilespmem:$0x970] =	vst v0  }
0x13: {  	[tilespmem:$0x980] =	vst v0  }
0x14: {  	[tilespmem:$0x990] =	vst v0  }
0x15: {  	[tilespmem:$0x9A0] =	vst v0  }
0x16: {  	[tilespmem:$0x9B0] =	vst v0  }
0x17: {  	[tilespmem:$0x9C0] =	vst v0  }
0x18: {  	[tilespmem:$0x9D0] =	vst v0  }
0x19: {  	[tilespmem:$0x9E0] =	vst v0  }
0x1a: {  	[tilespmem:$0x9F0] =	vst v0  }
0x1b: {  	[tilespmem:$0xA00] =	vst v0  }
0x1c: {  	[tilespmem:$0xA10] =	vst v0  }
0x1d: {  	[tilespmem:$0xA20] =	vst v0  }
0x1e: {  	[tilespmem:$0xA30] =	vst v0  }
0x1f: {  	[tilespmem:$0xA40] =	vst v0  }
0x20: {  	[tilespmem:$0xA50] =	vst v0  }
0x21: {  	[tilespmem:$0xA60] =	vst v0  }
0x22: {  	[tilespmem:$0xA70] =	vst v0  }
0x23: {  	[tilespmem:$0xA80] =	vst v0  }
0x24: {  	[tilespmem:$0xA90] =	vst v0  }
0x25: {  	[tilespmem:$0xAA0] =	vst v0  }
0x26: {  	[tilespmem:$0xAB0] =	vst v0  }
0x27: {  	[tilespmem:$0xAC0] =	vst v0  }
0x28: {  	[tilespmem:$0xAD0] =	vst v0  }
0x29: {  	[tilespmem:$0xAE0] =	vst v0  }
0x2a: {  	[tilespmem:$0xAF0] =	vst v0  }
0x2b: {  	[tilespmem:$0xB00] =	vst v0  }
0x2c: {  	[tilespmem:$0xB10] =	vst v0  }
0x2d: {  	[tilespmem:$0xB20] =	vst v0  }
0x2e: {  	[tilespmem:$0xB30] =	vst v0  }
0x2f: {  	[tilespmem:$0xB40] =	vst v0  }
0x30: {  	[tilespmem:$0xB50] =	vst v0  }
0x31: {  	[tilespmem:$0xB60] =	vst v0  }
0x32: {  	[tilespmem:$0xB70] =	vst v0  }
0x33: {  	[tilespmem:$0xB80] =	vst v0  }
0x34: {  	[tilespmem:$0xB90] =	vst v0  }
0x35: {  	[tilespmem:$0xBA0] =	vst v0  }
0x36: {  	[tilespmem:$0xBB0] =	vst v0  }
0x37: {  	[tilespmem:$0xBC0] =	vst v0  }
0x38: {  	[tilespmem:$0xBD0] =	vst v0  }
0x39: {  	[tilespmem:$0xBE0] =	vst v0  }
0x3a: {  	[tilespmem:$0xBF0] =	vst v0  }
0x3b: {  	[tilespmem:$0xC00] =	vst v0  }
0x3c: {  	[tilespmem:$0xC10] =	vst v0  }
0x3d: {  	[tilespmem:$0xC20] =	vst v0  }
0x3e: {  	[tilespmem:$0xC30] =	vst v0  }
0x3f: {  	[tilespmem:$0xC40] =	vst v0  }
0x40: {  	[tilespmem:$0xC50] =	vst v0  }
0x41: {  	[tilespmem:$0xC60] =	vst v0  }
0x42: {  	[tilespmem:$0xC70] =	vst v0  }
0x43: {  	[tilespmem:$0xC80] =	vst v0  }
0x44: {  	[tilespmem:$0xC90] =	vst v0  }
0x45: {  	[tilespmem:$0xCA0] =	vst v0  }
0x46: {  	[tilespmem:$0xCB0] =	vst v0  }
0x47: {  	[tilespmem:$0xCC0] =	vst v0  }
0x48: {  	[tilespmem:$0xCD0] =	vst v0  }
0x49: {  	[tilespmem:$0xCE0] =	vst v0  }
0x4a: {  	[tilespmem:$0xCF0] =	vst v0  }
0x4b: {  	[tilespmem:$0xD00] =	vst v0  }
0x4c: {  	[tilespmem:$0xD10] =	vst v0  }
0x4d: {  	[tilespmem:$0xD20] =	vst v0  }
0x4e: {  	[tilespmem:$0xD30] =	vst v0  }
0x4f: {  	[tilespmem:$0xD40] =	vst v0  }
0x50: {  	[tilespmem:$0xD50] =	vst v0  }
0x51: {  	[tilespmem:$0xD60] =	vst v0  }
0x52: {  	[tilespmem:$0xD70] =	vst v0  }
0x53: {  	[tilespmem:$0xD80] =	vst v0  }
0x54: {  	[tilespmem:$0xD90] =	vst v0  }
0x55: {  	[tilespmem:$0xDA0] =	vst v0  }
0x56: {  	[tilespmem:$0xDB0] =	vst v0  }
0x57: {  	[tilespmem:$0xDC0] =	vst v0  }
0x58: {  	[tilespmem:$0xDD0] =	vst v0  }
0x59: {  	[tilespmem:$0xDE0] =	vst v0  }
0x5a: {  	[tilespmem:$0xDF0] =	vst v0  }
0x5b: {  	[tilespmem:$0xE00] =	vst v0  }
0x5c: {  	[tilespmem:$0xE10] =	vst v0  }
0x5d: {  	[tilespmem:$0xE20] =	vst v0  }
0x5e: {  	[tilespmem:$0xE30] =	vst v0  }
0x5f: {  	[tilespmem:$0xE40] =	vst v0  }
0x60: {  	[tilespmem:$0xE50] =	vst v0  }
0x61: {  	[tilespmem:$0xE60] =	vst v0  }
0x62: {  	[tilespmem:$0xE70] =	vst v0  }
0x63: {  	[tilespmem:$0xE80] =	vst v0  }
0x64: {  	[tilespmem:$0xE90] =	vst v0  }
0x65: {  	[tilespmem:$0xEA0] =	vst v0  }
0x66: {  	[tilespmem:$0xEB0] =	vst v0  }
0x67: {  	[tilespmem:$0xEC0] =	vst v0  }
0x68: {  	[tilespmem:$0xED0] =	vst v0  }
0x69: {  	[tilespmem:$0xEE0] =	vst v0  }
0x6a: {  	[tilespmem:$0xEF0] =	vst v0  }
0x6b: {  	[tilespmem:$0xF00] =	vst v0  }
0x6c: {  	[tilespmem:$0xF10] =	vst v0  }
0x6d: {  	s23 =	simm.s32 $0x2;
	[tilespmem:$0xF20] =	vst v0  }
0x6e: {  	_ =	swait.ge [sflag:s23], $0x80  }
0x6f: {  	[sflag:s23] =	ssyncset.done $0x0  }
0x70: {  	[sflag:s23] =	ssyncadd.s32 $0xFFFFFF80  }
0x71: {  	v50 =	vld [tilespmem:$0x800];
	_ =	sdelay $0x4  }
0x72: {  	v1 =	vshrl.u32 v50, $0x5;
	_ =	sdelay $0x2  }
0x73: {  	v2 =	vimm.s32 $0x1;
	v0 =	vand.u32 $0x1F, v50  }
0x74: {  	s24 =	simm.s32 $0x900;
	v0 =	vshll.u32 v2, v0  }
0x75: {  	[tilespmem:v1+s24+$0x0] =	vst.idx.add.s32.msk $0xffff, v0  }
0x76: {  	v0 =	vld [tilespmem:$0x810];
	_ =	sdelay $0x4  }
0x77: {  	v51 =	vshrl.u32 v0, $0x5;
	_ =	sdelay $0x2  }
0x78: {  	v0 =	vand.u32 $0x1F, v0  }
0x79: {  	v0 =	vshll.u32 v2, v0  }
0x7a: {  	[tilespmem:v51+s24+$0x0] =	vst.idx.add.s32.msk $0xffff, v0  }
0x7b: {  	v0 =	vld [tilespmem:$0x820];
	_ =	sdelay $0x4  }
0x7c: {  	v52 =	vshrl.u32 v0, $0x5;
	_ =	sdelay $0x2  }
0x7d: {  	v0 =	vand.u32 $0x1F, v0  }
0x7e: {  	v0 =	vshll.u32 v2, v0  }
0x7f: {  	[tilespmem:v52+s24+$0x0] =	vst.idx.add.s32.msk $0xffff, v0  }
0x80: {  	v0 =	vld [tilespmem:$0x830];
	_ =	sdelay $0x4  }
0x81: {  	v53 =	vshrl.u32 v0, $0x5;
	_ =	sdelay $0x2  }
0x82: {  	v0 =	vand.u32 $0x1F, v0  }
0x83: {  	v0 =	vshll.u32 v2, v0  }
0x84: {  	s25 =	simm.s32 $0x3;
	[tilespmem:v53+s24+$0x0] =	vst.idx.add.s32.msk $0xffff, v0  }
0x85: {  	_ =	swait.ge [sflag:s25], $0x80  }
0x86: {  	[sflag:s25] =	ssyncset.done $0x0  }
0x87: {  	s26 =	simm.s32 $0x1;
	[sflag:s25] =	ssyncadd.s32 $0xFFFFFF80  }
0x88: {  	_ =	swait.ge [sflag:s26], $0x800  }
0x89: {  	[sflag:s26] =	ssyncset.done $0x0  }
0x8a: {  	[sflag:s26] =	ssyncadd.s32 $0xFFFFF800  }
0x8b: {  	v0 =	vld [tilespmem:$0x880]  }
0x8c: {  	v7 =	vld [tilespmem:$0x0]  }
0x8d: {  	v8 =	vld [tilespmem:$0x10]  }
0x8e: {  	v20 =	vld [tilespmem:$0x20]  }
0x8f: {  	v21 =	vld [tilespmem:$0x30]  }
0x90: {  	v22 =	vld [tilespmem:$0x40]  }
0x91: {  	v23 =	vld [tilespmem:$0x50]  }
0x92: {  	v24 =	vld [tilespmem:$0x60]  }
0x93: {  	v25 =	vld [tilespmem:$0x70]  }
0x94: {  	v26 =	vld [tilespmem:$0x80]  }
0x95: {  	v27 =	vld [tilespmem:$0x90]  }
0x96: {  	v28 =	vld [tilespmem:$0xA0]  }
0x97: {  	v29 =	vld [tilespmem:$0xB0]  }
0x98: {  	v30 =	vld [tilespmem:$0xC0]  }
0x99: {  	v19 =	vld [tilespmem:$0xD0]  }
0x9a: {  	v18 =	vld [tilespmem:$0xE0]  }
0x9b: {  	v17 =	vld [tilespmem:$0xF0]  }
0x9c: {  	v16 =	vld [tilespmem:$0x100]  }
0x9d: {  	v15 =	vld [tilespmem:$0x110]  }
0x9e: {  	v14 =	vld [tilespmem:$0x120]  }
0x9f: {  	v13 =	vld [tilespmem:$0x130]  }
0xa0: {  	v12 =	vld [tilespmem:$0x140]  }
0xa1: {  	v11 =	vld [tilespmem:$0x150]  }
0xa2: {  	v9 =	vld [tilespmem:$0x160]  }
0xa3: {  	v10 =	vld [tilespmem:$0x170]  }
0xa4: {  	v6 =	vld [tilespmem:$0x180]  }
0xa5: {  	v4 =	vld [tilespmem:$0x190]  }
0xa6: {  	v5 =	vld [tilespmem:$0x1A0];
	v31 =	vshrl.u32 v7, $0x5  }
0xa7: {  	v3 =	vld [tilespmem:$0x1B0];
	v32 =	vshrl.u32 v8, $0x5;
	v33 =	vshrl.u32 v20, $0x5  }
0xa8: {  	v2 =	vld [tilespmem:$0x1C0];
	v34 =	vshrl.u32 v21, $0x5;
	v35 =	vshrl.u32 v22, $0x5;
	v36 =	vshrl.u32 v23, $0x5  }
0xa9: {  	v1 =	vld [tilespmem:$0x1D0];
	v37 =	vshrl.u32 v24, $0x5;
	v38 =	vshrl.u32 v25, $0x5;
	v39 =	vshrl.u32 v26, $0x5  }
0xaa: {  	v40 =	vshrl.u32 v27, $0x5;
	v41 =	vshrl.u32 v28, $0x5;
	v54 =	vand.u32 $0x1F, v8;
	v8 =	vld [tilespmem:$0x1E0]  }
0xab: {  	v42 =	vshrl.u32 v29, $0x5;
	v43 =	vshrl.u32 v30, $0x5;
	v44 =	vshrl.u32 v19, $0x5;
	v31 =	vld.idx.msk [tilespmem:v31+s24+$0x0], $0xffff  }
0xac: {  	v45 =	vshrl.u32 v18, $0x5;
	v46 =	vshrl.u32 v17, $0x5;
	v47 =	vshrl.u32 v16, $0x5;
	v32 =	vld.idx.msk [tilespmem:v32+s24+$0x0], $0xffff  }
0xad: {  	v48 =	vshrl.u32 v15, $0x5;
	v49 =	vshrl.u32 v14, $0x5;
	v7 =	vand.u32 $0x1F, v7;
	v33 =	vld.idx.msk [tilespmem:v33+s24+$0x0], $0xffff  }
0xae: {  	v50 =	vshrl.u32 v13, $0x5;
	v51 =	vshrl.u32 v12, $0x5;
	v52 =	vshrl.u32 v11, $0x5;
	v34 =	vld.idx.msk [tilespmem:v34+s24+$0x0], $0xffff  }
0xaf: {  	v55 =	vand.u32 $0x1F, v20;
	v53 =	vshrl.u32 v10, $0x5;
	v57 =	vand.u32 $0x1F, v21;
	v35 =	vld.idx.msk [tilespmem:v35+s24+$0x0], $0xffff  }
0xb0: {  	v58 =	vand.u32 $0x1F, v22;
	v60 =	vand.u32 $0x1F, v23;
	v61 =	vshrl.u32 v6, $0x5;
	v36 =	vld.idx.msk [tilespmem:v36+s24+$0x0], $0xffff  }
0xb1: {  	v24 =	vand.u32 $0x1F, v24;
	v63 =	vshrl.u32 v4, $0x5;
	v25 =	vand.u32 $0x1F, v25;
	v37 =	vld.idx.msk [tilespmem:v37+s24+$0x0], $0xffff  }
0xb2: {  	v26 =	vand.u32 $0x1F, v26;
	v27 =	vand.u32 $0x1F, v27;
	v28 =	vand.u32 $0x1F, v28;
	v56 =	vld.idx.msk [tilespmem:v38+s24+$0x0], $0xffff  }
0xb3: {  	v29 =	vand.u32 $0x1F, v29;
	v30 =	vand.u32 $0x1F, v30;
	v19 =	vand.u32 $0x1F, v19;
	v39 =	vld.idx.msk [tilespmem:v39+s24+$0x0], $0xffff  }
0xb4: {  	v18 =	vand.u32 $0x1F, v18;
	v17 =	vand.u32 $0x1F, v17;
	v16 =	vand.u32 $0x1F, v16;
	v59 =	vld.idx.msk [tilespmem:v40+s24+$0x0], $0xffff  }
0xb5: {  	v15 =	vand.u32 $0x1F, v15;
	v14 =	vand.u32 $0x1F, v14;
	v13 =	vand.u32 $0x1F, v13;
	v40 =	vld.idx.msk [tilespmem:v50+s24+$0x0], $0xffff  }
0xb6: {  	v12 =	vand.u32 $0x1F, v12;
	v11 =	vand.u32 $0x1F, v11;
	v10 =	vand.u32 $0x1F, v10;
	v50 =	vld.idx.msk [tilespmem:v52+s24+$0x0], $0xffff  }
0xb7: {  	v6 =	vand.u32 $0x1F, v6;
	v38 =	vshrl.u32 v9, $0x5;
	v52 =	vld.idx.msk [tilespmem:v61+s24+$0x0], $0xffff;
	v31 =	vshrl.u32 v31, v7  }
0xb8: {  	v32 =	vshrl.u32 v32, v54;
	v33 =	vshrl.u32 v33, v55;
	v22 =	vshrl.u32 v34, v57;
	v7 =	vld [tilespmem:$0x1F0]  }
0xb9: {  	v54 =	vshrl.u32 v35, v58;
	v62 =	vshrl.u32 v36, v60;
	v24 =	vshrl.u32 v37, v24;
	v55 =	vld.idx.msk [tilespmem:v41+s24+$0x0], $0xffff  }
0xba: {  	v20 =	vshrl.u32 v56, v25;
	v25 =	vshrl.u32 v5, $0x5;
	v56 =	vld.idx.msk [tilespmem:v42+s24+$0x0], $0xffff;
	v26 =	vshrl.u32 v39, v26  }
0xbb: {  	v39 =	vshrl.u32 v3, $0x5;
	v57 =	vld.idx.msk [tilespmem:v43+s24+$0x0], $0xffff;
	v21 =	vshrl.u32 v59, v27;
	v59 =	vshrl.u32 v2, $0x5  }
0xbc: {  	v43 =	vld.idx.msk [tilespmem:v45+s24+$0x0], $0xffff;
	v45 =	vshrl.u32 v1, $0x5;
	v60 =	vshrl.u32 v8, $0x5;
	v13 =	vshrl.u32 v40, v13  }
0xbd: {  	v58 =	vld.idx.msk [tilespmem:v44+s24+$0x0], $0xffff;
	v11 =	vshrl.u32 v50, v11;
	v6 =	vshrl.u32 v52, v6;
	v31 =	vand.u32 $0x1, v31  }
0xbe: {  	v44 =	vld.idx.msk [tilespmem:v46+s24+$0x0], $0xffff;
	v32 =	vand.u32 $0x1, v32;
	v33 =	vand.u32 $0x1, v33;
	v22 =	vand.u32 $0x1, v22  }
0xbf: {  	v37 =	vld.idx.msk [tilespmem:v47+s24+$0x0], $0xffff;
	v34 =	vand.u32 $0x1, v54;
	v35 =	vand.u32 $0x1, v62;
	v24 =	vand.u32 $0x1, v24  }
0xc0: {  	v46 =	vld.idx.msk [tilespmem:v48+s24+$0x0], $0xffff;
	v20 =	vand.u32 $0x1, v20;
	v31 =	vcvt.s32.f32 v31;
	v32 =	vcvt.s32.f32 v32  }
0xc1: {  	v47 =	vld.idx.msk [tilespmem:v49+s24+$0x0], $0xffff;
	v26 =	vand.u32 $0x1, v26;
	v33 =	vcvt.s32.f32 v33;
	v22 =	vcvt.s32.f32 v22  }
0xc2: {  	v49 =	vld.idx.msk [tilespmem:v51+s24+$0x0], $0xffff;
	v21 =	vand.u32 $0x1, v21;
	v34 =	vcvt.s32.f32 v34;
	v35 =	vcvt.s32.f32 v35  }
0xc3: {  	v38 =	vld.idx.msk [tilespmem:v38+s24+$0x0], $0xffff;
	v13 =	vand.u32 $0x1, v13;
	v24 =	vcvt.s32.f32 v24;
	v20 =	vcvt.s32.f32 v20  }
0xc4: {  	v51 =	vld.idx.msk [tilespmem:v53+s24+$0x0], $0xffff;
	v11 =	vand.u32 $0x1, v11;
	v61 =	vcvt.s32.f32 v26;
	v21 =	vcvt.s32.f32 v21  }
0xc5: {  	v36 =	vld.idx.msk [tilespmem:v63+s24+$0x0], $0xffff;
	v6 =	vand.u32 $0x1, v6;
	v13 =	vcvt.s32.f32 v13;
	v11 =	vcvt.s32.f32 v11  }
0xc6: {  	v6 =	vcvt.s32.f32 v6;
	v29 =	vshrl.u32 v56, v29;
	v41 =	vshrl.u32 v7, $0x5;
	v56 =	vld.idx.msk [tilespmem:v25+s24+$0x0], $0xffff  }
0xc7: {  	v4 =	vand.u32 $0x1F, v4;
	v31 =	vmul.f32 v31, v0;
	v32 =	vmul.f32 v32, v0;
	v39 =	vld.idx.msk [tilespmem:v39+s24+$0x0], $0xffff  }
0xc8: {  	v9 =	vand.u32 $0x1F, v9;
	v33 =	vmul.f32 v33, v0;
	v22 =	vmul.f32 v22, v0;
	v42 =	vld.idx.msk [tilespmem:v59+s24+$0x0], $0xffff  }
0xc9: {  	v5 =	vand.u32 $0x1F, v5;
	v34 =	vmul.f32 v34, v0;
	v35 =	vmul.f32 v35, v0;
	v45 =	vld.idx.msk [tilespmem:v45+s24+$0x0], $0xffff  }
0xca: {  	v3 =	vand.u32 $0x1F, v3;
	v24 =	vmul.f32 v24, v0;
	v20 =	vmul.f32 v20, v0;
	v60 =	vld.idx.msk [tilespmem:v60+s24+$0x0], $0xffff  }
0xcb: {  	v2 =	vand.u32 $0x1F, v2;
	v23 =	vmul.f32 v61, v0;
	v13 =	vmul.f32 v13, v0;
	v61 =	vld.idx.msk [tilespmem:v41+s24+$0x0], $0xffff;
	[tilespmem:$0xF80] =	vst v31  }
0xcc: {  	v1 =	vand.u32 $0x1F, v1;
	v11 =	vmul.f32 v11, v0;
	v6 =	vmul.f32 v6, v0;
	[tilespmem:$0xF90] =	vst v32  }
0xcd: {  	v28 =	vshrl.u32 v55, v28;
	v30 =	vshrl.u32 v57, v30;
	v19 =	vshrl.u32 v58, v19;
	[tilespmem:$0xFA0] =	vst v33  }
0xce: {  	v27 =	vld [tilespmem:$0x2A0];
	v58 =	vmul.f32 v21, v0;
	v17 =	vshrl.u32 v44, v17;
	v16 =	vshrl.u32 v37, v16;
	[tilespmem:$0xFB0] =	vst v22  }
0xcf: {  	v37 =	vshrl.u32 v46, v15;
	v15 =	vld [tilespmem:$0x200];
	v10 =	vshrl.u32 v51, v10;
	v17 =	vand.u32 $0x1, v17;
	[tilespmem:$0xFC0] =	vst v34  }
0xd0: {  	v25 =	vld [tilespmem:$0x270];
	v63 =	vand.u32 $0x1, v29;
	v59 =	vand.u32 $0x1, v30;
	v17 =	vcvt.s32.f32 v17;
	[tilespmem:$0xFD0] =	vst v35  }
0xd1: {  	v10 =	vand.u32 $0x1, v10;
	v29 =	vld [tilespmem:$0x2B0];
	v57 =	vcvt.s32.f32 v63;
	v21 =	vcvt.s32.f32 v59;
	[tilespmem:$0xFE0] =	vst v24  }
0xd2: {  	v62 =	vand.u32 $0x1, v28;
	v10 =	vcvt.s32.f32 v10;
	v63 =	vmul.f32 v17, v0;
	v17 =	vld [tilespmem:$0x210];
	[tilespmem:$0xFF0] =	vst v20  }
0xd3: {  	v18 =	vshrl.u32 v43, v18;
	v26 =	vcvt.s32.f32 v62;
	v62 =	vmul.f32 v21, v0;
	v21 =	vld [tilespmem:$0x230];
	[tilespmem:$0x1000] =	vst v23  }
0xd4: {  	v14 =	vshrl.u32 v47, v14;
	v12 =	vshrl.u32 v49, v12;
	v47 =	vmul.f32 v10, v0;
	v10 =	vld [tilespmem:$0x310];
	[tilespmem:$0x1010] =	vst v58  }
0xd5: {  	v9 =	vshrl.u32 v38, v9;
	v4 =	vshrl.u32 v36, v4;
	v19 =	vand.u32 $0x1, v19;
	v20 =	vld [tilespmem:$0x240];
	[tilespmem:$0x10B0] =	vst v13  }
0xd6: {  	v18 =	vand.u32 $0x1, v18;
	v16 =	vand.u32 $0x1, v16;
	v26 =	vmul.f32 v26, v0;
	v23 =	vld [tilespmem:$0x250];
	[tilespmem:$0x10D0] =	vst v11  }
0xd7: {  	v14 =	vand.u32 $0x1, v14;
	v19 =	vcvt.s32.f32 v19;
	v28 =	vmul.f32 v57, v0;
	v24 =	vld [tilespmem:$0x260];
	[tilespmem:$0x1100] =	vst v6  }
0xd8: {  	v12 =	vand.u32 $0x1, v12;
	v18 =	vcvt.s32.f32 v18;
	v14 =	vcvt.s32.f32 v14;
	v22 =	vld [tilespmem:$0x2C0];
	[tilespmem:$0x1020] =	vst v26  }
0xd9: {  	v9 =	vand.u32 $0x1, v9;
	v12 =	vcvt.s32.f32 v12;
	v19 =	vmul.f32 v19, v0;
	v13 =	vld [tilespmem:$0x300];
	[tilespmem:$0x1030] =	vst v28  }
0xda: {  	v4 =	vand.u32 $0x1, v4;
	v9 =	vcvt.s32.f32 v9;
	v18 =	vmul.f32 v18, v0;
	v11 =	vld [tilespmem:$0x320];
	[tilespmem:$0x1040] =	vst v62  }
0xdb: {  	v4 =	vcvt.s32.f32 v4;
	v33 =	vcvt.s32.f32 v16;
	v16 =	vand.u32 $0x1, v37;
	v6 =	vld [tilespmem:$0x350];
	[tilespmem:$0x1050] =	vst v19  }
0xdc: {  	v8 =	vand.u32 $0x1F, v8;
	v14 =	vmul.f32 v14, v0;
	v41 =	vcvt.s32.f32 v16;
	v16 =	vld [tilespmem:$0x220];
	[tilespmem:$0x1060] =	vst v18  }
0xdd: {  	v7 =	vand.u32 $0x1F, v7;
	v12 =	vmul.f32 v12, v0;
	v9 =	vmul.f32 v9, v0;
	v26 =	vld [tilespmem:$0x280];
	[tilespmem:$0x1070] =	vst v63  }
0xde: {  	v4 =	vmul.f32 v4, v0;
	v5 =	vshrl.u32 v56, v5;
	v3 =	vshrl.u32 v39, v3;
	v28 =	vld [tilespmem:$0x290];
	[tilespmem:$0x10A0] =	vst v14  }
0xdf: {  	v2 =	vshrl.u32 v42, v2;
	v1 =	vshrl.u32 v45, v1;
	v8 =	vshrl.u32 v60, v8;
	v19 =	vld [tilespmem:$0x2D0];
	[tilespmem:$0x10C0] =	vst v12  }
0xe0: {  	v18 =	vld [tilespmem:$0x2E0];
	v5 =	vand.u32 $0x1, v5;
	v3 =	vand.u32 $0x1, v3;
	[tilespmem:$0x10E0] =	vst v9;
	v44 =	vmul.f32 v33, v0  }
0xe1: {  	v14 =	vld [tilespmem:$0x2F0];
	v2 =	vand.u32 $0x1, v2;
	[tilespmem:$0x10F0] =	vst v47;
	v5 =	vcvt.s32.f32 v5;
	v3 =	vcvt.s32.f32 v3  }
0xe2: {  	v12 =	vld [tilespmem:$0x330];
	[tilespmem:$0x1110] =	vst v4;
	v48 =	vand.u32 $0x1, v8;
	v2 =	vcvt.s32.f32 v2;
	v46 =	vmul.f32 v41, v0  }
0xe3: {  	v9 =	vld [tilespmem:$0x340];
	v1 =	vand.u32 $0x1, v1;
	v4 =	vcvt.s32.f32 v48;
	[tilespmem:$0x1080] =	vst v44;
	v5 =	vmul.f32 v5, v0  }
0xe4: {  	v8 =	vld [tilespmem:$0x370];
	v1 =	vcvt.s32.f32 v1;
	v3 =	vmul.f32 v3, v0;
	[tilespmem:$0x1090] =	vst v46;
	v49 =	vshrl.u32 v61, v7  }
0xe5: {  	v2 =	vmul.f32 v2, v0;
	v53 =	vmul.f32 v4, v0;
	v4 =	vld [tilespmem:$0x3A0];
	[tilespmem:$0x1120] =	vst v5;
	v50 =	vand.u32 $0x1, v49  }
0xe6: {  	v52 =	vshrl.u32 v15, $0x5;
	v1 =	vmul.f32 v1, v0;
	v7 =	vld [tilespmem:$0x360];
	[tilespmem:$0x1130] =	vst v3;
	v51 =	vcvt.s32.f32 v50  }
0xe7: {  	v54 =	vshrl.u32 v17, $0x5;
	v5 =	vld [tilespmem:$0x380];
	[tilespmem:$0x1140] =	vst v2  }
0xe8: {  	v2 =	vld [tilespmem:$0x390];
	[tilespmem:$0x1150] =	vst v1;
	v56 =	vshrl.u32 v16, $0x5;
	v55 =	vmul.f32 v51, v0  }
0xe9: {  	v57 =	vshrl.u32 v21, $0x5;
	[tilespmem:$0x1160] =	vst v53;
	v3 =	vld [tilespmem:$0x3B0]  }
0xea: {  	v58 =	vshrl.u32 v20, $0x5;
	v1 =	vld [tilespmem:$0x3C0];
	[tilespmem:$0x1170] =	vst v55  }
0xeb: {  	v15 =	vand.u32 $0x1F, v15;
	v47 =	vshrl.u32 v10, $0x5;
	v59 =	vshrl.u32 v23, $0x5;
	v30 =	vld.idx.msk [tilespmem:v52+s24+$0x0], $0xffff  }
0xec: {  	v17 =	vand.u32 $0x1F, v17;
	v10 =	vand.u32 $0x1F, v10;
	v60 =	vshrl.u32 v24, $0x5;
	v32 =	vld.idx.msk [tilespmem:v54+s24+$0x0], $0xffff  }
0xed: {  	v61 =	vshrl.u32 v25, $0x5;
	v42 =	vshrl.u32 v22, $0x5;
	v46 =	vshrl.u32 v13, $0x5;
	v33 =	vld.idx.msk [tilespmem:v56+s24+$0x0], $0xffff  }
0xee: {  	v48 =	vshrl.u32 v11, $0x5;
	v22 =	vand.u32 $0x1F, v22;
	v62 =	vshrl.u32 v26, $0x5;
	v31 =	vld.idx.msk [tilespmem:v57+s24+$0x0], $0xffff  }
0xef: {  	v13 =	vand.u32 $0x1F, v13;
	v11 =	vand.u32 $0x1F, v11;
	v63 =	vshrl.u32 v28, $0x5;
	v34 =	vld.idx.msk [tilespmem:v58+s24+$0x0], $0xffff  }
0xf0: {  	v43 =	vshrl.u32 v19, $0x5;
	v44 =	vshrl.u32 v18, $0x5;
	v45 =	vshrl.u32 v14, $0x5;
	v35 =	vld.idx.msk [tilespmem:v59+s24+$0x0], $0xffff  }
0xf1: {  	v49 =	vshrl.u32 v12, $0x5;
	v39 =	vshrl.u32 v8, $0x5;
	v56 =	vshrl.u32 v27, $0x5;
	v36 =	vld.idx.msk [tilespmem:v60+s24+$0x0], $0xffff  }
0xf2: {  	v26 =	vand.u32 $0x1F, v26;
	v28 =	vand.u32 $0x1F, v28;
	v57 =	vshrl.u32 v29, $0x5;
	v37 =	vld.idx.msk [tilespmem:v61+s24+$0x0], $0xffff  }
0xf3: {  	v19 =	vand.u32 $0x1F, v19;
	v18 =	vand.u32 $0x1F, v18;
	v14 =	vand.u32 $0x1F, v14;
	v38 =	vld.idx.msk [tilespmem:v62+s24+$0x0], $0xffff  }
0xf4: {  	v12 =	vand.u32 $0x1F, v12;
	v8 =	vand.u32 $0x1F, v8;
	v50 =	vshrl.u32 v9, $0x5;
	v60 =	vld.idx.msk [tilespmem:v63+s24+$0x0], $0xffff  }
0xf5: {  	v9 =	vand.u32 $0x1F, v9;
	v51 =	vshrl.u32 v6, $0x5;
	v58 =	vand.u32 $0x1F, v16;
	v16 =	vld [tilespmem:$0x3E0]  }
0xf6: {  	v6 =	vand.u32 $0x1F, v6;
	v53 =	vshrl.u32 v5, $0x5;
	v5 =	vand.u32 $0x1F, v5;
	v40 =	vld.idx.msk [tilespmem:v56+s24+$0x0], $0xffff  }
0xf7: {  	v52 =	vshrl.u32 v7, $0x5;
	v59 =	vand.u32 $0x1F, v21;
	v61 =	vand.u32 $0x1F, v20;
	v63 =	vld.idx.msk [tilespmem:v57+s24+$0x0], $0xffff  }
0xf8: {  	v62 =	vand.u32 $0x1F, v23;
	v27 =	vand.u32 $0x1F, v27;
	v30 =	vshrl.u32 v30, v15;
	v15 =	vld [tilespmem:$0x3D0]  }
0xf9: {  	v29 =	vand.u32 $0x1F, v29;
	v7 =	vand.u32 $0x1F, v7;
	v32 =	vshrl.u32 v32, v17;
	v17 =	vld [tilespmem:$0x3F0]  }
0xfa: {  	v33 =	vshrl.u32 v33, v58;
	v31 =	vshrl.u32 v31, v59;
	v54 =	vshrl.u32 v34, v61;
	v59 =	vld.idx.msk [tilespmem:v42+s24+$0x0], $0xffff  }
0xfb: {  	v55 =	vshrl.u32 v35, v62;
	v56 =	vand.u32 $0x1F, v24;
	v21 =	vshrl.u32 v60, v28;
	v60 =	vld.idx.msk [tilespmem:v43+s24+$0x0], $0xffff  }
0xfc: {  	v24 =	vshrl.u32 v2, $0x5;
	v58 =	vand.u32 $0x1F, v25;
	v26 =	vshrl.u32 v38, v26;
	v61 =	vld.idx.msk [tilespmem:v44+s24+$0x0], $0xffff  }
0xfd: {  	v42 =	vld.idx.msk [tilespmem:v45+s24+$0x0], $0xffff;
	v2 =	vand.u32 $0x1F, v2;
	v38 =	vand.u32 $0x1F, v16;
	v57 =	vshrl.u32 v36, v56  }
0xfe: {  	v43 =	vld.idx.msk [tilespmem:v46+s24+$0x0], $0xffff;
	v25 =	vshrl.u32 v37, v58;
	v36 =	vshrl.u32 v4, $0x5;
	v37 =	vshrl.u32 v3, $0x5  }
0xff: {  	v44 =	vld.idx.msk [tilespmem:v47+s24+$0x0], $0xffff;
	v30 =	vand.u32 $0x1, v30;
	v32 =	vand.u32 $0x1, v32;
	v33 =	vand.u32 $0x1, v33  }
0x100: {  	v28 =	vld.idx.msk [tilespmem:v48+s24+$0x0], $0xffff;
	v31 =	vand.u32 $0x1, v31;
	v23 =	vand.u32 $0x1, v54;
	v34 =	vand.u32 $0x1, v55  }
0x101: {  	v46 =	vld.idx.msk [tilespmem:v49+s24+$0x0], $0xffff;
	v26 =	vand.u32 $0x1, v26;
	v30 =	vcvt.s32.f32 v30;
	v32 =	vcvt.s32.f32 v32  }
0x102: {  	v54 =	vld.idx.msk [tilespmem:v50+s24+$0x0], $0xffff;
	v21 =	vand.u32 $0x1, v21;
	v33 =	vcvt.s32.f32 v33;
	v31 =	vcvt.s32.f32 v31  }
0x103: {  	v55 =	vld.idx.msk [tilespmem:v51+s24+$0x0], $0xffff;
	v23 =	vcvt.s32.f32 v23;
	v34 =	vcvt.s32.f32 v34;
	v35 =	vand.u32 $0x1, v57  }
0x104: {  	v56 =	vld.idx.msk [tilespmem:v52+s24+$0x0], $0xffff;
	v25 =	vand.u32 $0x1, v25;
	v26 =	vcvt.s32.f32 v26;
	v21 =	vcvt.s32.f32 v21  }
0x105: {  	v57 =	vld.idx.msk [tilespmem:v39+s24+$0x0], $0xffff;
	v35 =	vcvt.s32.f32 v35;
	v27 =	vshrl.u32 v40, v27;
	v40 =	vshrl.u32 v1, $0x5  }
0x106: {  	v25 =	vcvt.s32.f32 v25;
	v62 =	vshrl.u32 v15, $0x5;
	v22 =	vshrl.u32 v59, v22;
	v59 =	vld.idx.msk [tilespmem:v53+s24+$0x0], $0xffff  }
0x107: {  	v30 =	vmul.f32 v30, v0;
	v20 =	vshrl.u32 v63, v29;
	v63 =	vshrl.u32 v16, $0x5;
	v24 =	vld.idx.msk [tilespmem:v24+s24+$0x0], $0xffff  }
0x108: {  	v32 =	vmul.f32 v32, v0;
	v33 =	vmul.f32 v33, v0;
	v58 =	vshrl.u32 v17, $0x5;
	v36 =	vld.idx.msk [tilespmem:v36+s24+$0x0], $0xffff  }
0x109: {  	v31 =	vmul.f32 v31, v0;
	v23 =	vmul.f32 v23, v0;
	v19 =	vshrl.u32 v60, v19;
	v60 =	vld.idx.msk [tilespmem:v37+s24+$0x0], $0xffff  }
0x10a: {  	v34 =	vmul.f32 v34, v0;
	v26 =	vmul.f32 v26, v0;
	v18 =	vshrl.u32 v61, v18;
	v61 =	vld.idx.msk [tilespmem:v40+s24+$0x0], $0xffff  }
0x10b: {  	v4 =	vand.u32 $0x1F, v4;
	v21 =	vmul.f32 v21, v0;
	v35 =	vmul.f32 v35, v0;
	v62 =	vld.idx.msk [tilespmem:v62+s24+$0x0], $0xffff  }
0x10c: {  	v25 =	vmul.f32 v25, v0;
	v14 =	vshrl.u32 v42, v14;
	v13 =	vshrl.u32 v43, v13;
	v63 =	vld.idx.msk [tilespmem:v63+s24+$0x0], $0xffff  }
0x10d: {  	v3 =	vand.u32 $0x1F, v3;
	v10 =	vshrl.u32 v44, v10;
	v11 =	vshrl.u32 v28, v11;
	v39 =	vld.idx.msk [tilespmem:v58+s24+$0x0], $0xffff;
	[tilespmem:$0x1180] =	vst v30  }
0x10e: {  	v12 =	vshrl.u32 v46, v12;
	v27 =	vand.u32 $0x1, v27;
	v20 =	vand.u32 $0x1, v20;
	[tilespmem:$0x1190] =	vst v32  }
0x10f: {  	v22 =	vand.u32 $0x1, v22;
	v19 =	vand.u32 $0x1, v19;
	v18 =	vand.u32 $0x1, v18;
	[tilespmem:$0x11A0] =	vst v33  }
0x110: {  	v14 =	vand.u32 $0x1, v14;
	v13 =	vand.u32 $0x1, v13;
	v10 =	vand.u32 $0x1, v10;
	[tilespmem:$0x11B0] =	vst v31  }
0x111: {  	v11 =	vand.u32 $0x1, v11;
	v27 =	vcvt.s32.f32 v27;
	v20 =	vcvt.s32.f32 v20;
	[tilespmem:$0x11C0] =	vst v23  }
0x112: {  	v12 =	vand.u32 $0x1, v12;
	v22 =	vcvt.s32.f32 v22;
	v19 =	vcvt.s32.f32 v19;
	[tilespmem:$0x11D0] =	vst v34  }
0x113: {  	v9 =	vshrl.u32 v54, v9;
	v18 =	vcvt.s32.f32 v18;
	v14 =	vcvt.s32.f32 v14;
	[tilespmem:$0x11E0] =	vst v35  }
0x114: {  	v6 =	vshrl.u32 v55, v6;
	v13 =	vcvt.s32.f32 v13;
	v10 =	vcvt.s32.f32 v10;
	[tilespmem:$0x11F0] =	vst v25  }
0x115: {  	v7 =	vshrl.u32 v56, v7;
	v11 =	vcvt.s32.f32 v11;
	v27 =	vmul.f32 v27, v0;
	[tilespmem:$0x1200] =	vst v26  }
0x116: {  	v12 =	vcvt.s32.f32 v12;
	v9 =	vand.u32 $0x1, v9;
	v20 =	vmul.f32 v20, v0;
	[tilespmem:$0x1210] =	vst v21  }
0x117: {  	v6 =	vand.u32 $0x1, v6;
	v9 =	vcvt.s32.f32 v9;
	v22 =	vmul.f32 v22, v0;
	[tilespmem:$0x1220] =	vst v27  }
0x118: {  	v7 =	vand.u32 $0x1, v7;
	v6 =	vcvt.s32.f32 v6;
	v19 =	vmul.f32 v19, v0;
	[tilespmem:$0x1230] =	vst v20  }
0x119: {  	v1 =	vand.u32 $0x1F, v1;
	v7 =	vcvt.s32.f32 v7;
	v18 =	vmul.f32 v18, v0;
	[tilespmem:$0x1240] =	vst v22  }
0x11a: {  	v8 =	vshrl.u32 v57, v8;
	v14 =	vmul.f32 v14, v0;
	v13 =	vmul.f32 v13, v0;
	[tilespmem:$0x1250] =	vst v19  }
0x11b: {  	v8 =	vand.u32 $0x1, v8;
	v10 =	vmul.f32 v10, v0;
	v11 =	vmul.f32 v11, v0;
	[tilespmem:$0x1260] =	vst v18  }
0x11c: {  	v42 =	vand.u32 $0x1F, v17;
	v12 =	vmul.f32 v12, v0;
	v8 =	vcvt.s32.f32 v8;
	[tilespmem:$0x1270] =	vst v14  }
0x11d: {  	v9 =	vmul.f32 v9, v0;
	v6 =	vmul.f32 v6, v0;
	v5 =	vshrl.u32 v59, v5;
	[tilespmem:$0x1280] =	vst v13  }
0x11e: {  	v7 =	vmul.f32 v7, v0;
	v2 =	vshrl.u32 v24, v2;
	v8 =	vmul.f32 v8, v0;
	[tilespmem:$0x1290] =	vst v10  }
0x11f: {  	v5 =	vand.u32 $0x1, v5;
	v4 =	vshrl.u32 v36, v4;
	[tilespmem:$0x12A0] =	vst v11;
	v2 =	vand.u32 $0x1, v2  }
0x120: {  	v3 =	vshrl.u32 v60, v3;
	[tilespmem:$0x12B0] =	vst v12;
	v5 =	vcvt.s32.f32 v5;
	v4 =	vand.u32 $0x1, v4  }
0x121: {  	v2 =	vcvt.s32.f32 v2;
	v3 =	vand.u32 $0x1, v3;
	[tilespmem:$0x12C0] =	vst v9;
	v4 =	vcvt.s32.f32 v4  }
0x122: {  	v37 =	vand.u32 $0x1F, v15;
	[tilespmem:$0x12D0] =	vst v6;
	v3 =	vcvt.s32.f32 v3;
	v5 =	vmul.f32 v5, v0  }
0x123: {  	[tilespmem:$0x12E0] =	vst v7;
	v2 =	vmul.f32 v2, v0;
	v4 =	vmul.f32 v4, v0;
	v1 =	vshrl.u32 v61, v1  }
0x124: {  	[tilespmem:$0x12F0] =	vst v8;
	v3 =	vmul.f32 v3, v0;
	v6 =	vshrl.u32 v62, v37;
	v1 =	vand.u32 $0x1, v1  }
0x125: {  	v41 =	vshrl.u32 v63, v38;
	[tilespmem:$0x1300] =	vst v5;
	v40 =	vand.u32 $0x1, v6;
	v1 =	vcvt.s32.f32 v1  }
0x126: {  	v45 =	vshrl.u32 v39, v42;
	[tilespmem:$0x1310] =	vst v2;
	v44 =	vand.u32 $0x1, v41;
	v43 =	vcvt.s32.f32 v40  }
0x127: {  	v47 =	vand.u32 $0x1, v45;
	[tilespmem:$0x1320] =	vst v4;
	v46 =	vcvt.s32.f32 v44;
	v1 =	vmul.f32 v1, v0  }
0x128: {  	[tilespmem:$0x1330] =	vst v3;
	v48 =	vcvt.s32.f32 v47;
	v2 =	vmul.f32 v43, v0  }
0x129: {  	v49 =	vmul.f32 v46, v0;
	[tilespmem:$0x1340] =	vst v1  }
0x12a: {  	v50 =	vmul.f32 v48, v0;
	[tilespmem:$0x1350] =	vst v2  }
0x12b: {  	s4 =	sadd.s32 s5, s4;
	[tilespmem:$0x1360] =	vst v49  }
0x12c: {  	s28 =	simm.s32 $0xF80;
	s5 =	sadd.s32 $0x800, s4;
	[tilespmem:$0x1370] =	vst v50  }
0x12d: {  	[hbm4b:s5+s2] =	stream.linear.scatter [tilespmem:s28], [sflag:$0x4], $0x400, $0x38;
	[tilespmem:$0x1780] =	vst v63  }
0x12e: {  	v6 =	vld [tilespmem:$0x400]  }
0x12f: {  	v9 =	vld [tilespmem:$0x410]  }
0x130: {  	v10 =	vld [tilespmem:$0x420]  }
0x131: {  	v18 =	vld [tilespmem:$0x430]  }
0x132: {  	v19 =	vld [tilespmem:$0x440]  }
0x133: {  	v20 =	vld [tilespmem:$0x450]  }
0x134: {  	v21 =	vld [tilespmem:$0x460]  }
0x135: {  	v22 =	vld [tilespmem:$0x470]  }
0x136: {  	v23 =	vld [tilespmem:$0x480]  }
0x137: {  	v24 =	vld [tilespmem:$0x490]  }
0x138: {  	v25 =	vld [tilespmem:$0x4A0]  }
0x139: {  	v26 =	vld [tilespmem:$0x4B0]  }
0x13a: {  	v27 =	vld [tilespmem:$0x4C0]  }
0x13b: {  	v28 =	vld [tilespmem:$0x4D0]  }
0x13c: {  	v29 =	vld [tilespmem:$0x4E0]  }
0x13d: {  	v17 =	vld [tilespmem:$0x4F0]  }
0x13e: {  	v15 =	vld [tilespmem:$0x500]  }
0x13f: {  	v16 =	vld [tilespmem:$0x510]  }
0x140: {  	v14 =	vld [tilespmem:$0x520]  }
0x141: {  	v13 =	vld [tilespmem:$0x530]  }
0x142: {  	v12 =	vld [tilespmem:$0x540]  }
0x143: {  	v11 =	vld [tilespmem:$0x550]  }
0x144: {  	v7 =	vld [tilespmem:$0x560]  }
0x145: {  	v8 =	vld [tilespmem:$0x570]  }
0x146: {  	v5 =	vld [tilespmem:$0x580];
	v51 =	vshrl.u32 v6, $0x5  }
0x147: {  	v3 =	vld [tilespmem:$0x590];
	v52 =	vshrl.u32 v9, $0x5  }
0x148: {  	v4 =	vld [tilespmem:$0x5A0];
	v53 =	vshrl.u32 v10, $0x5  }
0x149: {  	v2 =	vld [tilespmem:$0x5B0];
	v54 =	vshrl.u32 v18, $0x5  }
0x14a: {  	v1 =	vld [tilespmem:$0x5C0];
	v55 =	vshrl.u32 v19, $0x5  }
0x14b: {  	v56 =	vshrl.u32 v20, $0x5;
	v30 =	vld.idx.msk [tilespmem:v51+s24+$0x0], $0xffff  }
0x14c: {  	v57 =	vshrl.u32 v21, $0x5;
	v58 =	vshrl.u32 v22, $0x5;
	v59 =	vshrl.u32 v23, $0x5;
	v31 =	vld.idx.msk [tilespmem:v52+s24+$0x0], $0xffff  }
0x14d: {  	v60 =	vshrl.u32 v24, $0x5;
	v61 =	vshrl.u32 v25, $0x5;
	v62 =	vshrl.u32 v26, $0x5;
	v32 =	vld.idx.msk [tilespmem:v53+s24+$0x0], $0xffff  }
0x14e: {  	v63 =	vshrl.u32 v27, $0x5;
	v43 =	vshrl.u32 v28, $0x5;
	v44 =	vshrl.u32 v29, $0x5;
	v33 =	vld.idx.msk [tilespmem:v54+s24+$0x0], $0xffff  }
0x14f: {  	v45 =	vshrl.u32 v17, $0x5;
	v46 =	vshrl.u32 v15, $0x5;
	v47 =	vshrl.u32 v16, $0x5;
	v34 =	vld.idx.msk [tilespmem:v55+s24+$0x0], $0xffff  }
0x150: {  	v48 =	vshrl.u32 v14, $0x5;
	v6 =	vand.u32 $0x1F, v6;
	v49 =	vshrl.u32 v13, $0x5;
	v35 =	vld.idx.msk [tilespmem:v56+s24+$0x0], $0xffff  }
0x151: {  	v9 =	vand.u32 $0x1F, v9;
	v50 =	vshrl.u32 v12, $0x5;
	v38 =	vshrl.u32 v11, $0x5;
	v36 =	vld.idx.msk [tilespmem:v57+s24+$0x0], $0xffff  }
0x152: {  	v39 =	vshrl.u32 v7, $0x5;
	v40 =	vshrl.u32 v8, $0x5;
	v41 =	vshrl.u32 v5, $0x5;
	v37 =	vld.idx.msk [tilespmem:v58+s24+$0x0], $0xffff  }
0x153: {  	v42 =	vshrl.u32 v4, $0x5;
	v28 =	vand.u32 $0x1F, v28;
	v29 =	vand.u32 $0x1F, v29;
	v52 =	vld.idx.msk [tilespmem:v59+s24+$0x0], $0xffff  }
0x154: {  	v17 =	vand.u32 $0x1F, v17;
	v8 =	vand.u32 $0x1F, v8;
	v5 =	vand.u32 $0x1F, v5;
	v60 =	vld.idx.msk [tilespmem:v60+s24+$0x0], $0xffff  }
0x155: {  	v4 =	vand.u32 $0x1F, v4;
	v51 =	vand.u32 $0x1F, v10;
	v59 =	vand.u32 $0x1F, v18;
	v54 =	vld.idx.msk [tilespmem:v61+s24+$0x0], $0xffff  }
0x156: {  	v53 =	vand.u32 $0x1F, v19;
	v55 =	vand.u32 $0x1F, v20;
	v56 =	vld.idx.msk [tilespmem:v62+s24+$0x0], $0xffff;
	v57 =	vand.u32 $0x1F, v21  }
0x157: {  	v58 =	vld.idx.msk [tilespmem:v63+s24+$0x0], $0xffff;
	v61 =	vand.u32 $0x1F, v22;
	v62 =	vand.u32 $0x1F, v23;
	v23 =	vshrl.u32 v3, $0x5  }
0x158: {  	v63 =	vand.u32 $0x1F, v24;
	v42 =	vld.idx.msk [tilespmem:v42+s24+$0x0], $0xffff;
	v30 =	vshrl.u32 v30, v6;
	v31 =	vshrl.u32 v31, v9  }
0x159: {  	v32 =	vshrl.u32 v32, v51;
	v33 =	vshrl.u32 v33, v59;
	v34 =	vshrl.u32 v34, v53  }
0x15a: {  	v10 =	vld [tilespmem:$0x5F0];
	v35 =	vshrl.u32 v35, v55;
	v36 =	vshrl.u32 v36, v57;
	v37 =	vshrl.u32 v37, v61  }
0x15b: {  	v9 =	vld [tilespmem:$0x5D0];
	v22 =	vshrl.u32 v52, v62;
	v51 =	vand.u32 $0x1F, v25;
	v18 =	vshrl.u32 v60, v63  }
0x15c: {  	v52 =	vld.idx.msk [tilespmem:v43+s24+$0x0], $0xffff;
	v53 =	vand.u32 $0x1F, v26;
	v59 =	vand.u32 $0x1F, v27;
	v43 =	vshrl.u32 v1, $0x5  }
0x15d: {  	v6 =	vld [tilespmem:$0x5E0];
	v4 =	vshrl.u32 v42, v4;
	v19 =	vshrl.u32 v54, v51;
	v54 =	vshrl.u32 v2, $0x5  }
0x15e: {  	v60 =	vld.idx.msk [tilespmem:v44+s24+$0x0], $0xffff;
	v20 =	vshrl.u32 v56, v53;
	v30 =	vand.u32 $0x1, v30;
	v21 =	vshrl.u32 v58, v59  }
0x15f: {  	v61 =	vld.idx.msk [tilespmem:v45+s24+$0x0], $0xffff;
	v31 =	vand.u32 $0x1, v31;
	v32 =	vand.u32 $0x1, v32;
	v33 =	vand.u32 $0x1, v33  }
0x160: {  	v45 =	vld.idx.msk [tilespmem:v46+s24+$0x0], $0xffff;
	v34 =	vand.u32 $0x1, v34;
	v57 =	vand.u32 $0x1, v35;
	v36 =	vand.u32 $0x1, v36  }
0x161: {  	v46 =	vld.idx.msk [tilespmem:v47+s24+$0x0], $0xffff;
	v37 =	vand.u32 $0x1, v37;
	v30 =	vcvt.s32.f32 v30;
	v31 =	vcvt.s32.f32 v31  }
0x162: {  	v47 =	vld.idx.msk [tilespmem:v48+s24+$0x0], $0xffff;
	v22 =	vand.u32 $0x1, v22;
	v32 =	vcvt.s32.f32 v32;
	v55 =	vcvt.s32.f32 v33  }
0x163: {  	v35 =	vld.idx.msk [tilespmem:v38+s24+$0x0], $0xffff;
	v18 =	vand.u32 $0x1, v18;
	v56 =	vcvt.s32.f32 v34;
	v34 =	vcvt.s32.f32 v57  }
0x164: {  	v38 =	vld.idx.msk [tilespmem:v39+s24+$0x0], $0xffff;
	v36 =	vcvt.s32.f32 v36;
	v22 =	vcvt.s32.f32 v22;
	v19 =	vand.u32 $0x1, v19  }
0x165: {  	v39 =	vld.idx.msk [tilespmem:v40+s24+$0x0], $0xffff;
	v18 =	vcvt.s32.f32 v18;
	v20 =	vand.u32 $0x1, v20;
	v19 =	vcvt.s32.f32 v19  }
0x166: {  	v58 =	vshrl.u32 v10, $0x5;
	v33 =	vld.idx.msk [tilespmem:v49+s24+$0x0], $0xffff;
	v20 =	vcvt.s32.f32 v20;
	v30 =	vmul.f32 v30, v0  }
0x167: {  	v40 =	vand.u32 $0x1F, v15;
	v49 =	vld.idx.msk [tilespmem:v50+s24+$0x0], $0xffff;
	v31 =	vmul.f32 v31, v0;
	v32 =	vmul.f32 v32, v0  }
0x168: {  	v62 =	vshrl.u32 v9, $0x5;
	v29 =	vshrl.u32 v60, v29;
	v60 =	vcvt.s32.f32 v37;
	v37 =	vld.idx.msk [tilespmem:v41+s24+$0x0], $0xffff  }
0x169: {  	v50 =	vmul.f32 v55, v0;
	v59 =	vmul.f32 v56, v0;
	v63 =	vshrl.u32 v6, $0x5;
	v41 =	vld.idx.msk [tilespmem:v23+s24+$0x0], $0xffff  }
0x16a: {  	v57 =	vand.u32 $0x1F, v14;
	v34 =	vmul.f32 v34, v0;
	v36 =	vmul.f32 v36, v0;
	v43 =	vld.idx.msk [tilespmem:v43+s24+$0x0], $0xffff  }
0x16b: {  	v22 =	vmul.f32 v22, v0;
	v24 =	vmul.f32 v18, v0;
	v25 =	vshrl.u32 v52, v28;
	v52 =	vld.idx.msk [tilespmem:v54+s24+$0x0], $0xffff  }
0x16c: {  	v17 =	vshrl.u32 v61, v17;
	v44 =	vmul.f32 v19, v0;
	v61 =	vand.u32 $0x1, v21;
	v26 =	vld.idx.msk [tilespmem:v58+s24+$0x0], $0xffff  }
0x16d: {  	v53 =	vmul.f32 v20, v0;
	v45 =	vshrl.u32 v45, v40;
	v18 =	vcvt.s32.f32 v61;
	v28 =	vld.idx.msk [tilespmem:v62+s24+$0x0], $0xffff  }
0x16e: {  	v17 =	vand.u32 $0x1, v17;
	v48 =	vand.u32 $0x1, v45;
	v54 =	vand.u32 $0x1F, v16;
	v27 =	vld.idx.msk [tilespmem:v63+s24+$0x0], $0xffff;
	[tilespmem:$0x1380] =	vst v30  }
0x16f: {  	v58 =	vand.u32 $0x1F, v13;
	v45 =	vand.u32 $0x1F, v11;
	v8 =	vshrl.u32 v39, v8;
	[tilespmem:$0x1390] =	vst v31  }
0x170: {  	v39 =	vand.u32 $0x1F, v6;
	v23 =	vmul.f32 v60, v0;
	v55 =	vcvt.s32.f32 v48;
	[tilespmem:$0x13A0] =	vst v32  }
0x171: {  	v15 =	vld [tilespmem:$0x600];
	v21 =	vcvt.s32.f32 v17;
	v56 =	vshrl.u32 v46, v54;
	v60 =	vand.u32 $0x1F, v12;
	[tilespmem:$0x13B0] =	vst v50  }
0x172: {  	v14 =	vld [tilespmem:$0x630];
	v46 =	vand.u32 $0x1F, v7;
	v48 =	vand.u32 $0x1, v8;
	v61 =	vmul.f32 v55, v0;
	[tilespmem:$0x13C0] =	vst v59  }
0x173: {  	v16 =	vld [tilespmem:$0x620];
	v62 =	vand.u32 $0x1, v25;
	v63 =	vand.u32 $0x1, v29;
	v25 =	vmul.f32 v18, v0;
	[tilespmem:$0x13D0] =	vst v34  }
0x174: {  	v13 =	vld [tilespmem:$0x640];
	v31 =	vmul.f32 v21, v0;
	v18 =	vand.u32 $0x1, v56;
	v21 =	vshrl.u32 v33, v58;
	[tilespmem:$0x13E0] =	vst v36  }
0x175: {  	v11 =	vld [tilespmem:$0x690];
	[tilespmem:$0x1400] =	vst v22;
	v22 =	vshrl.u32 v38, v46;
	v51 =	vshrl.u32 v37, v5;
	v56 =	vand.u32 $0x1F, v3  }
0x176: {  	v6 =	vld [tilespmem:$0x770];
	[tilespmem:$0x13F0] =	vst v23;
	v58 =	vand.u32 $0x1F, v2;
	v37 =	vand.u32 $0x1F, v9;
	v19 =	vcvt.s32.f32 v62  }
0x177: {  	v17 =	vld [tilespmem:$0x610];
	[tilespmem:$0x1410] =	vst v24;
	v20 =	vcvt.s32.f32 v63;
	v59 =	vcvt.s32.f32 v18;
	v21 =	vand.u32 $0x1, v21  }
0x178: {  	v12 =	vld [tilespmem:$0x660];
	[tilespmem:$0x1420] =	vst v44;
	v62 =	vshrl.u32 v49, v60;
	v22 =	vand.u32 $0x1, v22;
	v54 =	vand.u32 $0x1, v51  }
0x179: {  	v7 =	vld [tilespmem:$0x6A0];
	[tilespmem:$0x1430] =	vst v53;
	v21 =	vcvt.s32.f32 v21;
	v36 =	vand.u32 $0x1, v62;
	v49 =	vcvt.s32.f32 v22  }
0x17a: {  	v8 =	vld [tilespmem:$0x6C0];
	[tilespmem:$0x1480] =	vst v61;
	v55 =	vcvt.s32.f32 v54;
	v62 =	vand.u32 $0x1F, v1;
	v29 =	vmul.f32 v19, v0  }
0x17b: {  	v5 =	vld [tilespmem:$0x6E0];
	[tilespmem:$0x1440] =	vst v25;
	v30 =	vmul.f32 v20, v0;
	v19 =	vshrl.u32 v47, v57;
	v32 =	vmul.f32 v59, v0  }
0x17c: {  	v3 =	vld [tilespmem:$0x700];
	[tilespmem:$0x1470] =	vst v31;
	v23 =	vcvt.s32.f32 v36;
	v57 =	vshrl.u32 v41, v56;
	v59 =	vand.u32 $0x1, v4  }
0x17d: {  	v2 =	vld [tilespmem:$0x710];
	v19 =	vand.u32 $0x1, v19;
	v40 =	vmul.f32 v21, v0;
	v33 =	vcvt.s32.f32 v59;
	[tilespmem:$0x1450] =	vst v29  }
0x17e: {  	v24 =	vld [tilespmem:$0x730];
	v21 =	vshrl.u32 v35, v45;
	v60 =	vmul.f32 v55, v0;
	v19 =	vcvt.s32.f32 v19;
	[tilespmem:$0x1460] =	vst v30  }
0x17f: {  	v9 =	vld [tilespmem:$0x760];
	v35 =	vand.u32 $0x1, v21;
	v50 =	vmul.f32 v23, v0;
	v29 =	vmul.f32 v49, v0;
	[tilespmem:$0x1490] =	vst v32  }
0x180: {  	v18 =	vld [tilespmem:$0x650];
	v32 =	vand.u32 $0x1, v57;
	v28 =	vshrl.u32 v28, v37;
	v47 =	vcvt.s32.f32 v35;
	[tilespmem:$0x14B0] =	vst v40  }
0x181: {  	v22 =	vld [tilespmem:$0x6D0];
	v27 =	vshrl.u32 v27, v39;
	v35 =	vcvt.s32.f32 v48;
	v32 =	vcvt.s32.f32 v32;
	[tilespmem:$0x1500] =	vst v60  }
0x182: {  	v1 =	vld [tilespmem:$0x740];
	v33 =	vmul.f32 v33, v0;
	v28 =	vand.u32 $0x1, v28;
	v40 =	vand.u32 $0x1F, v10;
	[tilespmem:$0x14C0] =	vst v50  }
0x183: {  	v20 =	vld [tilespmem:$0x670];
	v27 =	vand.u32 $0x1, v27;
	v63 =	vmul.f32 v19, v0;
	[tilespmem:$0x14E0] =	vst v29;
	v28 =	vcvt.s32.f32 v28  }
0x184: {  	v4 =	vld [tilespmem:$0x720];
	v30 =	vshrl.u32 v26, v40;
	v41 =	vcvt.s32.f32 v27;
	v25 =	vmul.f32 v47, v0;
	[tilespmem:$0x1520] =	vst v33  }
0x185: {  	v21 =	vld [tilespmem:$0x6B0];
	v53 =	vmul.f32 v35, v0;
	v35 =	vshrl.u32 v52, v58;
	v32 =	vmul.f32 v32, v0;
	[tilespmem:$0x14A0] =	vst v63  }
0x186: {  	v23 =	vld [tilespmem:$0x6F0];
	v30 =	vand.u32 $0x1, v30;
	v35 =	vand.u32 $0x1, v35;
	v28 =	vmul.f32 v28, v0;
	[tilespmem:$0x14D0] =	vst v25  }
0x187: {  	v10 =	vld [tilespmem:$0x780];
	v42 =	vcvt.s32.f32 v30;
	v61 =	vcvt.s32.f32 v35;
	v35 =	vshrl.u32 v43, v62;
	[tilespmem:$0x14F0] =	vst v53  }
0x188: {  	v19 =	vld [tilespmem:$0x680];
	v44 =	vmul.f32 v41, v0;
	[tilespmem:$0x1510] =	vst v32;
	v36 =	vand.u32 $0x1, v35  }
0x189: {  	v26 =	vld [tilespmem:$0x790];
	v43 =	vshrl.u32 v15, $0x5;
	[tilespmem:$0x1550] =	vst v28;
	v46 =	vmul.f32 v42, v0;
	v38 =	vcvt.s32.f32 v36  }
0x18a: {  	v45 =	vshrl.u32 v17, $0x5;
	v27 =	vld [tilespmem:$0x7A0];
	[tilespmem:$0x1560] =	vst v44;
	v63 =	vmul.f32 v61, v0  }
0x18b: {  	v29 =	vld [tilespmem:$0x7D0];
	v47 =	vshrl.u32 v16, $0x5;
	[tilespmem:$0x1570] =	vst v46;
	v31 =	vmul.f32 v38, v0  }
0x18c: {  	v48 =	vshrl.u32 v14, $0x5;
	v30 =	vld [tilespmem:$0x7B0];
	[tilespmem:$0x1530] =	vst v63  }
0x18d: {  	v49 =	vshrl.u32 v13, $0x5;
	v25 =	vld [tilespmem:$0x750];
	[tilespmem:$0x1540] =	vst v31  }
0x18e: {  	v50 =	vshrl.u32 v18, $0x5;
	v33 =	vld.idx.msk [tilespmem:v43+s24+$0x0], $0xffff  }
0x18f: {  	v51 =	vshrl.u32 v12, $0x5;
	v54 =	vshrl.u32 v11, $0x5;
	v34 =	vld.idx.msk [tilespmem:v45+s24+$0x0], $0xffff  }
0x190: {  	v12 =	vand.u32 $0x1F, v12;
	v11 =	vand.u32 $0x1F, v11;
	v52 =	vshrl.u32 v20, $0x5;
	v35 =	vld.idx.msk [tilespmem:v47+s24+$0x0], $0xffff  }
0x191: {  	v55 =	vshrl.u32 v7, $0x5;
	v17 =	vand.u32 $0x1F, v17;
	v53 =	vshrl.u32 v19, $0x5;
	v36 =	vld.idx.msk [tilespmem:v48+s24+$0x0], $0xffff  }
0x192: {  	v7 =	vand.u32 $0x1F, v7;
	v57 =	vshrl.u32 v8, $0x5;
	v59 =	vshrl.u32 v5, $0x5;
	v37 =	vld.idx.msk [tilespmem:v49+s24+$0x0], $0xffff  }
0x193: {  	v13 =	vand.u32 $0x1F, v13;
	v8 =	vand.u32 $0x1F, v8;
	v5 =	vand.u32 $0x1F, v5;
	v38 =	vld.idx.msk [tilespmem:v50+s24+$0x0], $0xffff  }
0x194: {  	v14 =	vand.u32 $0x1F, v14;
	v18 =	vand.u32 $0x1F, v18;
	v56 =	vshrl.u32 v21, $0x5;
	v39 =	vld.idx.msk [tilespmem:v51+s24+$0x0], $0xffff  }
0x195: {  	v58 =	vshrl.u32 v22, $0x5;
	v16 =	vand.u32 $0x1F, v16;
	v20 =	vand.u32 $0x1F, v20;
	v40 =	vld.idx.msk [tilespmem:v52+s24+$0x0], $0xffff  }
0x196: {  	v22 =	vand.u32 $0x1F, v22;
	v15 =	vand.u32 $0x1F, v15;
	v60 =	vshrl.u32 v23, $0x5;
	v41 =	vld.idx.msk [tilespmem:v53+s24+$0x0], $0xffff  }
0x197: {  	v62 =	vshrl.u32 v3, $0x5;
	v21 =	vand.u32 $0x1F, v21;
	v23 =	vand.u32 $0x1F, v23;
	v42 =	vld.idx.msk [tilespmem:v54+s24+$0x0], $0xffff  }
0x198: {  	v3 =	vand.u32 $0x1F, v3;
	v19 =	vand.u32 $0x1F, v19;
	v63 =	vshrl.u32 v2, $0x5;
	v43 =	vld.idx.msk [tilespmem:v55+s24+$0x0], $0xffff  }
0x199: {  	v2 =	vand.u32 $0x1F, v2;
	v61 =	vld.idx.msk [tilespmem:v56+s24+$0x0], $0xffff;
	v49 =	vshrl.u32 v4, $0x5;
	v50 =	vshrl.u32 v24, $0x5  }
0x19a: {  	v48 =	vld.idx.msk [tilespmem:v58+s24+$0x0], $0xffff;
	v51 =	vshrl.u32 v1, $0x5;
	v52 =	vshrl.u32 v25, $0x5;
	v53 =	vshrl.u32 v9, $0x5  }
0x19b: {  	v47 =	vld.idx.msk [tilespmem:v59+s24+$0x0], $0xffff;
	v54 =	vshrl.u32 v6, $0x5;
	v55 =	vshrl.u32 v10, $0x5;
	v56 =	vshrl.u32 v26, $0x5  }
0x19c: {  	v44 =	vld.idx.msk [tilespmem:v62+s24+$0x0], $0xffff;
	v58 =	vshrl.u32 v27, $0x5;
	v59 =	vshrl.u32 v30, $0x5;
	v62 =	vshrl.u32 v29, $0x5  }
0x19d: {  	v4 =	vand.u32 $0x1F, v4;
	v24 =	vand.u32 $0x1F, v24;
	v1 =	vand.u32 $0x1F, v1  }
0x19e: {  	v32 =	vld [tilespmem:$0x7C0];
	v25 =	vand.u32 $0x1F, v25;
	v9 =	vand.u32 $0x1F, v9;
	v6 =	vand.u32 $0x1F, v6  }
0x19f: {  	v45 =	vld.idx.msk [tilespmem:v57+s24+$0x0], $0xffff;
	v10 =	vand.u32 $0x1F, v10;
	v26 =	vand.u32 $0x1F, v26;
	v27 =	vand.u32 $0x1F, v27  }
0x1a0: {  	v31 =	vld [tilespmem:$0x7E0];
	v30 =	vand.u32 $0x1F, v30;
	v15 =	vshrl.u32 v33, v15;
	v17 =	vshrl.u32 v34, v17  }
0x1a1: {  	v28 =	vld [tilespmem:$0x7F0];
	v16 =	vshrl.u32 v35, v16;
	v14 =	vshrl.u32 v36, v14;
	v13 =	vshrl.u32 v37, v13  }
0x1a2: {  	v18 =	vshrl.u32 v38, v18;
	v33 =	vld.idx.msk [tilespmem:v60+s24+$0x0], $0xffff;
	v12 =	vshrl.u32 v39, v12;
	v20 =	vshrl.u32 v40, v20  }
0x1a3: {  	v35 =	vld.idx.msk [tilespmem:v63+s24+$0x0], $0xffff;
	v11 =	vshrl.u32 v42, v11;
	v7 =	vshrl.u32 v43, v7;
	v21 =	vshrl.u32 v61, v21  }
0x1a4: {  	v46 =	vld.idx.msk [tilespmem:v49+s24+$0x0], $0xffff;
	v8 =	vshrl.u32 v45, v8;
	v22 =	vshrl.u32 v48, v22;
	v61 =	vshrl.u32 v32, $0x5  }
0x1a5: {  	v37 =	vld.idx.msk [tilespmem:v50+s24+$0x0], $0xffff;
	v5 =	vshrl.u32 v47, v5;
	v48 =	vshrl.u32 v31, $0x5;
	v3 =	vshrl.u32 v44, v3  }
0x1a6: {  	v38 =	vld.idx.msk [tilespmem:v51+s24+$0x0], $0xffff;
	v51 =	vshrl.u32 v28, $0x5;
	v15 =	vand.u32 $0x1, v15;
	v17 =	vand.u32 $0x1, v17  }
0x1a7: {  	v57 =	vld.idx.msk [tilespmem:v52+s24+$0x0], $0xffff;
	v16 =	vand.u32 $0x1, v16;
	v14 =	vand.u32 $0x1, v14;
	v13 =	vand.u32 $0x1, v13  }
0x1a8: {  	v40 =	vld.idx.msk [tilespmem:v53+s24+$0x0], $0xffff;
	v12 =	vand.u32 $0x1, v12;
	v11 =	vand.u32 $0x1, v11;
	v15 =	vcvt.s32.f32 v15  }
0x1a9: {  	v60 =	vld.idx.msk [tilespmem:v54+s24+$0x0], $0xffff;
	v7 =	vand.u32 $0x1, v7;
	v17 =	vcvt.s32.f32 v17;
	v16 =	vcvt.s32.f32 v16  }
0x1aa: {  	v42 =	vld.idx.msk [tilespmem:v55+s24+$0x0], $0xffff;
	v8 =	vand.u32 $0x1, v8;
	v14 =	vcvt.s32.f32 v14;
	v13 =	vcvt.s32.f32 v13  }
0x1ab: {  	v63 =	vld.idx.msk [tilespmem:v56+s24+$0x0], $0xffff;
	v5 =	vand.u32 $0x1, v5;
	v12 =	vcvt.s32.f32 v12;
	v11 =	vcvt.s32.f32 v11  }
0x1ac: {  	v49 =	vld.idx.msk [tilespmem:v58+s24+$0x0], $0xffff;
	v3 =	vand.u32 $0x1, v3;
	v7 =	vcvt.s32.f32 v7;
	v8 =	vcvt.s32.f32 v8  }
0x1ad: {  	v29 =	vand.u32 $0x1F, v29;
	v50 =	vld.idx.msk [tilespmem:v59+s24+$0x0], $0xffff;
	v5 =	vcvt.s32.f32 v5;
	v3 =	vcvt.s32.f32 v3  }
0x1ae: {  	v19 =	vshrl.u32 v41, v19;
	v53 =	vld.idx.msk [tilespmem:v62+s24+$0x0], $0xffff;
	v15 =	vmul.f32 v15, v0;
	v17 =	vmul.f32 v17, v0  }
0x1af: {  	v32 =	vand.u32 $0x1F, v32;
	v56 =	vmul.f32 v16, v0;
	v14 =	vmul.f32 v14, v0;
	v52 =	vld.idx.msk [tilespmem:v61+s24+$0x0], $0xffff  }
0x1b0: {  	v31 =	vand.u32 $0x1F, v31;
	v13 =	vmul.f32 v13, v0;
	v12 =	vmul.f32 v12, v0;
	v54 =	vld.idx.msk [tilespmem:v48+s24+$0x0], $0xffff  }
0x1b1: {  	v58 =	vand.u32 $0x1, v20;
	v11 =	vmul.f32 v11, v0;
	v7 =	vmul.f32 v7, v0;
	v55 =	vld.idx.msk [tilespmem:v51+s24+$0x0], $0xffff;
	[tilespmem:$0x1580] =	vst v15  }
0x1b2: {  	v5 =	vmul.f32 v5, v0;
	v3 =	vmul.f32 v3, v0;
	v23 =	vshrl.u32 v33, v23;
	[tilespmem:$0x1590] =	vst v17  }
0x1b3: {  	v2 =	vshrl.u32 v35, v2;
	v4 =	vshrl.u32 v46, v4;
	v24 =	vshrl.u32 v37, v24;
	[tilespmem:$0x15A0] =	vst v56  }
0x1b4: {  	v1 =	vshrl.u32 v38, v1;
	v25 =	vshrl.u32 v57, v25;
	v9 =	vshrl.u32 v40, v9;
	[tilespmem:$0x15B0] =	vst v14  }
0x1b5: {  	v6 =	vshrl.u32 v60, v6;
	v10 =	vshrl.u32 v42, v10;
	v26 =	vshrl.u32 v63, v26;
	[tilespmem:$0x15C0] =	vst v13  }
0x1b6: {  	v27 =	vshrl.u32 v49, v27;
	v30 =	vshrl.u32 v50, v30;
	v57 =	vand.u32 $0x1, v18;
	[tilespmem:$0x15E0] =	vst v12  }
0x1b7: {  	v60 =	vand.u32 $0x1, v19;
	v19 =	vmul.f32 v8, v0;
	v16 =	vcvt.s32.f32 v57;
	[tilespmem:$0x1610] =	vst v11  }
0x1b8: {  	v15 =	vcvt.s32.f32 v58;
	v61 =	vcvt.s32.f32 v60;
	v17 =	vand.u32 $0x1, v22;
	[tilespmem:$0x1620] =	vst v7  }
0x1b9: {  	v20 =	vand.u32 $0x1, v23;
	v2 =	vand.u32 $0x1, v2;
	[tilespmem:$0x1660] =	vst v5;
	v12 =	vcvt.s32.f32 v17  }
0x1ba: {  	v4 =	vand.u32 $0x1, v4;
	[tilespmem:$0x1680] =	vst v3;
	v8 =	vcvt.s32.f32 v20;
	v59 =	vmul.f32 v16, v0  }
0x1bb: {  	v23 =	vand.u32 $0x1, v24;
	[tilespmem:$0x1640] =	vst v19;
	v2 =	vcvt.s32.f32 v2;
	v62 =	vmul.f32 v15, v0  }
0x1bc: {  	v1 =	vand.u32 $0x1, v1;
	v4 =	vcvt.s32.f32 v4;
	v63 =	vmul.f32 v61, v0;
	[tilespmem:$0x15D0] =	vst v59  }
0x1bd: {  	v5 =	vcvt.s32.f32 v23;
	v16 =	vand.u32 $0x1, v21;
	v21 =	vmul.f32 v12, v0;
	[tilespmem:$0x15F0] =	vst v62  }
0x1be: {  	v34 =	vand.u32 $0x1, v9;
	v1 =	vcvt.s32.f32 v1;
	v22 =	vmul.f32 v8, v0;
	[tilespmem:$0x1600] =	vst v63  }
0x1bf: {  	v36 =	vand.u32 $0x1, v6;
	v35 =	vcvt.s32.f32 v34;
	v2 =	vmul.f32 v2, v0;
	[tilespmem:$0x1650] =	vst v21  }
0x1c0: {  	v39 =	vand.u32 $0x1, v10;
	v38 =	vcvt.s32.f32 v36;
	v24 =	vmul.f32 v4, v0;
	[tilespmem:$0x1670] =	vst v22  }
0x1c1: {  	v42 =	vand.u32 $0x1, v26;
	v41 =	vcvt.s32.f32 v39;
	v33 =	vmul.f32 v5, v0;
	[tilespmem:$0x1690] =	vst v2  }
0x1c2: {  	v45 =	vand.u32 $0x1, v27;
	v44 =	vcvt.s32.f32 v42;
	v1 =	vmul.f32 v1, v0;
	[tilespmem:$0x16A0] =	vst v24  }
0x1c3: {  	v48 =	vand.u32 $0x1, v30;
	v47 =	vcvt.s32.f32 v45;
	v40 =	vmul.f32 v35, v0;
	[tilespmem:$0x16B0] =	vst v33  }
0x1c4: {  	v28 =	vand.u32 $0x1F, v28;
	v50 =	vcvt.s32.f32 v48;
	v43 =	vmul.f32 v38, v0;
	[tilespmem:$0x16C0] =	vst v1  }
0x1c5: {  	v25 =	vand.u32 $0x1, v25;
	v13 =	vcvt.s32.f32 v16;
	v46 =	vmul.f32 v41, v0;
	[tilespmem:$0x16E0] =	vst v40  }
0x1c6: {  	v29 =	vshrl.u32 v53, v29;
	v4 =	vcvt.s32.f32 v25;
	v49 =	vmul.f32 v44, v0;
	[tilespmem:$0x16F0] =	vst v43  }
0x1c7: {  	v32 =	vshrl.u32 v52, v32;
	v31 =	vshrl.u32 v54, v31;
	v52 =	vmul.f32 v47, v0;
	[tilespmem:$0x1700] =	vst v46  }
0x1c8: {  	v28 =	vshrl.u32 v55, v28;
	v54 =	vand.u32 $0x1, v29;
	v55 =	vmul.f32 v50, v0;
	[tilespmem:$0x1710] =	vst v49  }
0x1c9: {  	v18 =	vmul.f32 v13, v0;
	v51 =	vand.u32 $0x1, v32;
	v56 =	vcvt.s32.f32 v54;
	[tilespmem:$0x1720] =	vst v52  }
0x1ca: {  	v37 =	vmul.f32 v4, v0;
	v57 =	vand.u32 $0x1, v31;
	v53 =	vcvt.s32.f32 v51;
	[tilespmem:$0x1730] =	vst v55  }
0x1cb: {  	v60 =	vand.u32 $0x1, v28;
	v59 =	vcvt.s32.f32 v57;
	[tilespmem:$0x1630] =	vst v18;
	v61 =	vmul.f32 v56, v0  }
0x1cc: {  	v62 =	vcvt.s32.f32 v60;
	[tilespmem:$0x16D0] =	vst v37;
	v58 =	vmul.f32 v53, v0  }
0x1cd: {  	v63 =	vmul.f32 v59, v0;
	[tilespmem:$0x1750] =	vst v61  }
0x1ce: {  	v0 =	vmul.f32 v62, v0;
	[tilespmem:$0x1740] =	vst v58  }
0x1cf: {  	[tilespmem:$0x1760] =	vst v63  }
0x1d0: {  	s30 =	simm.s32 $0x1380;
	s31 =	simm.s32 $0x4;
	s29 =	sadd.s32 $0x880, s4;
	[tilespmem:$0x1770] =	vst v0  }
0x1d1: {  	[hbm4b:s29+s2] =	stream.linear.scatter [tilespmem:s30], [sflag:$0x4], $0x400, $0x38;
	[tilespmem:$0x1780] =	vst v63  }
0x1d2: {  	_ =	swait.ge [sflag:s31], $0x400  }
0x1d3: {  	[sflag:s31] =	ssyncset.done $0x0  }
0x1d4: {  	[sflag:s31] =	ssyncadd.s32 $0xFFFFFC00  }
0x1d5: {  	_ =	swait.ge [sflag:s31], $0x400  }
0x1d6: {  	[sflag:s31] =	ssyncset.done $0x0  }
0x1d7: {  	[sflag:s31] =	ssyncadd.s32 $0xFFFFFC00  }
0x1d8: {  	_ =	sfence.sel $0x180000  }
0x1d9: {  	[bflag:$0x0] =	sbarrier.arrive $0xFFFF  }
0x1da: {  	p0 =	sne.s32 s1, $0x0;
	_ =	strace $0x90000047  }
0x1db: {  	s0 =	sadd.s32 @!p0 $0x100000, s0;
	[bflag:$0x2] =	sbarrier.arrive $0xFFFF  }
0x1dc: {  	[sflag:s0] =	ssyncadd.tile.s32 @!p0 $0x1;
	_ =	shalt  }
.Lfunc_end2:
_tile_overlayer_lowered:
.L_overlay_start_2:
0x1dd: {  	(tag) =	ssettag $0x2  }
0x1de: {  	s0 =	rddreg [dreg:$0x0];
	s2 =	stileid.u32  }
0x1df: {  	s1 =	rddreg [dreg:$0x1];
	p0 =	sne.s32 s2, $0x0  }
0x1e0: {  	s3 =	rddreg [dreg:$0x2];
	[bflag:$0x3] =	sbarrier.arrive $0xFFFF;
	s2 =	simm.s32 @!p0 $0x1C05  }
0x1e1: {  	[timem:s3], [sflag:s2] =	dma.local @!p0 [hbm:s0], s1  }
0x1e2: {  	s0 =	simm.s32 @!p0 $0x5  }
0x1e3: {  	_ =	swait.ge @!p0 [sflag:s0], s1  }
0x1e4: {  	s1 =	ssub.s32 @!p0 $0x0, s1;
	[sflag:s0] =	ssyncset.done @!p0 $0x0  }
0x1e5: {  	[sflag:s0] =	ssyncadd.s32 @!p0 s1  }
0x1e6: {  	[bflag:$0x3] =	sbarrier.arrive $0xFFFF  }
0x1e7: {  	_ =	shalt  }

</sc_bundles>
